<compile_context>
chip_gen: v7x
topology: tpu7x:2x2x1
jax: 0.10.2.dev20260603
libtpu: 0.0.44.dev20260713+nightly
codegen_flags: <defaults>
</compile_context>

<pallas_src>
import functools

import jax
import jax.numpy as jnp
from jax import lax
from jax.experimental import pallas as pl
from jax.experimental.pallas import tpu as pltpu
from jax.experimental.pallas import tpu_sc as plsc

_B = 128
_L1, _L2 = 512, 512
_H = _L2 // 2

_NC, _NS = 2, 16
_NW = _NC * _NS
_NB_W = _B // _NW
_NR = 16
_NCH = _L1 // _NR
_NT = _NB_W * _NCH

_mesh = plsc.VectorSubcoreMesh(core_axis_name="c", subcore_axis_name="s")


@functools.partial(
    pl.kernel,
    out_type=jax.ShapeDtypeStruct((_B, _L1, _L2), jnp.float32),
    mesh=_mesh,
    scratch_types=[
        pltpu.VMEM((_NR * _H,), jnp.float32),
        pltpu.VMEM((_NR * _H,), jnp.float32),
        pltpu.VMEM((_NR * _H,), jnp.float32),
        pltpu.VMEM((_NR * _H,), jnp.float32),
        pltpu.VMEM((_NR, _L2), jnp.float32),
        pltpu.VMEM((_NR, _L2), jnp.float32),
        pltpu.SemaphoreType.DMA,
        pltpu.SemaphoreType.DMA,
        pltpu.SemaphoreType.DMA,
        pltpu.SemaphoreType.DMA,
    ],
    compiler_params=pltpu.CompilerParams(needs_layout_passes=False),
)
def _sc_restore(a_hbm, b_hbm, out_hbm,
                a_v0, a_v1, b_v0, b_v1, o_v0, o_v1,
                si0, si1, so0, so1):
    cid = lax.axis_index("c")
    sid = lax.axis_index("s")
    wid = sid * _NC + cid
    a_bufs = (a_v0, a_v1)
    b_bufs = (b_v0, b_v1)
    o_bufs = (o_v0, o_v1)
    si = (si0, si1)
    so = (so0, so1)

    def a_src(t):
        batch = wid * _NB_W + t // _NCH
        r0 = (t % _NCH) * _NR
        return a_hbm.at[batch, pl.ds(r0 * _H, _NR * _H)]

    def b_src(t):
        batch = wid * _NB_W + t // _NCH
        r0 = (t % _NCH) * _NR
        return b_hbm.at[batch, pl.ds(r0 * _H, _NR * _H)]

    def o_dst(t):
        batch = wid * _NB_W + t // _NCH
        r0 = (t % _NCH) * _NR
        return out_hbm.at[batch, pl.ds(r0, _NR)]

    def issue_in(t, s):
        pltpu.async_copy(a_src(t), a_bufs[s], si[s])
        pltpu.async_copy(b_src(t), b_bufs[s], si[s])

    def wait_in(t, s):
        pltpu.make_async_copy(a_src(t), a_bufs[s], si[s]).wait()
        pltpu.make_async_copy(b_src(t), b_bufs[s], si[s]).wait()

    issue_in(0, 0)
    issue_in(1, 1)

    iota16 = lax.iota(jnp.int32, 16)
    idx_lo = (iota16 >> 1)[:, None]
    idx_hi = (8 + (iota16 >> 1))[:, None]
    even_lane = (iota16 & 1) == 0
    _dn = lax.GatherDimensionNumbers(
        offset_dims=(), collapsed_slice_dims=(0,), start_index_map=(0,))

    def _take16(v, idx):
        return lax.gather(v, idx, _dn, slice_sizes=(1,),
                          mode=lax.GatherScatterMode.PROMISE_IN_BOUNDS)

    def interleave_chunk(a_v, b_v, o_v):
        def pair_body(r2, carry2):
            r = 2 * r2
            for p in range(2):
                abase = (r + p) * _H
                for i in range(_H // 16):
                    av = a_v[pl.ds(abase + 16 * i, 16)]
                    bv = b_v[pl.ds(abase + 16 * i, 16)]
                    ga_lo = _take16(av, idx_lo)
                    gb_lo = _take16(bv, idx_lo)
                    ga_hi = _take16(av, idx_hi)
                    gb_hi = _take16(bv, idx_hi)
                    if p == 0:
                        lo = jnp.where(even_lane, ga_lo, gb_lo)
                        hi = jnp.where(even_lane, ga_hi, gb_hi)
                    else:
                        lo = jnp.where(even_lane, gb_lo, ga_lo)
                        hi = jnp.where(even_lane, gb_hi, ga_hi)
                    o_v[r + p, pl.ds(32 * i, 16)] = lo
                    o_v[r + p, pl.ds(32 * i + 16, 16)] = hi
            return carry2

        lax.fori_loop(0, _NR // 2, pair_body, 0)

    def step(g, carry):
        for s in range(2):
            t = 2 * g + s
            wait_in(t, s)

            @pl.when(t >= 2)
            def _():
                pltpu.make_async_copy(o_bufs[s], o_dst(t - 2), so[s]).wait()

            interleave_chunk(a_bufs[s], b_bufs[s], o_bufs[s])
            pltpu.async_copy(o_bufs[s], o_dst(t), so[s])

            @pl.when(t + 2 < _NT)
            def _():
                issue_in(t + 2, s)

        return carry

    lax.fori_loop(0, _NT // 2, step, 0)
    pltpu.make_async_copy(o_bufs[0], o_dst(_NT - 2), so[0]).wait()
    pltpu.make_async_copy(o_bufs[1], o_dst(_NT - 1), so[1]).wait()


def kernel(phi_a, phi_b):
    return _sc_restore(phi_a, phi_b)

# --- scband reference (transcript-rebuilt; emitter-appended) ---
"""Pipeline reference for scband-geometry-79800492360296 (READ-ONLY COPY).

The authoritative reference and input builder live on the scoring server;
editing this copy changes nothing except your own understanding.
"""

import jax, jax.numpy as jnp
import numpy as np

LATTICE = (512, 512)
BATCH = 128

# checkerboard mask: True where (i + j) is even
_mask_np = (np.indices(LATTICE).sum(axis=0) % 2) == 0
_ra, _ca = np.nonzero(_mask_np)
_rb, _cb = np.nonzero(~_mask_np)
ROWS_A = jnp.asarray(_ra, dtype=jnp.int32)
COLS_A = jnp.asarray(_ca, dtype=jnp.int32)
ROWS_B = jnp.asarray(_rb, dtype=jnp.int32)
COLS_B = jnp.asarray(_cb, dtype=jnp.int32)


def setup_inputs(seed: int = 0) -> dict:
    key = jax.random.key(seed)
    k1, k2 = jax.random.split(key)
    n_half = LATTICE[0] * LATTICE[1] // 2
    phi_a = jax.random.normal(k1, (BATCH, n_half), dtype=jnp.float32)
    phi_b = jax.random.normal(k2, (BATCH, n_half), dtype=jnp.float32)
    return {"phi_a": phi_a, "phi_b": phi_b}


def reference(phi_a, phi_b):
    # Geometry.restore: scatter-overwrite the two checkerboard partitions
    # back into the full lattice. Equivalent to:
    #   phi = empty((B, L1, L2)); phi[:, mask] = phi_a; phi[:, ~mask] = phi_b
    B = phi_a.shape[0]
    phi = jnp.zeros((B,) + LATTICE, dtype=phi_a.dtype)
    phi = phi.at[:, ROWS_A, COLS_A].set(phi_a)
    phi = phi.at[:, ROWS_B, COLS_B].set(phi_b)
    return phi

if __name__ == "__main__":
    import jax
    _d = setup_inputs()
    print(jax.jit(kernel)(*tuple(_d.values())))

</pallas_src>

<mosaic_0001>
#map = affine_map<(d0, d1) -> (0, 0)>
#map1 = affine_map<(d0, d1) -> (0, 0, 0)>
module attributes {stable_mosaic.version = 14 : i64} {
  func.func @_sc_restore(%arg0: i32, %arg1: i32, %arg2: memref<128x131072xf32, #tpu.memory_space<hbm>>, %arg3: memref<128x131072xf32, #tpu.memory_space<hbm>>, %arg4: memref<128x512x512xf32, #tpu.memory_space<hbm>>, %arg5: memref<4096xf32, #tpu.memory_space<vmem>>, %arg6: memref<4096xf32, #tpu.memory_space<vmem>>, %arg7: memref<4096xf32, #tpu.memory_space<vmem>>, %arg8: memref<4096xf32, #tpu.memory_space<vmem>>, %arg9: memref<16x512xf32, #tpu.memory_space<vmem>>, %arg10: memref<16x512xf32, #tpu.memory_space<vmem>>, %arg11: memref<!tpu.dma_semaphore, #tpu.memory_space<semaphore_mem>>, %arg12: memref<!tpu.dma_semaphore, #tpu.memory_space<semaphore_mem>>, %arg13: memref<!tpu.dma_semaphore, #tpu.memory_space<semaphore_mem>>, %arg14: memref<!tpu.dma_semaphore, #tpu.memory_space<semaphore_mem>>) attributes {dimension_semantics = [#tpu.dimension_semantics<core_parallel>, #tpu.dimension_semantics<subcore_parallel>], iteration_bounds = array<i64: 2, 16>, scalar_prefetch = 0 : i64, scratch_operands = 10 : i64, tpu.core_type = #tpu.core_type<sc_vector_subcore>, window_params = [{transform_indices = #map}, {transform_indices = #map}, {transform_indices = #map1}]} {
    %mul3A = arith.constant 2 : i32
    %mul3A_0 = arith.muli %arg1, %mul3A : i32
    %add3A = arith.addi %mul3A_0, %arg0 : i32
    %mul3A_1 = arith.constant 4 : i32
    %mul3A_2 = arith.muli %add3A, %mul3A_1 : i32
    %add3A_3 = arith.constant 0 : i32
    %add3A_4 = arith.addi %mul3A_2, %add3A_3 : i32
    %dma_start3A = arith.constant 0 : i32
    %dma_start3A_5 = tpu.memref_slice %arg2[%add3A_4, %dma_start3A] : memref<128x131072xf32, #tpu.memory_space<hbm>> -> memref<1x4096xf32, #tpu.memory_space<hbm>>
    %dma_start3A_6 = tpu.memref_squeeze %dma_start3A_5 : memref<1x4096xf32, #tpu.memory_space<hbm>> -> memref<4096xf32, #tpu.memory_space<hbm>>
    %dma_start3A_7 = arith.constant 0 : i32
    %dma_start3A_8 = tpu.memref_slice %arg2[%add3A_4, %dma_start3A_7] : memref<128x131072xf32, #tpu.memory_space<hbm>> -> memref<1x4096xf32, #tpu.memory_space<hbm>>
    %dma_start3A_9 = tpu.memref_squeeze %dma_start3A_8 : memref<1x4096xf32, #tpu.memory_space<hbm>> -> memref<4096xf32, #tpu.memory_space<hbm>>
    tpu.enqueue_dma source(%dma_start3A_9 : memref<4096xf32, #tpu.memory_space<hbm>>) target(%arg5 : memref<4096xf32, #tpu.memory_space<vmem>>) target_semaphore(%arg11 : memref<!tpu.dma_semaphore, #tpu.memory_space<semaphore_mem>>)
    %mul3A_10 = arith.constant 4 : i32
    %mul3A_11 = arith.muli %add3A, %mul3A_10 : i32
    %add3A_12 = arith.constant 0 : i32
    %add3A_13 = arith.addi %mul3A_11, %add3A_12 : i32
    %dma_start3A_14 = arith.constant 0 : i32
    %dma_start3A_15 = tpu.memref_slice %arg3[%add3A_13, %dma_start3A_14] : memref<128x131072xf32, #tpu.memory_space<hbm>> -> memref<1x4096xf32, #tpu.memory_space<hbm>>
    %dma_start3A_16 = tpu.memref_squeeze %dma_start3A_15 : memref<1x4096xf32, #tpu.memory_space<hbm>> -> memref<4096xf32, #tpu.memory_space<hbm>>
    %dma_start3A_17 = arith.constant 0 : i32
    %dma_start3A_18 = tpu.memref_slice %arg3[%add3A_13, %dma_start3A_17] : memref<128x131072xf32, #tpu.memory_space<hbm>> -> memref<1x4096xf32, #tpu.memory_space<hbm>>
    %dma_start3A_19 = tpu.memref_squeeze %dma_start3A_18 : memref<1x4096xf32, #tpu.memory_space<hbm>> -> memref<4096xf32, #tpu.memory_space<hbm>>
    tpu.enqueue_dma source(%dma_start3A_19 : memref<4096xf32, #tpu.memory_space<hbm>>) target(%arg7 : memref<4096xf32, #tpu.memory_space<vmem>>) target_semaphore(%arg11 : memref<!tpu.dma_semaphore, #tpu.memory_space<semaphore_mem>>)
    %mul3A_20 = arith.constant 4 : i32
    %mul3A_21 = arith.muli %add3A, %mul3A_20 : i32
    %add3A_22 = arith.constant 0 : i32
    %add3A_23 = arith.addi %mul3A_21, %add3A_22 : i32
    %dma_start3A_24 = arith.constant 4096 : i32
    %dma_start3A_25 = tpu.memref_slice %arg2[%add3A_23, %dma_start3A_24] : memref<128x131072xf32, #tpu.memory_space<hbm>> -> memref<1x4096xf32, #tpu.memory_space<hbm>>
    %dma_start3A_26 = tpu.memref_squeeze %dma_start3A_25 : memref<1x4096xf32, #tpu.memory_space<hbm>> -> memref<4096xf32, #tpu.memory_space<hbm>>
    %dma_start3A_27 = arith.constant 4096 : i32
    %dma_start3A_28 = tpu.memref_slice %arg2[%add3A_23, %dma_start3A_27] : memref<128x131072xf32, #tpu.memory_space<hbm>> -> memref<1x4096xf32, #tpu.memory_space<hbm>>
    %dma_start3A_29 = tpu.memref_squeeze %dma_start3A_28 : memref<1x4096xf32, #tpu.memory_space<hbm>> -> memref<4096xf32, #tpu.memory_space<hbm>>
    tpu.enqueue_dma source(%dma_start3A_29 : memref<4096xf32, #tpu.memory_space<hbm>>) target(%arg6 : memref<4096xf32, #tpu.memory_space<vmem>>) target_semaphore(%arg12 : memref<!tpu.dma_semaphore, #tpu.memory_space<semaphore_mem>>)
    %mul3A_30 = arith.constant 4 : i32
    %mul3A_31 = arith.muli %add3A, %mul3A_30 : i32
    %add3A_32 = arith.constant 0 : i32
    %add3A_33 = arith.addi %mul3A_31, %add3A_32 : i32
    %dma_start3A_34 = arith.constant 4096 : i32
    %dma_start3A_35 = tpu.memref_slice %arg3[%add3A_33, %dma_start3A_34] : memref<128x131072xf32, #tpu.memory_space<hbm>> -> memref<1x4096xf32, #tpu.memory_space<hbm>>
    %dma_start3A_36 = tpu.memref_squeeze %dma_start3A_35 : memref<1x4096xf32, #tpu.memory_space<hbm>> -> memref<4096xf32, #tpu.memory_space<hbm>>
    %dma_start3A_37 = arith.constant 4096 : i32
    %dma_start3A_38 = tpu.memref_slice %arg3[%add3A_33, %dma_start3A_37] : memref<128x131072xf32, #tpu.memory_space<hbm>> -> memref<1x4096xf32, #tpu.memory_space<hbm>>
    %dma_start3A_39 = tpu.memref_squeeze %dma_start3A_38 : memref<1x4096xf32, #tpu.memory_space<hbm>> -> memref<4096xf32, #tpu.memory_space<hbm>>
    tpu.enqueue_dma source(%dma_start3A_39 : memref<4096xf32, #tpu.memory_space<hbm>>) target(%arg8 : memref<4096xf32, #tpu.memory_space<vmem>>) target_semaphore(%arg12 : memref<!tpu.dma_semaphore, #tpu.memory_space<semaphore_mem>>)
    %iota3A = tpu.iota {dimensions = array<i32: 0>} : vector<16xi32>
    %shift_right_arithmetic3A = arith.constant 1 : i32
    %shift_right_arithmetic3A_40 = vector.broadcast %shift_right_arithmetic3A : i32 to vector<16xi32>
    %shift_right_arithmetic3A_41 = arith.shrsi %iota3A, %shift_right_arithmetic3A_40 : vector<16xi32>
    %broadcast_in_dim3A = vector.shape_cast %shift_right_arithmetic3A_41 : vector<16xi32> to vector<16x1xi32>
    %shift_right_arithmetic3A_42 = arith.constant 1 : i32
    %shift_right_arithmetic3A_43 = vector.broadcast %shift_right_arithmetic3A_42 : i32 to vector<16xi32>
    %shift_right_arithmetic3A_44 = arith.shrsi %iota3A, %shift_right_arithmetic3A_43 : vector<16xi32>
    %add3A_45 = arith.constant 8 : i32
    %add3A_46 = vector.broadcast %add3A_45 : i32 to vector<16xi32>
    %add3A_47 = arith.addi %add3A_46, %shift_right_arithmetic3A_44 : vector<16xi32>
    %broadcast_in_dim3A_48 = vector.shape_cast %add3A_47 : vector<16xi32> to vector<16x1xi32>
    %and3A = arith.constant 1 : i32
    %and3A_49 = vector.broadcast %and3A : i32 to vector<16xi32>
    %and3A_50 = arith.andi %iota3A, %and3A_49 : vector<16xi32>
    %eq3A = arith.constant 0 : i32
    %eq3A_51 = vector.broadcast %eq3A : i32 to vector<16xi32>
    %eq3A_52 = arith.cmpi eq, %and3A_50, %eq3A_51 : vector<16xi32>
    %scan3A = arith.constant 0 : i32
    %scan3A_53 = arith.constant 0 : i32
    %scan3A_54 = arith.constant 64 : i32
    %scan3A_55 = arith.addi %scan3A_53, %scan3A_54 : i32
    %scan3A_56 = arith.constant 1 : i32
    scf.for %scan3A_81 = %scan3A_53 to %scan3A_55 step %scan3A_56  : i32 {
      %mul3A_82 = arith.constant 2 : i32
      %mul3A_83 = arith.muli %mul3A_82, %scan3A_81 : i32
      %add3A_84 = arith.constant 0 : i32
      %add3A_85 = arith.addi %mul3A_83, %add3A_84 : i32
      %mul3A_86 = arith.constant 4 : i32
      %mul3A_87 = arith.muli %add3A, %mul3A_86 : i32
      %jit3A = arith.constant 32 : i32
      %div3A = arith.divsi %add3A_85, %jit3A : i32
      %sign3A = arith.constant 0 : i32
      %sign3A_88 = arith.cmpi sgt, %add3A_85, %sign3A : i32
      %sign3A_89 = arith.extui %sign3A_88 : i1 to i32
      %sign3A_90 = arith.constant 0 : i32
      %sign3A_91 = arith.cmpi slt, %add3A_85, %sign3A_90 : i32
      %sign3A_92 = arith.extui %sign3A_91 : i1 to i32
      %sign3A_93 = arith.subi %sign3A_89, %sign3A_92 : i32
      %sign3A_94 = arith.constant 0 : i32
      %sign3A_95 = arith.cmpi sgt, %jit3A, %sign3A_94 : i32
      %sign3A_96 = arith.extui %sign3A_95 : i1 to i32
      %sign3A_97 = arith.constant 0 : i32
      %sign3A_98 = arith.cmpi slt, %jit3A, %sign3A_97 : i32
      %sign3A_99 = arith.extui %sign3A_98 : i1 to i32
      %sign3A_100 = arith.subi %sign3A_96, %sign3A_99 : i32
      %ne3A = arith.cmpi ne, %sign3A_93, %sign3A_100 : i32
      %rem3A = arith.remsi %add3A_85, %jit3A : i32
      %ne3A_101 = arith.constant 0 : i32
      %ne3A_102 = arith.cmpi ne, %rem3A, %ne3A_101 : i32
      %and3A_103 = arith.andi %ne3A, %ne3A_102 : i1
      %sub3A = arith.constant 1 : i32
      %sub3A_104 = arith.subi %div3A, %sub3A : i32
      %select_n3A = arith.select %and3A_103, %sub3A_104, %div3A : i32
      %add3A_105 = arith.addi %mul3A_87, %select_n3A : i32
      %jit3A_106 = arith.constant 32 : i32
      %eq3A_107 = arith.constant 0 : i32
      %eq3A_108 = arith.cmpi eq, %jit3A_106, %eq3A_107 : i32
      %jit3A_109 = arith.constant 1 : i32
      %select_n3A_110 = arith.select %eq3A_108, %jit3A_109, %jit3A_106 : i32
      %rem3A_111 = arith.remsi %add3A_85, %select_n3A_110 : i32
      %ne3A_112 = arith.constant 0 : i32
      %ne3A_113 = arith.cmpi ne, %rem3A_111, %ne3A_112 : i32
      %lt3A = arith.constant 0 : i32
      %lt3A_114 = arith.cmpi slt, %rem3A_111, %lt3A : i32
      %lt3A_115 = arith.constant 0 : i32
      %lt3A_116 = arith.cmpi slt, %select_n3A_110, %lt3A_115 : i32
      %ne3A_117 = arith.xori %lt3A_114, %lt3A_116 : i1
      %and3A_118 = arith.andi %ne3A_117, %ne3A_113 : i1
      %add3A_119 = arith.addi %rem3A_111, %select_n3A_110 : i32
      %select_n3A_120 = arith.select %and3A_118, %add3A_119, %rem3A_111 : i32
      %mul3A_121 = arith.constant 16 : i32
      %mul3A_122 = arith.muli %select_n3A_120, %mul3A_121 : i32
      %mul3A_123 = arith.constant 256 : i32
      %mul3A_124 = arith.muli %mul3A_122, %mul3A_123 : i32
      %dma_wait3A_125 = tpu.memref_slice %arg2[%add3A_105, %mul3A_124] : memref<128x131072xf32, #tpu.memory_space<hbm>> -> memref<1x4096xf32, #tpu.memory_space<hbm>>
      %dma_wait3A_126 = tpu.memref_squeeze %dma_wait3A_125 : memref<1x4096xf32, #tpu.memory_space<hbm>> -> memref<4096xf32, #tpu.memory_space<hbm>>
      %dma_wait3A_127 = tpu.memref_slice %arg2[%add3A_105, %mul3A_124] : memref<128x131072xf32, #tpu.memory_space<hbm>> -> memref<1x4096xf32, #tpu.memory_space<hbm>>
      %dma_wait3A_128 = tpu.memref_squeeze %dma_wait3A_127 : memref<1x4096xf32, #tpu.memory_space<hbm>> -> memref<4096xf32, #tpu.memory_space<hbm>>
      tpu.wait_dma2 semaphore(%arg11 : memref<!tpu.dma_semaphore, #tpu.memory_space<semaphore_mem>>) src(%dma_wait3A_128 : memref<4096xf32, #tpu.memory_space<hbm>>) dst(%arg5 : memref<4096xf32, #tpu.memory_space<vmem>>)
      %mul3A_129 = arith.constant 4 : i32
      %mul3A_130 = arith.muli %add3A, %mul3A_129 : i32
      %jit3A_131 = arith.constant 32 : i32
      %div3A_132 = arith.divsi %add3A_85, %jit3A_131 : i32
      %sign3A_133 = arith.constant 0 : i32
      %sign3A_134 = arith.cmpi sgt, %add3A_85, %sign3A_133 : i32
      %sign3A_135 = arith.extui %sign3A_134 : i1 to i32
      %sign3A_136 = arith.constant 0 : i32
      %sign3A_137 = arith.cmpi slt, %add3A_85, %sign3A_136 : i32
      %sign3A_138 = arith.extui %sign3A_137 : i1 to i32
      %sign3A_139 = arith.subi %sign3A_135, %sign3A_138 : i32
      %sign3A_140 = arith.constant 0 : i32
      %sign3A_141 = arith.cmpi sgt, %jit3A_131, %sign3A_140 : i32
      %sign3A_142 = arith.extui %sign3A_141 : i1 to i32
      %sign3A_143 = arith.constant 0 : i32
      %sign3A_144 = arith.cmpi slt, %jit3A_131, %sign3A_143 : i32
      %sign3A_145 = arith.extui %sign3A_144 : i1 to i32
      %sign3A_146 = arith.subi %sign3A_142, %sign3A_145 : i32
      %ne3A_147 = arith.cmpi ne, %sign3A_139, %sign3A_146 : i32
      %rem3A_148 = arith.remsi %add3A_85, %jit3A_131 : i32
      %ne3A_149 = arith.constant 0 : i32
      %ne3A_150 = arith.cmpi ne, %rem3A_148, %ne3A_149 : i32
      %and3A_151 = arith.andi %ne3A_147, %ne3A_150 : i1
      %sub3A_152 = arith.constant 1 : i32
      %sub3A_153 = arith.subi %div3A_132, %sub3A_152 : i32
      %select_n3A_154 = arith.select %and3A_151, %sub3A_153, %div3A_132 : i32
      %add3A_155 = arith.addi %mul3A_130, %select_n3A_154 : i32
      %jit3A_156 = arith.constant 32 : i32
      %eq3A_157 = arith.constant 0 : i32
      %eq3A_158 = arith.cmpi eq, %jit3A_156, %eq3A_157 : i32
      %jit3A_159 = arith.constant 1 : i32
      %select_n3A_160 = arith.select %eq3A_158, %jit3A_159, %jit3A_156 : i32
      %rem3A_161 = arith.remsi %add3A_85, %select_n3A_160 : i32
      %ne3A_162 = arith.constant 0 : i32
      %ne3A_163 = arith.cmpi ne, %rem3A_161, %ne3A_162 : i32
      %lt3A_164 = arith.constant 0 : i32
      %lt3A_165 = arith.cmpi slt, %rem3A_161, %lt3A_164 : i32
      %lt3A_166 = arith.constant 0 : i32
      %lt3A_167 = arith.cmpi slt, %select_n3A_160, %lt3A_166 : i32
      %ne3A_168 = arith.xori %lt3A_165, %lt3A_167 : i1
      %and3A_169 = arith.andi %ne3A_168, %ne3A_163 : i1
      %add3A_170 = arith.addi %rem3A_161, %select_n3A_160 : i32
      %select_n3A_171 = arith.select %and3A_169, %add3A_170, %rem3A_161 : i32
      %mul3A_172 = arith.constant 16 : i32
      %mul3A_173 = arith.muli %select_n3A_171, %mul3A_172 : i32
      %mul3A_174 = arith.constant 256 : i32
      %mul3A_175 = arith.muli %mul3A_173, %mul3A_174 : i32
      %dma_wait3A_176 = tpu.memref_slice %arg3[%add3A_155, %mul3A_175] : memref<128x131072xf32, #tpu.memory_space<hbm>> -> memref<1x4096xf32, #tpu.memory_space<hbm>>
      %dma_wait3A_177 = tpu.memref_squeeze %dma_wait3A_176 : memref<1x4096xf32, #tpu.memory_space<hbm>> -> memref<4096xf32, #tpu.memory_space<hbm>>
      %dma_wait3A_178 = tpu.memref_slice %arg3[%add3A_155, %mul3A_175] : memref<128x131072xf32, #tpu.memory_space<hbm>> -> memref<1x4096xf32, #tpu.memory_space<hbm>>
      %dma_wait3A_179 = tpu.memref_squeeze %dma_wait3A_178 : memref<1x4096xf32, #tpu.memory_space<hbm>> -> memref<4096xf32, #tpu.memory_space<hbm>>
      tpu.wait_dma2 semaphore(%arg11 : memref<!tpu.dma_semaphore, #tpu.memory_space<semaphore_mem>>) src(%dma_wait3A_179 : memref<4096xf32, #tpu.memory_space<hbm>>) dst(%arg7 : memref<4096xf32, #tpu.memory_space<vmem>>)
      %ge3A = arith.constant 2 : i32
      %ge3A_180 = arith.cmpi sge, %add3A_85, %ge3A : i32
      %convert_element_type3A = arith.extui %ge3A_180 : i1 to i32
      %cond3A = arith.constant 0 : i32
      %cond3A_181 = arith.cmpi ne, %convert_element_type3A, %cond3A : i32
      scf.if %cond3A_181 {
        %sub3A_421 = arith.constant 2 : i32
        %sub3A_422 = arith.subi %add3A_85, %sub3A_421 : i32
        %mul3A_423 = arith.constant 4 : i32
        %mul3A_424 = arith.muli %add3A, %mul3A_423 : i32
        %jit3A_425 = arith.constant 32 : i32
        %div3A_426 = arith.divsi %sub3A_422, %jit3A_425 : i32
        %sign3A_427 = arith.constant 0 : i32
        %sign3A_428 = arith.cmpi sgt, %sub3A_422, %sign3A_427 : i32
        %sign3A_429 = arith.extui %sign3A_428 : i1 to i32
        %sign3A_430 = arith.constant 0 : i32
        %sign3A_431 = arith.cmpi slt, %sub3A_422, %sign3A_430 : i32
        %sign3A_432 = arith.extui %sign3A_431 : i1 to i32
        %sign3A_433 = arith.subi %sign3A_429, %sign3A_432 : i32
        %sign3A_434 = arith.constant 0 : i32
        %sign3A_435 = arith.cmpi sgt, %jit3A_425, %sign3A_434 : i32
        %sign3A_436 = arith.extui %sign3A_435 : i1 to i32
        %sign3A_437 = arith.constant 0 : i32
        %sign3A_438 = arith.cmpi slt, %jit3A_425, %sign3A_437 : i32
        %sign3A_439 = arith.extui %sign3A_438 : i1 to i32
        %sign3A_440 = arith.subi %sign3A_436, %sign3A_439 : i32
        %ne3A_441 = arith.cmpi ne, %sign3A_433, %sign3A_440 : i32
        %rem3A_442 = arith.remsi %sub3A_422, %jit3A_425 : i32
        %ne3A_443 = arith.constant 0 : i32
        %ne3A_444 = arith.cmpi ne, %rem3A_442, %ne3A_443 : i32
        %and3A_445 = arith.andi %ne3A_441, %ne3A_444 : i1
        %sub3A_446 = arith.constant 1 : i32
        %sub3A_447 = arith.subi %div3A_426, %sub3A_446 : i32
        %select_n3A_448 = arith.select %and3A_445, %sub3A_447, %div3A_426 : i32
        %add3A_449 = arith.addi %mul3A_424, %select_n3A_448 : i32
        %jit3A_450 = arith.constant 32 : i32
        %eq3A_451 = arith.constant 0 : i32
        %eq3A_452 = arith.cmpi eq, %jit3A_450, %eq3A_451 : i32
        %jit3A_453 = arith.constant 1 : i32
        %select_n3A_454 = arith.select %eq3A_452, %jit3A_453, %jit3A_450 : i32
        %rem3A_455 = arith.remsi %sub3A_422, %select_n3A_454 : i32
        %ne3A_456 = arith.constant 0 : i32
        %ne3A_457 = arith.cmpi ne, %rem3A_455, %ne3A_456 : i32
        %lt3A_458 = arith.constant 0 : i32
        %lt3A_459 = arith.cmpi slt, %rem3A_455, %lt3A_458 : i32
        %lt3A_460 = arith.constant 0 : i32
        %lt3A_461 = arith.cmpi slt, %select_n3A_454, %lt3A_460 : i32
        %ne3A_462 = arith.xori %lt3A_459, %lt3A_461 : i1
        %and3A_463 = arith.andi %ne3A_462, %ne3A_457 : i1
        %add3A_464 = arith.addi %rem3A_455, %select_n3A_454 : i32
        %select_n3A_465 = arith.select %and3A_463, %add3A_464, %rem3A_455 : i32
        %mul3A_466 = arith.constant 16 : i32
        %mul3A_467 = arith.muli %select_n3A_465, %mul3A_466 : i32
        %dma_wait3A_468 = arith.constant 0 : i32
        %dma_wait3A_469 = tpu.memref_slice %arg4[%add3A_449, %mul3A_467, %dma_wait3A_468] : memref<128x512x512xf32, #tpu.memory_space<hbm>> -> memref<1x16x512xf32, #tpu.memory_space<hbm>>
        %dma_wait3A_470 = tpu.memref_squeeze %dma_wait3A_469 : memref<1x16x512xf32, #tpu.memory_space<hbm>> -> memref<16x512xf32, #tpu.memory_space<hbm>>
        %dma_wait3A_471 = arith.constant 0 : i32
        %dma_wait3A_472 = tpu.memref_slice %arg4[%add3A_449, %mul3A_467, %dma_wait3A_471] : memref<128x512x512xf32, #tpu.memory_space<hbm>> -> memref<1x16x512xf32, #tpu.memory_space<hbm>>
        %dma_wait3A_473 = tpu.memref_squeeze %dma_wait3A_472 : memref<1x16x512xf32, #tpu.memory_space<hbm>> -> memref<16x512xf32, #tpu.memory_space<hbm>>
        tpu.wait_dma2 semaphore(%arg13 : memref<!tpu.dma_semaphore, #tpu.memory_space<semaphore_mem>>) src(%arg9 : memref<16x512xf32, #tpu.memory_space<vmem>>) dst(%dma_wait3A_473 : memref<16x512xf32, #tpu.memory_space<hbm>>)
      } else {
      }
      %scan3A_182 = arith.constant 0 : i32
      %scan3A_183 = arith.constant 0 : i32
      %scan3A_184 = arith.constant 8 : i32
      %scan3A_185 = arith.addi %scan3A_183, %scan3A_184 : i32
      %scan3A_186 = arith.constant 1 : i32
      scf.for %scan3A_421 = %scan3A_183 to %scan3A_185 step %scan3A_186  : i32 {
        %mul3A_422 = arith.constant 2 : i32
        %mul3A_423 = arith.muli %mul3A_422, %scan3A_421 : i32
        %add3A_424 = arith.constant 0 : i32
        %add3A_425 = arith.addi %mul3A_423, %add3A_424 : i32
        %mul3A_426 = arith.constant 256 : i32
        %mul3A_427 = arith.muli %add3A_425, %mul3A_426 : i32
        %add3A_428 = arith.constant 0 : i32
        %add3A_429 = arith.addi %mul3A_427, %add3A_428 : i32
        %get3A = arith.index_cast %add3A_429 : i32 to index
        %get3A_430 = tpu.vector_load %arg5[%get3A] {strides = array<i32>} : memref<4096xf32, #tpu.memory_space<vmem>>, vector<16xf32>,
        %add3A_431 = arith.constant 0 : i32
        %add3A_432 = arith.addi %mul3A_427, %add3A_431 : i32
        %get3A_433 = arith.index_cast %add3A_432 : i32 to index
        %get3A_434 = tpu.vector_load %arg7[%get3A_433] {strides = array<i32>} : memref<4096xf32, #tpu.memory_space<vmem>>, vector<16xf32>,
        %gather3A = vector.shape_cast %broadcast_in_dim3A : vector<16x1xi32> to vector<16xi32>
        %gather3A_435 = tpu.dynamic_gather %get3A_430[%gather3A] in [0] : vector<16xf32>, vector<16xi32> -> vector<16xf32>
        %gather3A_436 = vector.shape_cast %broadcast_in_dim3A : vector<16x1xi32> to vector<16xi32>
        %gather3A_437 = tpu.dynamic_gather %get3A_434[%gather3A_436] in [0] : vector<16xf32>, vector<16xi32> -> vector<16xf32>
        %gather3A_438 = vector.shape_cast %broadcast_in_dim3A_48 : vector<16x1xi32> to vector<16xi32>
        %gather3A_439 = tpu.dynamic_gather %get3A_430[%gather3A_438] in [0] : vector<16xf32>, vector<16xi32> -> vector<16xf32>
        %gather3A_440 = vector.shape_cast %broadcast_in_dim3A_48 : vector<16x1xi32> to vector<16xi32>
        %gather3A_441 = tpu.dynamic_gather %get3A_434[%gather3A_440] in [0] : vector<16xf32>, vector<16xi32> -> vector<16xf32>
        %select_n3A_442 = arith.select %eq3A_52, %gather3A_435, %gather3A_437 : vector<16xi1>, vector<16xf32>
        %select_n3A_443 = arith.select %eq3A_52, %gather3A_439, %gather3A_441 : vector<16xi1>, vector<16xf32>
        %add3A_444 = arith.constant 0 : i32
        %add3A_445 = arith.addi %mul3A_423, %add3A_444 : i32
        %swap3A = arith.index_cast %add3A_445 : i32 to index
        %swap3A_446 = arith.constant 0 : index
        %swap3A_447 = tpu.vector_load %arg9[%swap3A, %swap3A_446] {strides = array<i32>} : memref<16x512xf32, #tpu.memory_space<vmem>>, vector<16xf32>,
        tpu.vector_store %arg9[%swap3A, %swap3A_446], %select_n3A_442 {strides = array<i32>} : memref<16x512xf32, #tpu.memory_space<vmem>>, vector<16xf32>,
        %add3A_448 = arith.constant 0 : i32
        %add3A_449 = arith.addi %mul3A_423, %add3A_448 : i32
        %swap3A_450 = arith.index_cast %add3A_449 : i32 to index
        %swap3A_451 = arith.constant 16 : index
        %swap3A_452 = tpu.vector_load %arg9[%swap3A_450, %swap3A_451] {strides = array<i32>} : memref<16x512xf32, #tpu.memory_space<vmem>>, vector<16xf32>,
        tpu.vector_store %arg9[%swap3A_450, %swap3A_451], %select_n3A_443 {strides = array<i32>} : memref<16x512xf32, #tpu.memory_space<vmem>>, vector<16xf32>,
        %add3A_453 = arith.constant 16 : i32
        %add3A_454 = arith.addi %mul3A_427, %add3A_453 : i32
        %get3A_455 = arith.index_cast %add3A_454 : i32 to index
        %get3A_456 = tpu.vector_load %arg5[%get3A_455] {strides = array<i32>} : memref<4096xf32, #tpu.memory_space<vmem>>, vector<16xf32>,
        %add3A_457 = arith.constant 16 : i32
        %add3A_458 = arith.addi %mul3A_427, %add3A_457 : i32
        %get3A_459 = arith.index_cast %add3A_458 : i32 to index
        %get3A_460 = tpu.vector_load %arg7[%get3A_459] {strides = array<i32>} : memref<4096xf32, #tpu.memory_space<vmem>>, vector<16xf32>,
        %gather3A_461 = vector.shape_cast %broadcast_in_dim3A : vector<16x1xi32> to vector<16xi32>
        %gather3A_462 = tpu.dynamic_gather %get3A_456[%gather3A_461] in [0] : vector<16xf32>, vector<16xi32> -> vector<16xf32>
        %gather3A_463 = vector.shape_cast %broadcast_in_dim3A : vector<16x1xi32> to vector<16xi32>
        %gather3A_464 = tpu.dynamic_gather %get3A_460[%gather3A_463] in [0] : vector<16xf32>, vector<16xi32> -> vector<16xf32>
        %gather3A_465 = vector.shape_cast %broadcast_in_dim3A_48 : vector<16x1xi32> to vector<16xi32>
        %gather3A_466 = tpu.dynamic_gather %get3A_456[%gather3A_465] in [0] : vector<16xf32>, vector<16xi32> -> vector<16xf32>
        %gather3A_467 = vector.shape_cast %broadcast_in_dim3A_48 : vector<16x1xi32> to vector<16xi32>
        %gather3A_468 = tpu.dynamic_gather %get3A_460[%gather3A_467] in [0] : vector<16xf32>, vector<16xi32> -> vector<16xf32>
        %select_n3A_469 = arith.select %eq3A_52, %gather3A_462, %gather3A_464 : vector<16xi1>, vector<16xf32>
        %select_n3A_470 = arith.select %eq3A_52, %gather3A_466, %gather3A_468 : vector<16xi1>, vector<16xf32>
        %add3A_471 = arith.constant 0 : i32
        %add3A_472 = arith.addi %mul3A_423, %add3A_471 : i32
        %swap3A_473 = arith.index_cast %add3A_472 : i32 to index
        %swap3A_474 = arith.constant 32 : index
        %swap3A_475 = tpu.vector_load %arg9[%swap3A_473, %swap3A_474] {strides = array<i32>} : memref<16x512xf32, #tpu.memory_space<vmem>>, vector<16xf32>,
        tpu.vector_store %arg9[%swap3A_473, %swap3A_474], %select_n3A_469 {strides = array<i32>} : memref<16x512xf32, #tpu.memory_space<vmem>>, vector<16xf32>,
        %add3A_476 = arith.constant 0 : i32
        %add3A_477 = arith.addi %mul3A_423, %add3A_476 : i32
        %swap3A_478 = arith.index_cast %add3A_477 : i32 to index
        %swap3A_479 = arith.constant 48 : index
        %swap3A_480 = tpu.vector_load %arg9[%swap3A_478, %swap3A_479] {strides = array<i32>} : memref<16x512xf32, #tpu.memory_space<vmem>>, vector<16xf32>,
        tpu.vector_store %arg9[%swap3A_478, %swap3A_479], %select_n3A_470 {strides = array<i32>} : memref<16x512xf32, #tpu.memory_space<vmem>>, vector<16xf32>,
        %add3A_481 = arith.constant 32 : i32
        %add3A_482 = arith.addi %mul3A_427, %add3A_481 : i32
        %get3A_483 = arith.index_cast %add3A_482 : i32 to index
        %get3A_484 = tpu.vector_load %arg5[%get3A_483] {strides = array<i32>} : memref<4096xf32, #tpu.memory_space<vmem>>, vector<16xf32>,
        %add3A_485 = arith.constant 32 : i32
        %add3A_486 = arith.addi %mul3A_427, %add3A_485 : i32
        %get3A_487 = arith.index_cast %add3A_486 : i32 to index
        %get3A_488 = tpu.vector_load %arg7[%get3A_487] {strides = array<i32>} : memref<4096xf32, #tpu.memory_space<vmem>>, vector<16xf32>,
        %gather3A_489 = vector.shape_cast %broadcast_in_dim3A : vector<16x1xi32> to vector<16xi32>
        %gather3A_490 = tpu.dynamic_gather %get3A_484[%gather3A_489] in [0] : vector<16xf32>, vector<16xi32> -> vector<16xf32>
        %gather3A_491 = vector.shape_cast %broadcast_in_dim3A : vector<16x1xi32> to vector<16xi32>
        %gather3A_492 = tpu.dynamic_gather %get3A_488[%gather3A_491] in [0] : vector<16xf32>, vector<16xi32> -> vector<16xf32>
        %gather3A_493 = vector.shape_cast %broadcast_in_dim3A_48 : vector<16x1xi32> to vector<16xi32>
        %gather3A_494 = tpu.dynamic_gather %get3A_484[%gather3A_493] in [0] : vector<16xf32>, vector<16xi32> -> vector<16xf32>
        %gather3A_495 = vector.shape_cast %broadcast_in_dim3A_48 : vector<16x1xi32> to vector<16xi32>
        %gather3A_496 = tpu.dynamic_gather %get3A_488[%gather3A_495] in [0] : vector<16xf32>, vector<16xi32> -> vector<16xf32>
        %select_n3A_497 = arith.select %eq3A_52, %gather3A_490, %gather3A_492 : vector<16xi1>, vector<16xf32>
        %select_n3A_498 = arith.select %eq3A_52, %gather3A_494, %gather3A_496 : vector<16xi1>, vector<16xf32>
        %add3A_499 = arith.constant 0 : i32
        %add3A_500 = arith.addi %mul3A_423, %add3A_499 : i32
        %swap3A_501 = arith.index_cast %add3A_500 : i32 to index
        %swap3A_502 = arith.constant 64 : index
        %swap3A_503 = tpu.vector_load %arg9[%swap3A_501, %swap3A_502] {strides = array<i32>} : memref<16x512xf32, #tpu.memory_space<vmem>>, vector<16xf32>,
        tpu.vector_store %arg9[%swap3A_501, %swap3A_502], %select_n3A_497 {strides = array<i32>} : memref<16x512xf32, #tpu.memory_space<vmem>>, vector<16xf32>,
        %add3A_504 = arith.constant 0 : i32
        %add3A_505 = arith.addi %mul3A_423, %add3A_504 : i32
        %swap3A_506 = arith.index_cast %add3A_505 : i32 to index
        %swap3A_507 = arith.constant 80 : index
        %swap3A_508 = tpu.vector_load %arg9[%swap3A_506, %swap3A_507] {strides = array<i32>} : memref<16x512xf32, #tpu.memory_space<vmem>>, vector<16xf32>,
        tpu.vector_store %arg9[%swap3A_506, %swap3A_507], %select_n3A_498 {strides = array<i32>} : memref<16x512xf32, #tpu.memory_space<vmem>>, vector<16xf32>,
        %add3A_509 = arith.constant 48 : i32
        %add3A_510 = arith.addi %mul3A_427, %add3A_509 : i32
        %get3A_511 = arith.index_cast %add3A_510 : i32 to index
        %get3A_512 = tpu.vector_load %arg5[%get3A_511] {strides = array<i32>} : memref<4096xf32, #tpu.memory_space<vmem>>, vector<16xf32>,
        %add3A_513 = arith.constant 48 : i32
        %add3A_514 = arith.addi %mul3A_427, %add3A_513 : i32
        %get3A_515 = arith.index_cast %add3A_514 : i32 to index
        %get3A_516 = tpu.vector_load %arg7[%get3A_515] {strides = array<i32>} : memref<4096xf32, #tpu.memory_space<vmem>>, vector<16xf32>,
        %gather3A_517 = vector.shape_cast %broadcast_in_dim3A : vector<16x1xi32> to vector<16xi32>
        %gather3A_518 = tpu.dynamic_gather %get3A_512[%gather3A_517] in [0] : vector<16xf32>, vector<16xi32> -> vector<16xf32>
        %gather3A_519 = vector.shape_cast %broadcast_in_dim3A : vector<16x1xi32> to vector<16xi32>
        %gather3A_520 = tpu.dynamic_gather %get3A_516[%gather3A_519] in [0] : vector<16xf32>, vector<16xi32> -> vector<16xf32>
        %gather3A_521 = vector.shape_cast %broadcast_in_dim3A_48 : vector<16x1xi32> to vector<16xi32>
        %gather3A_522 = tpu.dynamic_gather %get3A_512[%gather3A_521] in [0] : vector<16xf32>, vector<16xi32> -> vector<16xf32>
        %gather3A_523 = vector.shape_cast %broadcast_in_dim3A_48 : vector<16x1xi32> to vector<16xi32>
        %gather3A_524 = tpu.dynamic_gather %get3A_516[%gather3A_523] in [0] : vector<16xf32>, vector<16xi32> -> vector<16xf32>
        %select_n3A_525 = arith.select %eq3A_52, %gather3A_518, %gather3A_520 : vector<16xi1>, vector<16xf32>
        %select_n3A_526 = arith.select %eq3A_52, %gather3A_522, %gather3A_524 : vector<16xi1>, vector<16xf32>
        %add3A_527 = arith.constant 0 : i32
        %add3A_528 = arith.addi %mul3A_423, %add3A_527 : i32
        %swap3A_529 = arith.index_cast %add3A_528 : i32 to index
        %swap3A_530 = arith.constant 96 : index
        %swap3A_531 = tpu.vector_load %arg9[%swap3A_529, %swap3A_530] {strides = array<i32>} : memref<16x512xf32, #tpu.memory_space<vmem>>, vector<16xf32>,
        tpu.vector_store %arg9[%swap3A_529, %swap3A_530], %select_n3A_525 {strides = array<i32>} : memref<16x512xf32, #tpu.memory_space<vmem>>, vector<16xf32>,
        %add3A_532 = arith.constant 0 : i32
        %add3A_533 = arith.addi %mul3A_423, %add3A_532 : i32
        %swap3A_534 = arith.index_cast %add3A_533 : i32 to index
        %swap3A_535 = arith.constant 112 : index
        %swap3A_536 = tpu.vector_load %arg9[%swap3A_534, %swap3A_535] {strides = array<i32>} : memref<16x512xf32, #tpu.memory_space<vmem>>, vector<16xf32>,
        tpu.vector_store %arg9[%swap3A_534, %swap3A_535], %select_n3A_526 {strides = array<i32>} : memref<16x512xf32, #tpu.memory_space<vmem>>, vector<16xf32>,
        %add3A_537 = arith.constant 64 : i32
        %add3A_538 = arith.addi %mul3A_427, %add3A_537 : i32
        %get3A_539 = arith.index_cast %add3A_538 : i32 to index
        %get3A_540 = tpu.vector_load %arg5[%get3A_539] {strides = array<i32>} : memref<4096xf32, #tpu.memory_space<vmem>>, vector<16xf32>,
        %add3A_541 = arith.constant 64 : i32
        %add3A_542 = arith.addi %mul3A_427, %add3A_541 : i32
        %get3A_543 = arith.index_cast %add3A_542 : i32 to index
        %get3A_544 = tpu.vector_load %arg7[%get3A_543] {strides = array<i32>} : memref<4096xf32, #tpu.memory_space<vmem>>, vector<16xf32>,
        %gather3A_545 = vector.shape_cast %broadcast_in_dim3A : vector<16x1xi32> to vector<16xi32>
        %gather3A_546 = tpu.dynamic_gather %get3A_540[%gather3A_545] in [0] : vector<16xf32>, vector<16xi32> -> vector<16xf32>
        %gather3A_547 = vector.shape_cast %broadcast_in_dim3A : vector<16x1xi32> to vector<16xi32>
        %gather3A_548 = tpu.dynamic_gather %get3A_544[%gather3A_547] in [0] : vector<16xf32>, vector<16xi32> -> vector<16xf32>
        %gather3A_549 = vector.shape_cast %broadcast_in_dim3A_48 : vector<16x1xi32> to vector<16xi32>
        %gather3A_550 = tpu.dynamic_gather %get3A_540[%gather3A_549] in [0] : vector<16xf32>, vector<16xi32> -> vector<16xf32>
        %gather3A_551 = vector.shape_cast %broadcast_in_dim3A_48 : vector<16x1xi32> to vector<16xi32>
        %gather3A_552 = tpu.dynamic_gather %get3A_544[%gather3A_551] in [0] : vector<16xf32>, vector<16xi32> -> vector<16xf32>
        %select_n3A_553 = arith.select %eq3A_52, %gather3A_546, %gather3A_548 : vector<16xi1>, vector<16xf32>
        %select_n3A_554 = arith.select %eq3A_52, %gather3A_550, %gather3A_552 : vector<16xi1>, vector<16xf32>
        %add3A_555 = arith.constant 0 : i32
        %add3A_556 = arith.addi %mul3A_423, %add3A_555 : i32
        %swap3A_557 = arith.index_cast %add3A_556 : i32 to index
        %swap3A_558 = arith.constant 128 : index
        %swap3A_559 = tpu.vector_load %arg9[%swap3A_557, %swap3A_558] {strides = array<i32>} : memref<16x512xf32, #tpu.memory_space<vmem>>, vector<16xf32>,
        tpu.vector_store %arg9[%swap3A_557, %swap3A_558], %select_n3A_553 {strides = array<i32>} : memref<16x512xf32, #tpu.memory_space<vmem>>, vector<16xf32>,
        %add3A_560 = arith.constant 0 : i32
        %add3A_561 = arith.addi %mul3A_423, %add3A_560 : i32
        %swap3A_562 = arith.index_cast %add3A_561 : i32 to index
        %swap3A_563 = arith.constant 144 : index
        %swap3A_564 = tpu.vector_load %arg9[%swap3A_562, %swap3A_563] {strides = array<i32>} : memref<16x512xf32, #tpu.memory_space<vmem>>, vector<16xf32>,
        tpu.vector_store %arg9[%swap3A_562, %swap3A_563], %select_n3A_554 {strides = array<i32>} : memref<16x512xf32, #tpu.memory_space<vmem>>, vector<16xf32>,
        %add3A_565 = arith.constant 80 : i32
        %add3A_566 = arith.addi %mul3A_427, %add3A_565 : i32
        %get3A_567 = arith.index_cast %add3A_566 : i32 to index
        %get3A_568 = tpu.vector_load %arg5[%get3A_567] {strides = array<i32>} : memref<4096xf32, #tpu.memory_space<vmem>>, vector<16xf32>,
        %add3A_569 = arith.constant 80 : i32
        %add3A_570 = arith.addi %mul3A_427, %add3A_569 : i32
        %get3A_571 = arith.index_cast %add3A_570 : i32 to index
        %get3A_572 = tpu.vector_load %arg7[%get3A_571] {strides = array<i32>} : memref<4096xf32, #tpu.memory_space<vmem>>, vector<16xf32>,
        %gather3A_573 = vector.shape_cast %broadcast_in_dim3A : vector<16x1xi32> to vector<16xi32>
        %gather3A_574 = tpu.dynamic_gather %get3A_568[%gather3A_573] in [0] : vector<16xf32>, vector<16xi32> -> vector<16xf32>
        %gather3A_575 = vector.shape_cast %broadcast_in_dim3A : vector<16x1xi32> to vector<16xi32>
        %gather3A_576 = tpu.dynamic_gather %get3A_572[%gather3A_575] in [0] : vector<16xf32>, vector<16xi32> -> vector<16xf32>
        %gather3A_577 = vector.shape_cast %broadcast_in_dim3A_48 : vector<16x1xi32> to vector<16xi32>
        %gather3A_578 = tpu.dynamic_gather %get3A_568[%gather3A_577] in [0] : vector<16xf32>, vector<16xi32> -> vector<16xf32>
        %gather3A_579 = vector.shape_cast %broadcast_in_dim3A_48 : vector<16x1xi32> to vector<16xi32>
        %gather3A_580 = tpu.dynamic_gather %get3A_572[%gather3A_579] in [0] : vector<16xf32>, vector<16xi32> -> vector<16xf32>
        %select_n3A_581 = arith.select %eq3A_52, %gather3A_574, %gather3A_576 : vector<16xi1>, vector<16xf32>
        %select_n3A_582 = arith.select %eq3A_52, %gather3A_578, %gather3A_580 : vector<16xi1>, vector<16xf32>
        %add3A_583 = arith.constant 0 : i32
        %add3A_584 = arith.addi %mul3A_423, %add3A_583 : i32
        %swap3A_585 = arith.index_cast %add3A_584 : i32 to index
        %swap3A_586 = arith.constant 160 : index
        %swap3A_587 = tpu.vector_load %arg9[%swap3A_585, %swap3A_586] {strides = array<i32>} : memref<16x512xf32, #tpu.memory_space<vmem>>, vector<16xf32>,
        tpu.vector_store %arg9[%swap3A_585, %swap3A_586], %select_n3A_581 {strides = array<i32>} : memref<16x512xf32, #tpu.memory_space<vmem>>, vector<16xf32>,
        %add3A_588 = arith.constant 0 : i32
        %add3A_589 = arith.addi %mul3A_423, %add3A_588 : i32
        %swap3A_590 = arith.index_cast %add3A_589 : i32 to index
        %swap3A_591 = arith.constant 176 : index
        %swap3A_592 = tpu.vector_load %arg9[%swap3A_590, %swap3A_591] {strides = array<i32>} : memref<16x512xf32, #tpu.memory_space<vmem>>, vector<16xf32>,
        tpu.vector_store %arg9[%swap3A_590, %swap3A_591], %select_n3A_582 {strides = array<i32>} : memref<16x512xf32, #tpu.memory_space<vmem>>, vector<16xf32>,
        %add3A_593 = arith.constant 96 : i32
        %add3A_594 = arith.addi %mul3A_427, %add3A_593 : i32
        %get3A_595 = arith.index_cast %add3A_594 : i32 to index
        %get3A_596 = tpu.vector_load %arg5[%get3A_595] {strides = array<i32>} : memref<4096xf32, #tpu.memory_space<vmem>>, vector<16xf32>,
        %add3A_597 = arith.constant 96 : i32
        %add3A_598 = arith.addi %mul3A_427, %add3A_597 : i32
        %get3A_599 = arith.index_cast %add3A_598 : i32 to index
        %get3A_600 = tpu.vector_load %arg7[%get3A_599] {strides = array<i32>} : memref<4096xf32, #tpu.memory_space<vmem>>, vector<16xf32>,
        %gather3A_601 = vector.shape_cast %broadcast_in_dim3A : vector<16x1xi32> to vector<16xi32>
        %gather3A_602 = tpu.dynamic_gather %get3A_596[%gather3A_601] in [0] : vector<16xf32>, vector<16xi32> -> vector<16xf32>
        %gather3A_603 = vector.shape_cast %broadcast_in_dim3A : vector<16x1xi32> to vector<16xi32>
        %gather3A_604 = tpu.dynamic_gather %get3A_600[%gather3A_603] in [0] : vector<16xf32>, vector<16xi32> -> vector<16xf32>
        %gather3A_605 = vector.shape_cast %broadcast_in_dim3A_48 : vector<16x1xi32> to vector<16xi32>
        %gather3A_606 = tpu.dynamic_gather %get3A_596[%gather3A_605] in [0] : vector<16xf32>, vector<16xi32> -> vector<16xf32>
        %gather3A_607 = vector.shape_cast %broadcast_in_dim3A_48 : vector<16x1xi32> to vector<16xi32>
        %gather3A_608 = tpu.dynamic_gather %get3A_600[%gather3A_607] in [0] : vector<16xf32>, vector<16xi32> -> vector<16xf32>
        %select_n3A_609 = arith.select %eq3A_52, %gather3A_602, %gather3A_604 : vector<16xi1>, vector<16xf32>
        %select_n3A_610 = arith.select %eq3A_52, %gather3A_606, %gather3A_608 : vector<16xi1>, vector<16xf32>
        %add3A_611 = arith.constant 0 : i32
        %add3A_612 = arith.addi %mul3A_423, %add3A_611 : i32
        %swap3A_613 = arith.index_cast %add3A_612 : i32 to index
        %swap3A_614 = arith.constant 192 : index
        %swap3A_615 = tpu.vector_load %arg9[%swap3A_613, %swap3A_614] {strides = array<i32>} : memref<16x512xf32, #tpu.memory_space<vmem>>, vector<16xf32>,
        tpu.vector_store %arg9[%swap3A_613, %swap3A_614], %select_n3A_609 {strides = array<i32>} : memref<16x512xf32, #tpu.memory_space<vmem>>, vector<16xf32>,
        %add3A_616 = arith.constant 0 : i32
        %add3A_617 = arith.addi %mul3A_423, %add3A_616 : i32
        %swap3A_618 = arith.index_cast %add3A_617 : i32 to index
        %swap3A_619 = arith.constant 208 : index
        %swap3A_620 = tpu.vector_load %arg9[%swap3A_618, %swap3A_619] {strides = array<i32>} : memref<16x512xf32, #tpu.memory_space<vmem>>, vector<16xf32>,
        tpu.vector_store %arg9[%swap3A_618, %swap3A_619], %select_n3A_610 {strides = array<i32>} : memref<16x512xf32, #tpu.memory_space<vmem>>, vector<16xf32>,
        %add3A_621 = arith.constant 112 : i32
        %add3A_622 = arith.addi %mul3A_427, %add3A_621 : i32
        %get3A_623 = arith.index_cast %add3A_622 : i32 to index
        %get3A_624 = tpu.vector_load %arg5[%get3A_623] {strides = array<i32>} : memref<4096xf32, #tpu.memory_space<vmem>>, vector<16xf32>,
        %add3A_625 = arith.constant 112 : i32
        %add3A_626 = arith.addi %mul3A_427, %add3A_625 : i32
        %get3A_627 = arith.index_cast %add3A_626 : i32 to index
        %get3A_628 = tpu.vector_load %arg7[%get3A_627] {strides = array<i32>} : memref<4096xf32, #tpu.memory_space<vmem>>, vector<16xf32>,
        %gather3A_629 = vector.shape_cast %broadcast_in_dim3A : vector<16x1xi32> to vector<16xi32>
        %gather3A_630 = tpu.dynamic_gather %get3A_624[%gather3A_629] in [0] : vector<16xf32>, vector<16xi32> -> vector<16xf32>
        %gather3A_631 = vector.shape_cast %broadcast_in_dim3A : vector<16x1xi32> to vector<16xi32>
        %gather3A_632 = tpu.dynamic_gather %get3A_628[%gather3A_631] in [0] : vector<16xf32>, vector<16xi32> -> vector<16xf32>
        %gather3A_633 = vector.shape_cast %broadcast_in_dim3A_48 : vector<16x1xi32> to vector<16xi32>
        %gather3A_634 = tpu.dynamic_gather %get3A_624[%gather3A_633] in [0] : vector<16xf32>, vector<16xi32> -> vector<16xf32>
        %gather3A_635 = vector.shape_cast %broadcast_in_dim3A_48 : vector<16x1xi32> to vector<16xi32>
        %gather3A_636 = tpu.dynamic_gather %get3A_628[%gather3A_635] in [0] : vector<16xf32>, vector<16xi32> -> vector<16xf32>
        %select_n3A_637 = arith.select %eq3A_52, %gather3A_630, %gather3A_632 : vector<16xi1>, vector<16xf32>
        %select_n3A_638 = arith.select %eq3A_52, %gather3A_634, %gather3A_636 : vector<16xi1>, vector<16xf32>
        %add3A_639 = arith.constant 0 : i32
        %add3A_640 = arith.addi %mul3A_423, %add3A_639 : i32
        %swap3A_641 = arith.index_cast %add3A_640 : i32 to index
        %swap3A_642 = arith.constant 224 : index
        %swap3A_643 = tpu.vector_load %arg9[%swap3A_641, %swap3A_642] {strides = array<i32>} : memref<16x512xf32, #tpu.memory_space<vmem>>, vector<16xf32>,
        tpu.vector_store %arg9[%swap3A_641, %swap3A_642], %select_n3A_637 {strides = array<i32>} : memref<16x512xf32, #tpu.memory_space<vmem>>, vector<16xf32>,
        %add3A_644 = arith.constant 0 : i32
        %add3A_645 = arith.addi %mul3A_423, %add3A_644 : i32
        %swap3A_646 = arith.index_cast %add3A_645 : i32 to index
        %swap3A_647 = arith.constant 240 : index
        %swap3A_648 = tpu.vector_load %arg9[%swap3A_646, %swap3A_647] {strides = array<i32>} : memref<16x512xf32, #tpu.memory_space<vmem>>, vector<16xf32>,
        tpu.vector_store %arg9[%swap3A_646, %swap3A_647], %select_n3A_638 {strides = array<i32>} : memref<16x512xf32, #tpu.memory_space<vmem>>, vector<16xf32>,
        %add3A_649 = arith.constant 128 : i32
        %add3A_650 = arith.addi %mul3A_427, %add3A_649 : i32
        %get3A_651 = arith.index_cast %add3A_650 : i32 to index
        %get3A_652 = tpu.vector_load %arg5[%get3A_651] {strides = array<i32>} : memref<4096xf32, #tpu.memory_space<vmem>>, vector<16xf32>,
        %add3A_653 = arith.constant 128 : i32
        %add3A_654 = arith.addi %mul3A_427, %add3A_653 : i32
        %get3A_655 = arith.index_cast %add3A_654 : i32 to index
        %get3A_656 = tpu.vector_load %arg7[%get3A_655] {strides = array<i32>} : memref<4096xf32, #tpu.memory_space<vmem>>, vector<16xf32>,
        %gather3A_657 = vector.shape_cast %broadcast_in_dim3A : vector<16x1xi32> to vector<16xi32>
        %gather3A_658 = tpu.dynamic_gather %get3A_652[%gather3A_657] in [0] : vector<16xf32>, vector<16xi32> -> vector<16xf32>
        %gather3A_659 = vector.shape_cast %broadcast_in_dim3A : vector<16x1xi32> to vector<16xi32>
        %gather3A_660 = tpu.dynamic_gather %get3A_656[%gather3A_659] in [0] : vector<16xf32>, vector<16xi32> -> vector<16xf32>
        %gather3A_661 = vector.shape_cast %broadcast_in_dim3A_48 : vector<16x1xi32> to vector<16xi32>
        %gather3A_662 = tpu.dynamic_gather %get3A_652[%gather3A_661] in [0] : vector<16xf32>, vector<16xi32> -> vector<16xf32>
        %gather3A_663 = vector.shape_cast %broadcast_in_dim3A_48 : vector<16x1xi32> to vector<16xi32>
        %gather3A_664 = tpu.dynamic_gather %get3A_656[%gather3A_663] in [0] : vector<16xf32>, vector<16xi32> -> vector<16xf32>
        %select_n3A_665 = arith.select %eq3A_52, %gather3A_658, %gather3A_660 : vector<16xi1>, vector<16xf32>
        %select_n3A_666 = arith.select %eq3A_52, %gather3A_662, %gather3A_664 : vector<16xi1>, vector<16xf32>
        %add3A_667 = arith.constant 0 : i32
        %add3A_668 = arith.addi %mul3A_423, %add3A_667 : i32
        %swap3A_669 = arith.index_cast %add3A_668 : i32 to index
        %swap3A_670 = arith.constant 256 : index
        %swap3A_671 = tpu.vector_load %arg9[%swap3A_669, %swap3A_670] {strides = array<i32>} : memref<16x512xf32, #tpu.memory_space<vmem>>, vector<16xf32>,
        tpu.vector_store %arg9[%swap3A_669, %swap3A_670], %select_n3A_665 {strides = array<i32>} : memref<16x512xf32, #tpu.memory_space<vmem>>, vector<16xf32>,
        %add3A_672 = arith.constant 0 : i32
        %add3A_673 = arith.addi %mul3A_423, %add3A_672 : i32
        %swap3A_674 = arith.index_cast %add3A_673 : i32 to index
        %swap3A_675 = arith.constant 272 : index
        %swap3A_676 = tpu.vector_load %arg9[%swap3A_674, %swap3A_675] {strides = array<i32>} : memref<16x512xf32, #tpu.memory_space<vmem>>, vector<16xf32>,
        tpu.vector_store %arg9[%swap3A_674, %swap3A_675], %select_n3A_666 {strides = array<i32>} : memref<16x512xf32, #tpu.memory_space<vmem>>, vector<16xf32>,
        %add3A_677 = arith.constant 144 : i32
        %add3A_678 = arith.addi %mul3A_427, %add3A_677 : i32
        %get3A_679 = arith.index_cast %add3A_678 : i32 to index
        %get3A_680 = tpu.vector_load %arg5[%get3A_679] {strides = array<i32>} : memref<4096xf32, #tpu.memory_space<vmem>>, vector<16xf32>,
        %add3A_681 = arith.constant 144 : i32
        %add3A_682 = arith.addi %mul3A_427, %add3A_681 : i32
        %get3A_683 = arith.index_cast %add3A_682 : i32 to index
        %get3A_684 = tpu.vector_load %arg7[%get3A_683] {strides = array<i32>} : memref<4096xf32, #tpu.memory_space<vmem>>, vector<16xf32>,
        %gather3A_685 = vector.shape_cast %broadcast_in_dim3A : vector<16x1xi32> to vector<16xi32>
        %gather3A_686 = tpu.dynamic_gather %get3A_680[%gather3A_685] in [0] : vector<16xf32>, vector<16xi32> -> vector<16xf32>
        %gather3A_687 = vector.shape_cast %broadcast_in_dim3A : vector<16x1xi32> to vector<16xi32>
        %gather3A_688 = tpu.dynamic_gather %get3A_684[%gather3A_687] in [0] : vector<16xf32>, vector<16xi32> -> vector<16xf32>
        %gather3A_689 = vector.shape_cast %broadcast_in_dim3A_48 : vector<16x1xi32> to vector<16xi32>
        %gather3A_690 = tpu.dynamic_gather %get3A_680[%gather3A_689] in [0] : vector<16xf32>, vector<16xi32> -> vector<16xf32>
        %gather3A_691 = vector.shape_cast %broadcast_in_dim3A_48 : vector<16x1xi32> to vector<16xi32>
        %gather3A_692 = tpu.dynamic_gather %get3A_684[%gather3A_691] in [0] : vector<16xf32>, vector<16xi32> -> vector<16xf32>
        %select_n3A_693 = arith.select %eq3A_52, %gather3A_686, %gather3A_688 : vector<16xi1>, vector<16xf32>
        %select_n3A_694 = arith.select %eq3A_52, %gather3A_690, %gather3A_692 : vector<16xi1>, vector<16xf32>
        %add3A_695 = arith.constant 0 : i32
        %add3A_696 = arith.addi %mul3A_423, %add3A_695 : i32
        %swap3A_697 = arith.index_cast %add3A_696 : i32 to index
        %swap3A_698 = arith.constant 288 : index
        %swap3A_699 = tpu.vector_load %arg9[%swap3A_697, %swap3A_698] {strides = array<i32>} : memref<16x512xf32, #tpu.memory_space<vmem>>, vector<16xf32>,
        tpu.vector_store %arg9[%swap3A_697, %swap3A_698], %select_n3A_693 {strides = array<i32>} : memref<16x512xf32, #tpu.memory_space<vmem>>, vector<16xf32>,
        %add3A_700 = arith.constant 0 : i32
        %add3A_701 = arith.addi %mul3A_423, %add3A_700 : i32
        %swap3A_702 = arith.index_cast %add3A_701 : i32 to index
        %swap3A_703 = arith.constant 304 : index
        %swap3A_704 = tpu.vector_load %arg9[%swap3A_702, %swap3A_703] {strides = array<i32>} : memref<16x512xf32, #tpu.memory_space<vmem>>, vector<16xf32>,
        tpu.vector_store %arg9[%swap3A_702, %swap3A_703], %select_n3A_694 {strides = array<i32>} : memref<16x512xf32, #tpu.memory_space<vmem>>, vector<16xf32>,
        %add3A_705 = arith.constant 160 : i32
        %add3A_706 = arith.addi %mul3A_427, %add3A_705 : i32
        %get3A_707 = arith.index_cast %add3A_706 : i32 to index
        %get3A_708 = tpu.vector_load %arg5[%get3A_707] {strides = array<i32>} : memref<4096xf32, #tpu.memory_space<vmem>>, vector<16xf32>,
        %add3A_709 = arith.constant 160 : i32
        %add3A_710 = arith.addi %mul3A_427, %add3A_709 : i32
        %get3A_711 = arith.index_cast %add3A_710 : i32 to index
        %get3A_712 = tpu.vector_load %arg7[%get3A_711] {strides = array<i32>} : memref<4096xf32, #tpu.memory_space<vmem>>, vector<16xf32>,
        %gather3A_713 = vector.shape_cast %broadcast_in_dim3A : vector<16x1xi32> to vector<16xi32>
        %gather3A_714 = tpu.dynamic_gather %get3A_708[%gather3A_713] in [0] : vector<16xf32>, vector<16xi32> -> vector<16xf32>
        %gather3A_715 = vector.shape_cast %broadcast_in_dim3A : vector<16x1xi32> to vector<16xi32>
        %gather3A_716 = tpu.dynamic_gather %get3A_712[%gather3A_715] in [0] : vector<16xf32>, vector<16xi32> -> vector<16xf32>
        %gather3A_717 = vector.shape_cast %broadcast_in_dim3A_48 : vector<16x1xi32> to vector<16xi32>
        %gather3A_718 = tpu.dynamic_gather %get3A_708[%gather3A_717] in [0] : vector<16xf32>, vector<16xi32> -> vector<16xf32>
        %gather3A_719 = vector.shape_cast %broadcast_in_dim3A_48 : vector<16x1xi32> to vector<16xi32>
        %gather3A_720 = tpu.dynamic_gather %get3A_712[%gather3A_719] in [0] : vector<16xf32>, vector<16xi32> -> vector<16xf32>
        %select_n3A_721 = arith.select %eq3A_52, %gather3A_714, %gather3A_716 : vector<16xi1>, vector<16xf32>
        %select_n3A_722 = arith.select %eq3A_52, %gather3A_718, %gather3A_720 : vector<16xi1>, vector<16xf32>
        %add3A_723 = arith.constant 0 : i32
        %add3A_724 = arith.addi %mul3A_423, %add3A_723 : i32
        %swap3A_725 = arith.index_cast %add3A_724 : i32 to index
        %swap3A_726 = arith.constant 320 : index
        %swap3A_727 = tpu.vector_load %arg9[%swap3A_725, %swap3A_726] {strides = array<i32>} : memref<16x512xf32, #tpu.memory_space<vmem>>, vector<16xf32>,
        tpu.vector_store %arg9[%swap3A_725, %swap3A_726], %select_n3A_721 {strides = array<i32>} : memref<16x512xf32, #tpu.memory_space<vmem>>, vector<16xf32>,
        %add3A_728 = arith.constant 0 : i32
        %add3A_729 = arith.addi %mul3A_423, %add3A_728 : i32
        %swap3A_730 = arith.index_cast %add3A_729 : i32 to index
        %swap3A_731 = arith.constant 336 : index
        %swap3A_732 = tpu.vector_load %arg9[%swap3A_730, %swap3A_731] {strides = array<i32>} : memref<16x512xf32, #tpu.memory_space<vmem>>, vector<16xf32>,
        tpu.vector_store %arg9[%swap3A_730, %swap3A_731], %select_n3A_722 {strides = array<i32>} : memref<16x512xf32, #tpu.memory_space<vmem>>, vector<16xf32>,
        %add3A_733 = arith.constant 176 : i32
        %add3A_734 = arith.addi %mul3A_427, %add3A_733 : i32
        %get3A_735 = arith.index_cast %add3A_734 : i32 to index
        %get3A_736 = tpu.vector_load %arg5[%get3A_735] {strides = array<i32>} : memref<4096xf32, #tpu.memory_space<vmem>>, vector<16xf32>,
        %add3A_737 = arith.constant 176 : i32
        %add3A_738 = arith.addi %mul3A_427, %add3A_737 : i32
        %get3A_739 = arith.index_cast %add3A_738 : i32 to index
        %get3A_740 = tpu.vector_load %arg7[%get3A_739] {strides = array<i32>} : memref<4096xf32, #tpu.memory_space<vmem>>, vector<16xf32>,
        %gather3A_741 = vector.shape_cast %broadcast_in_dim3A : vector<16x1xi32> to vector<16xi32>
        %gather3A_742 = tpu.dynamic_gather %get3A_736[%gather3A_741] in [0] : vector<16xf32>, vector<16xi32> -> vector<16xf32>
        %gather3A_743 = vector.shape_cast %broadcast_in_dim3A : vector<16x1xi32> to vector<16xi32>
        %gather3A_744 = tpu.dynamic_gather %get3A_740[%gather3A_743] in [0] : vector<16xf32>, vector<16xi32> -> vector<16xf32>
        %gather3A_745 = vector.shape_cast %broadcast_in_dim3A_48 : vector<16x1xi32> to vector<16xi32>
        %gather3A_746 = tpu.dynamic_gather %get3A_736[%gather3A_745] in [0] : vector<16xf32>, vector<16xi32> -> vector<16xf32>
        %gather3A_747 = vector.shape_cast %broadcast_in_dim3A_48 : vector<16x1xi32> to vector<16xi32>
        %gather3A_748 = tpu.dynamic_gather %get3A_740[%gather3A_747] in [0] : vector<16xf32>, vector<16xi32> -> vector<16xf32>
        %select_n3A_749 = arith.select %eq3A_52, %gather3A_742, %gather3A_744 : vector<16xi1>, vector<16xf32>
        %select_n3A_750 = arith.select %eq3A_52, %gather3A_746, %gather3A_748 : vector<16xi1>, vector<16xf32>
        %add3A_751 = arith.constant 0 : i32
        %add3A_752 = arith.addi %mul3A_423, %add3A_751 : i32
        %swap3A_753 = arith.index_cast %add3A_752 : i32 to index
        %swap3A_754 = arith.constant 352 : index
        %swap3A_755 = tpu.vector_load %arg9[%swap3A_753, %swap3A_754] {strides = array<i32>} : memref<16x512xf32, #tpu.memory_space<vmem>>, vector<16xf32>,
        tpu.vector_store %arg9[%swap3A_753, %swap3A_754], %select_n3A_749 {strides = array<i32>} : memref<16x512xf32, #tpu.memory_space<vmem>>, vector<16xf32>,
        %add3A_756 = arith.constant 0 : i32
        %add3A_757 = arith.addi %mul3A_423, %add3A_756 : i32
        %swap3A_758 = arith.index_cast %add3A_757 : i32 to index
        %swap3A_759 = arith.constant 368 : index
        %swap3A_760 = tpu.vector_load %arg9[%swap3A_758, %swap3A_759] {strides = array<i32>} : memref<16x512xf32, #tpu.memory_space<vmem>>, vector<16xf32>,
        tpu.vector_store %arg9[%swap3A_758, %swap3A_759], %select_n3A_750 {strides = array<i32>} : memref<16x512xf32, #tpu.memory_space<vmem>>, vector<16xf32>,
        %add3A_761 = arith.constant 192 : i32
        %add3A_762 = arith.addi %mul3A_427, %add3A_761 : i32
        %get3A_763 = arith.index_cast %add3A_762 : i32 to index
        %get3A_764 = tpu.vector_load %arg5[%get3A_763] {strides = array<i32>} : memref<4096xf32, #tpu.memory_space<vmem>>, vector<16xf32>,
        %add3A_765 = arith.constant 192 : i32
        %add3A_766 = arith.addi %mul3A_427, %add3A_765 : i32
        %get3A_767 = arith.index_cast %add3A_766 : i32 to index
        %get3A_768 = tpu.vector_load %arg7[%get3A_767] {strides = array<i32>} : memref<4096xf32, #tpu.memory_space<vmem>>, vector<16xf32>,
        %gather3A_769 = vector.shape_cast %broadcast_in_dim3A : vector<16x1xi32> to vector<16xi32>
        %gather3A_770 = tpu.dynamic_gather %get3A_764[%gather3A_769] in [0] : vector<16xf32>, vector<16xi32> -> vector<16xf32>
        %gather3A_771 = vector.shape_cast %broadcast_in_dim3A : vector<16x1xi32> to vector<16xi32>
        %gather3A_772 = tpu.dynamic_gather %get3A_768[%gather3A_771] in [0] : vector<16xf32>, vector<16xi32> -> vector<16xf32>
        %gather3A_773 = vector.shape_cast %broadcast_in_dim3A_48 : vector<16x1xi32> to vector<16xi32>
        %gather3A_774 = tpu.dynamic_gather %get3A_764[%gather3A_773] in [0] : vector<16xf32>, vector<16xi32> -> vector<16xf32>
        %gather3A_775 = vector.shape_cast %broadcast_in_dim3A_48 : vector<16x1xi32> to vector<16xi32>
        %gather3A_776 = tpu.dynamic_gather %get3A_768[%gather3A_775] in [0] : vector<16xf32>, vector<16xi32> -> vector<16xf32>
        %select_n3A_777 = arith.select %eq3A_52, %gather3A_770, %gather3A_772 : vector<16xi1>, vector<16xf32>
        %select_n3A_778 = arith.select %eq3A_52, %gather3A_774, %gather3A_776 : vector<16xi1>, vector<16xf32>
        %add3A_779 = arith.constant 0 : i32
        %add3A_780 = arith.addi %mul3A_423, %add3A_779 : i32
        %swap3A_781 = arith.index_cast %add3A_780 : i32 to index
        %swap3A_782 = arith.constant 384 : index
        %swap3A_783 = tpu.vector_load %arg9[%swap3A_781, %swap3A_782] {strides = array<i32>} : memref<16x512xf32, #tpu.memory_space<vmem>>, vector<16xf32>,
        tpu.vector_store %arg9[%swap3A_781, %swap3A_782], %select_n3A_777 {strides = array<i32>} : memref<16x512xf32, #tpu.memory_space<vmem>>, vector<16xf32>,
        %add3A_784 = arith.constant 0 : i32
        %add3A_785 = arith.addi %mul3A_423, %add3A_784 : i32
        %swap3A_786 = arith.index_cast %add3A_785 : i32 to index
        %swap3A_787 = arith.constant 400 : index
        %swap3A_788 = tpu.vector_load %arg9[%swap3A_786, %swap3A_787] {strides = array<i32>} : memref<16x512xf32, #tpu.memory_space<vmem>>, vector<16xf32>,
        tpu.vector_store %arg9[%swap3A_786, %swap3A_787], %select_n3A_778 {strides = array<i32>} : memref<16x512xf32, #tpu.memory_space<vmem>>, vector<16xf32>,
        %add3A_789 = arith.constant 208 : i32
        %add3A_790 = arith.addi %mul3A_427, %add3A_789 : i32
        %get3A_791 = arith.index_cast %add3A_790 : i32 to index
        %get3A_792 = tpu.vector_load %arg5[%get3A_791] {strides = array<i32>} : memref<4096xf32, #tpu.memory_space<vmem>>, vector<16xf32>,
        %add3A_793 = arith.constant 208 : i32
        %add3A_794 = arith.addi %mul3A_427, %add3A_793 : i32
        %get3A_795 = arith.index_cast %add3A_794 : i32 to index
        %get3A_796 = tpu.vector_load %arg7[%get3A_795] {strides = array<i32>} : memref<4096xf32, #tpu.memory_space<vmem>>, vector<16xf32>,
        %gather3A_797 = vector.shape_cast %broadcast_in_dim3A : vector<16x1xi32> to vector<16xi32>
        %gather3A_798 = tpu.dynamic_gather %get3A_792[%gather3A_797] in [0] : vector<16xf32>, vector<16xi32> -> vector<16xf32>
        %gather3A_799 = vector.shape_cast %broadcast_in_dim3A : vector<16x1xi32> to vector<16xi32>
        %gather3A_800 = tpu.dynamic_gather %get3A_796[%gather3A_799] in [0] : vector<16xf32>, vector<16xi32> -> vector<16xf32>
        %gather3A_801 = vector.shape_cast %broadcast_in_dim3A_48 : vector<16x1xi32> to vector<16xi32>
        %gather3A_802 = tpu.dynamic_gather %get3A_792[%gather3A_801] in [0] : vector<16xf32>, vector<16xi32> -> vector<16xf32>
        %gather3A_803 = vector.shape_cast %broadcast_in_dim3A_48 : vector<16x1xi32> to vector<16xi32>
        %gather3A_804 = tpu.dynamic_gather %get3A_796[%gather3A_803] in [0] : vector<16xf32>, vector<16xi32> -> vector<16xf32>
        %select_n3A_805 = arith.select %eq3A_52, %gather3A_798, %gather3A_800 : vector<16xi1>, vector<16xf32>
        %select_n3A_806 = arith.select %eq3A_52, %gather3A_802, %gather3A_804 : vector<16xi1>, vector<16xf32>
        %add3A_807 = arith.constant 0 : i32
        %add3A_808 = arith.addi %mul3A_423, %add3A_807 : i32
        %swap3A_809 = arith.index_cast %add3A_808 : i32 to index
        %swap3A_810 = arith.constant 416 : index
        %swap3A_811 = tpu.vector_load %arg9[%swap3A_809, %swap3A_810] {strides = array<i32>} : memref<16x512xf32, #tpu.memory_space<vmem>>, vector<16xf32>,
        tpu.vector_store %arg9[%swap3A_809, %swap3A_810], %select_n3A_805 {strides = array<i32>} : memref<16x512xf32, #tpu.memory_space<vmem>>, vector<16xf32>,
        %add3A_812 = arith.constant 0 : i32
        %add3A_813 = arith.addi %mul3A_423, %add3A_812 : i32
        %swap3A_814 = arith.index_cast %add3A_813 : i32 to index
        %swap3A_815 = arith.constant 432 : index
        %swap3A_816 = tpu.vector_load %arg9[%swap3A_814, %swap3A_815] {strides = array<i32>} : memref<16x512xf32, #tpu.memory_space<vmem>>, vector<16xf32>,
        tpu.vector_store %arg9[%swap3A_814, %swap3A_815], %select_n3A_806 {strides = array<i32>} : memref<16x512xf32, #tpu.memory_space<vmem>>, vector<16xf32>,
        %add3A_817 = arith.constant 224 : i32
        %add3A_818 = arith.addi %mul3A_427, %add3A_817 : i32
        %get3A_819 = arith.index_cast %add3A_818 : i32 to index
        %get3A_820 = tpu.vector_load %arg5[%get3A_819] {strides = array<i32>} : memref<4096xf32, #tpu.memory_space<vmem>>, vector<16xf32>,
        %add3A_821 = arith.constant 224 : i32
        %add3A_822 = arith.addi %mul3A_427, %add3A_821 : i32
        %get3A_823 = arith.index_cast %add3A_822 : i32 to index
        %get3A_824 = tpu.vector_load %arg7[%get3A_823] {strides = array<i32>} : memref<4096xf32, #tpu.memory_space<vmem>>, vector<16xf32>,
        %gather3A_825 = vector.shape_cast %broadcast_in_dim3A : vector<16x1xi32> to vector<16xi32>
        %gather3A_826 = tpu.dynamic_gather %get3A_820[%gather3A_825] in [0] : vector<16xf32>, vector<16xi32> -> vector<16xf32>
        %gather3A_827 = vector.shape_cast %broadcast_in_dim3A : vector<16x1xi32> to vector<16xi32>
        %gather3A_828 = tpu.dynamic_gather %get3A_824[%gather3A_827] in [0] : vector<16xf32>, vector<16xi32> -> vector<16xf32>
        %gather3A_829 = vector.shape_cast %broadcast_in_dim3A_48 : vector<16x1xi32> to vector<16xi32>
        %gather3A_830 = tpu.dynamic_gather %get3A_820[%gather3A_829] in [0] : vector<16xf32>, vector<16xi32> -> vector<16xf32>
        %gather3A_831 = vector.shape_cast %broadcast_in_dim3A_48 : vector<16x1xi32> to vector<16xi32>
        %gather3A_832 = tpu.dynamic_gather %get3A_824[%gather3A_831] in [0] : vector<16xf32>, vector<16xi32> -> vector<16xf32>
        %select_n3A_833 = arith.select %eq3A_52, %gather3A_826, %gather3A_828 : vector<16xi1>, vector<16xf32>
        %select_n3A_834 = arith.select %eq3A_52, %gather3A_830, %gather3A_832 : vector<16xi1>, vector<16xf32>
        %add3A_835 = arith.constant 0 : i32
        %add3A_836 = arith.addi %mul3A_423, %add3A_835 : i32
        %swap3A_837 = arith.index_cast %add3A_836 : i32 to index
        %swap3A_838 = arith.constant 448 : index
        %swap3A_839 = tpu.vector_load %arg9[%swap3A_837, %swap3A_838] {strides = array<i32>} : memref<16x512xf32, #tpu.memory_space<vmem>>, vector<16xf32>,
        tpu.vector_store %arg9[%swap3A_837, %swap3A_838], %select_n3A_833 {strides = array<i32>} : memref<16x512xf32, #tpu.memory_space<vmem>>, vector<16xf32>,
        %add3A_840 = arith.constant 0 : i32
        %add3A_841 = arith.addi %mul3A_423, %add3A_840 : i32
        %swap3A_842 = arith.index_cast %add3A_841 : i32 to index
        %swap3A_843 = arith.constant 464 : index
        %swap3A_844 = tpu.vector_load %arg9[%swap3A_842, %swap3A_843] {strides = array<i32>} : memref<16x512xf32, #tpu.memory_space<vmem>>, vector<16xf32>,
        tpu.vector_store %arg9[%swap3A_842, %swap3A_843], %select_n3A_834 {strides = array<i32>} : memref<16x512xf32, #tpu.memory_space<vmem>>, vector<16xf32>,
        %add3A_845 = arith.constant 240 : i32
        %add3A_846 = arith.addi %mul3A_427, %add3A_845 : i32
        %get3A_847 = arith.index_cast %add3A_846 : i32 to index
        %get3A_848 = tpu.vector_load %arg5[%get3A_847] {strides = array<i32>} : memref<4096xf32, #tpu.memory_space<vmem>>, vector<16xf32>,
        %add3A_849 = arith.constant 240 : i32
        %add3A_850 = arith.addi %mul3A_427, %add3A_849 : i32
        %get3A_851 = arith.index_cast %add3A_850 : i32 to index
        %get3A_852 = tpu.vector_load %arg7[%get3A_851] {strides = array<i32>} : memref<4096xf32, #tpu.memory_space<vmem>>, vector<16xf32>,
        %gather3A_853 = vector.shape_cast %broadcast_in_dim3A : vector<16x1xi32> to vector<16xi32>
        %gather3A_854 = tpu.dynamic_gather %get3A_848[%gather3A_853] in [0] : vector<16xf32>, vector<16xi32> -> vector<16xf32>
        %gather3A_855 = vector.shape_cast %broadcast_in_dim3A : vector<16x1xi32> to vector<16xi32>
        %gather3A_856 = tpu.dynamic_gather %get3A_852[%gather3A_855] in [0] : vector<16xf32>, vector<16xi32> -> vector<16xf32>
        %gather3A_857 = vector.shape_cast %broadcast_in_dim3A_48 : vector<16x1xi32> to vector<16xi32>
        %gather3A_858 = tpu.dynamic_gather %get3A_848[%gather3A_857] in [0] : vector<16xf32>, vector<16xi32> -> vector<16xf32>
        %gather3A_859 = vector.shape_cast %broadcast_in_dim3A_48 : vector<16x1xi32> to vector<16xi32>
        %gather3A_860 = tpu.dynamic_gather %get3A_852[%gather3A_859] in [0] : vector<16xf32>, vector<16xi32> -> vector<16xf32>
        %select_n3A_861 = arith.select %eq3A_52, %gather3A_854, %gather3A_856 : vector<16xi1>, vector<16xf32>
        %select_n3A_862 = arith.select %eq3A_52, %gather3A_858, %gather3A_860 : vector<16xi1>, vector<16xf32>
        %add3A_863 = arith.constant 0 : i32
        %add3A_864 = arith.addi %mul3A_423, %add3A_863 : i32
        %swap3A_865 = arith.index_cast %add3A_864 : i32 to index
        %swap3A_866 = arith.constant 480 : index
        %swap3A_867 = tpu.vector_load %arg9[%swap3A_865, %swap3A_866] {strides = array<i32>} : memref<16x512xf32, #tpu.memory_space<vmem>>, vector<16xf32>,
        tpu.vector_store %arg9[%swap3A_865, %swap3A_866], %select_n3A_861 {strides = array<i32>} : memref<16x512xf32, #tpu.memory_space<vmem>>, vector<16xf32>,
        %add3A_868 = arith.constant 0 : i32
        %add3A_869 = arith.addi %mul3A_423, %add3A_868 : i32
        %swap3A_870 = arith.index_cast %add3A_869 : i32 to index
        %swap3A_871 = arith.constant 496 : index
        %swap3A_872 = tpu.vector_load %arg9[%swap3A_870, %swap3A_871] {strides = array<i32>} : memref<16x512xf32, #tpu.memory_space<vmem>>, vector<16xf32>,
        tpu.vector_store %arg9[%swap3A_870, %swap3A_871], %select_n3A_862 {strides = array<i32>} : memref<16x512xf32, #tpu.memory_space<vmem>>, vector<16xf32>,
        %add3A_873 = arith.constant 1 : i32
        %add3A_874 = arith.addi %mul3A_423, %add3A_873 : i32
        %mul3A_875 = arith.constant 256 : i32
        %mul3A_876 = arith.muli %add3A_874, %mul3A_875 : i32
        %add3A_877 = arith.constant 0 : i32
        %add3A_878 = arith.addi %mul3A_876, %add3A_877 : i32
        %get3A_879 = arith.index_cast %add3A_878 : i32 to index
        %get3A_880 = tpu.vector_load %arg5[%get3A_879] {strides = array<i32>} : memref<4096xf32, #tpu.memory_space<vmem>>, vector<16xf32>,
        %add3A_881 = arith.constant 0 : i32
        %add3A_882 = arith.addi %mul3A_876, %add3A_881 : i32
        %get3A_883 = arith.index_cast %add3A_882 : i32 to index
        %get3A_884 = tpu.vector_load %arg7[%get3A_883] {strides = array<i32>} : memref<4096xf32, #tpu.memory_space<vmem>>, vector<16xf32>,
        %gather3A_885 = vector.shape_cast %broadcast_in_dim3A : vector<16x1xi32> to vector<16xi32>
        %gather3A_886 = tpu.dynamic_gather %get3A_880[%gather3A_885] in [0] : vector<16xf32>, vector<16xi32> -> vector<16xf32>
        %gather3A_887 = vector.shape_cast %broadcast_in_dim3A : vector<16x1xi32> to vector<16xi32>
        %gather3A_888 = tpu.dynamic_gather %get3A_884[%gather3A_887] in [0] : vector<16xf32>, vector<16xi32> -> vector<16xf32>
        %gather3A_889 = vector.shape_cast %broadcast_in_dim3A_48 : vector<16x1xi32> to vector<16xi32>
        %gather3A_890 = tpu.dynamic_gather %get3A_880[%gather3A_889] in [0] : vector<16xf32>, vector<16xi32> -> vector<16xf32>
        %gather3A_891 = vector.shape_cast %broadcast_in_dim3A_48 : vector<16x1xi32> to vector<16xi32>
        %gather3A_892 = tpu.dynamic_gather %get3A_884[%gather3A_891] in [0] : vector<16xf32>, vector<16xi32> -> vector<16xf32>
        %select_n3A_893 = arith.select %eq3A_52, %gather3A_888, %gather3A_886 : vector<16xi1>, vector<16xf32>
        %select_n3A_894 = arith.select %eq3A_52, %gather3A_892, %gather3A_890 : vector<16xi1>, vector<16xf32>
        %add3A_895 = arith.constant 1 : i32
        %add3A_896 = arith.addi %mul3A_423, %add3A_895 : i32
        %swap3A_897 = arith.index_cast %add3A_896 : i32 to index
        %swap3A_898 = arith.constant 0 : index
        %swap3A_899 = tpu.vector_load %arg9[%swap3A_897, %swap3A_898] {strides = array<i32>} : memref<16x512xf32, #tpu.memory_space<vmem>>, vector<16xf32>,
        tpu.vector_store %arg9[%swap3A_897, %swap3A_898], %select_n3A_893 {strides = array<i32>} : memref<16x512xf32, #tpu.memory_space<vmem>>, vector<16xf32>,
        %add3A_900 = arith.constant 1 : i32
        %add3A_901 = arith.addi %mul3A_423, %add3A_900 : i32
        %swap3A_902 = arith.index_cast %add3A_901 : i32 to index
        %swap3A_903 = arith.constant 16 : index
        %swap3A_904 = tpu.vector_load %arg9[%swap3A_902, %swap3A_903] {strides = array<i32>} : memref<16x512xf32, #tpu.memory_space<vmem>>, vector<16xf32>,
        tpu.vector_store %arg9[%swap3A_902, %swap3A_903], %select_n3A_894 {strides = array<i32>} : memref<16x512xf32, #tpu.memory_space<vmem>>, vector<16xf32>,
        %add3A_905 = arith.constant 16 : i32
        %add3A_906 = arith.addi %mul3A_876, %add3A_905 : i32
        %get3A_907 = arith.index_cast %add3A_906 : i32 to index
        %get3A_908 = tpu.vector_load %arg5[%get3A_907] {strides = array<i32>} : memref<4096xf32, #tpu.memory_space<vmem>>, vector<16xf32>,
        %add3A_909 = arith.constant 16 : i32
        %add3A_910 = arith.addi %mul3A_876, %add3A_909 : i32
        %get3A_911 = arith.index_cast %add3A_910 : i32 to index
        %get3A_912 = tpu.vector_load %arg7[%get3A_911] {strides = array<i32>} : memref<4096xf32, #tpu.memory_space<vmem>>, vector<16xf32>,
        %gather3A_913 = vector.shape_cast %broadcast_in_dim3A : vector<16x1xi32> to vector<16xi32>
        %gather3A_914 = tpu.dynamic_gather %get3A_908[%gather3A_913] in [0] : vector<16xf32>, vector<16xi32> -> vector<16xf32>
        %gather3A_915 = vector.shape_cast %broadcast_in_dim3A : vector<16x1xi32> to vector<16xi32>
        %gather3A_916 = tpu.dynamic_gather %get3A_912[%gather3A_915] in [0] : vector<16xf32>, vector<16xi32> -> vector<16xf32>
        %gather3A_917 = vector.shape_cast %broadcast_in_dim3A_48 : vector<16x1xi32> to vector<16xi32>
        %gather3A_918 = tpu.dynamic_gather %get3A_908[%gather3A_917] in [0] : vector<16xf32>, vector<16xi32> -> vector<16xf32>
        %gather3A_919 = vector.shape_cast %broadcast_in_dim3A_48 : vector<16x1xi32> to vector<16xi32>
        %gather3A_920 = tpu.dynamic_gather %get3A_912[%gather3A_919] in [0] : vector<16xf32>, vector<16xi32> -> vector<16xf32>
        %select_n3A_921 = arith.select %eq3A_52, %gather3A_916, %gather3A_914 : vector<16xi1>, vector<16xf32>
        %select_n3A_922 = arith.select %eq3A_52, %gather3A_920, %gather3A_918 : vector<16xi1>, vector<16xf32>
        %add3A_923 = arith.constant 1 : i32
        %add3A_924 = arith.addi %mul3A_423, %add3A_923 : i32
        %swap3A_925 = arith.index_cast %add3A_924 : i32 to index
        %swap3A_926 = arith.constant 32 : index
        %swap3A_927 = tpu.vector_load %arg9[%swap3A_925, %swap3A_926] {strides = array<i32>} : memref<16x512xf32, #tpu.memory_space<vmem>>, vector<16xf32>,
        tpu.vector_store %arg9[%swap3A_925, %swap3A_926], %select_n3A_921 {strides = array<i32>} : memref<16x512xf32, #tpu.memory_space<vmem>>, vector<16xf32>,
        %add3A_928 = arith.constant 1 : i32
        %add3A_929 = arith.addi %mul3A_423, %add3A_928 : i32
        %swap3A_930 = arith.index_cast %add3A_929 : i32 to index
        %swap3A_931 = arith.constant 48 : index
        %swap3A_932 = tpu.vector_load %arg9[%swap3A_930, %swap3A_931] {strides = array<i32>} : memref<16x512xf32, #tpu.memory_space<vmem>>, vector<16xf32>,
        tpu.vector_store %arg9[%swap3A_930, %swap3A_931], %select_n3A_922 {strides = array<i32>} : memref<16x512xf32, #tpu.memory_space<vmem>>, vector<16xf32>,
        %add3A_933 = arith.constant 32 : i32
        %add3A_934 = arith.addi %mul3A_876, %add3A_933 : i32
        %get3A_935 = arith.index_cast %add3A_934 : i32 to index
        %get3A_936 = tpu.vector_load %arg5[%get3A_935] {strides = array<i32>} : memref<4096xf32, #tpu.memory_space<vmem>>, vector<16xf32>,
        %add3A_937 = arith.constant 32 : i32
        %add3A_938 = arith.addi %mul3A_876, %add3A_937 : i32
        %get3A_939 = arith.index_cast %add3A_938 : i32 to index
        %get3A_940 = tpu.vector_load %arg7[%get3A_939] {strides = array<i32>} : memref<4096xf32, #tpu.memory_space<vmem>>, vector<16xf32>,
        %gather3A_941 = vector.shape_cast %broadcast_in_dim3A : vector<16x1xi32> to vector<16xi32>
        %gather3A_942 = tpu.dynamic_gather %get3A_936[%gather3A_941] in [0] : vector<16xf32>, vector<16xi32> -> vector<16xf32>
        %gather3A_943 = vector.shape_cast %broadcast_in_dim3A : vector<16x1xi32> to vector<16xi32>
        %gather3A_944 = tpu.dynamic_gather %get3A_940[%gather3A_943] in [0] : vector<16xf32>, vector<16xi32> -> vector<16xf32>
        %gather3A_945 = vector.shape_cast %broadcast_in_dim3A_48 : vector<16x1xi32> to vector<16xi32>
        %gather3A_946 = tpu.dynamic_gather %get3A_936[%gather3A_945] in [0] : vector<16xf32>, vector<16xi32> -> vector<16xf32>
        %gather3A_947 = vector.shape_cast %broadcast_in_dim3A_48 : vector<16x1xi32> to vector<16xi32>
        %gather3A_948 = tpu.dynamic_gather %get3A_940[%gather3A_947] in [0] : vector<16xf32>, vector<16xi32> -> vector<16xf32>
        %select_n3A_949 = arith.select %eq3A_52, %gather3A_944, %gather3A_942 : vector<16xi1>, vector<16xf32>
        %select_n3A_950 = arith.select %eq3A_52, %gather3A_948, %gather3A_946 : vector<16xi1>, vector<16xf32>
        %add3A_951 = arith.constant 1 : i32
        %add3A_952 = arith.addi %mul3A_423, %add3A_951 : i32
        %swap3A_953 = arith.index_cast %add3A_952 : i32 to index
        %swap3A_954 = arith.constant 64 : index
        %swap3A_955 = tpu.vector_load %arg9[%swap3A_953, %swap3A_954] {strides = array<i32>} : memref<16x512xf32, #tpu.memory_space<vmem>>, vector<16xf32>,
        tpu.vector_store %arg9[%swap3A_953, %swap3A_954], %select_n3A_949 {strides = array<i32>} : memref<16x512xf32, #tpu.memory_space<vmem>>, vector<16xf32>,
        %add3A_956 = arith.constant 1 : i32
        %add3A_957 = arith.addi %mul3A_423, %add3A_956 : i32
        %swap3A_958 = arith.index_cast %add3A_957 : i32 to index
        %swap3A_959 = arith.constant 80 : index
        %swap3A_960 = tpu.vector_load %arg9[%swap3A_958, %swap3A_959] {strides = array<i32>} : memref<16x512xf32, #tpu.memory_space<vmem>>, vector<16xf32>,
        tpu.vector_store %arg9[%swap3A_958, %swap3A_959], %select_n3A_950 {strides = array<i32>} : memref<16x512xf32, #tpu.memory_space<vmem>>, vector<16xf32>,
        %add3A_961 = arith.constant 48 : i32
        %add3A_962 = arith.addi %mul3A_876, %add3A_961 : i32
        %get3A_963 = arith.index_cast %add3A_962 : i32 to index
        %get3A_964 = tpu.vector_load %arg5[%get3A_963] {strides = array<i32>} : memref<4096xf32, #tpu.memory_space<vmem>>, vector<16xf32>,
        %add3A_965 = arith.constant 48 : i32
        %add3A_966 = arith.addi %mul3A_876, %add3A_965 : i32
        %get3A_967 = arith.index_cast %add3A_966 : i32 to index
        %get3A_968 = tpu.vector_load %arg7[%get3A_967] {strides = array<i32>} : memref<4096xf32, #tpu.memory_space<vmem>>, vector<16xf32>,
        %gather3A_969 = vector.shape_cast %broadcast_in_dim3A : vector<16x1xi32> to vector<16xi32>
        %gather3A_970 = tpu.dynamic_gather %get3A_964[%gather3A_969] in [0] : vector<16xf32>, vector<16xi32> -> vector<16xf32>
        %gather3A_971 = vector.shape_cast %broadcast_in_dim3A : vector<16x1xi32> to vector<16xi32>
        %gather3A_972 = tpu.dynamic_gather %get3A_968[%gather3A_971] in [0] : vector<16xf32>, vector<16xi32> -> vector<16xf32>
        %gather3A_973 = vector.shape_cast %broadcast_in_dim3A_48 : vector<16x1xi32> to vector<16xi32>
        %gather3A_974 = tpu.dynamic_gather %get3A_964[%gather3A_973] in [0] : vector<16xf32>, vector<16xi32> -> vector<16xf32>
        %gather3A_975 = vector.shape_cast %broadcast_in_dim3A_48 : vector<16x1xi32> to vector<16xi32>
        %gather3A_976 = tpu.dynamic_gather %get3A_968[%gather3A_975] in [0] : vector<16xf32>, vector<16xi32> -> vector<16xf32>
        %select_n3A_977 = arith.select %eq3A_52, %gather3A_972, %gather3A_970 : vector<16xi1>, vector<16xf32>
        %select_n3A_978 = arith.select %eq3A_52, %gather3A_976, %gather3A_974 : vector<16xi1>, vector<16xf32>
        %add3A_979 = arith.constant 1 : i32
        %add3A_980 = arith.addi %mul3A_423, %add3A_979 : i32
        %swap3A_981 = arith.index_cast %add3A_980 : i32 to index
        %swap3A_982 = arith.constant 96 : index
        %swap3A_983 = tpu.vector_load %arg9[%swap3A_981, %swap3A_982] {strides = array<i32>} : memref<16x512xf32, #tpu.memory_space<vmem>>, vector<16xf32>,
        tpu.vector_store %arg9[%swap3A_981, %swap3A_982], %select_n3A_977 {strides = array<i32>} : memref<16x512xf32, #tpu.memory_space<vmem>>, vector<16xf32>,
        %add3A_984 = arith.constant 1 : i32
        %add3A_985 = arith.addi %mul3A_423, %add3A_984 : i32
        %swap3A_986 = arith.index_cast %add3A_985 : i32 to index
        %swap3A_987 = arith.constant 112 : index
        %swap3A_988 = tpu.vector_load %arg9[%swap3A_986, %swap3A_987] {strides = array<i32>} : memref<16x512xf32, #tpu.memory_space<vmem>>, vector<16xf32>,
        tpu.vector_store %arg9[%swap3A_986, %swap3A_987], %select_n3A_978 {strides = array<i32>} : memref<16x512xf32, #tpu.memory_space<vmem>>, vector<16xf32>,
        %add3A_989 = arith.constant 64 : i32
        %add3A_990 = arith.addi %mul3A_876, %add3A_989 : i32
        %get3A_991 = arith.index_cast %add3A_990 : i32 to index
        %get3A_992 = tpu.vector_load %arg5[%get3A_991] {strides = array<i32>} : memref<4096xf32, #tpu.memory_space<vmem>>, vector<16xf32>,
        %add3A_993 = arith.constant 64 : i32
        %add3A_994 = arith.addi %mul3A_876, %add3A_993 : i32
        %get3A_995 = arith.index_cast %add3A_994 : i32 to index
        %get3A_996 = tpu.vector_load %arg7[%get3A_995] {strides = array<i32>} : memref<4096xf32, #tpu.memory_space<vmem>>, vector<16xf32>,
        %gather3A_997 = vector.shape_cast %broadcast_in_dim3A : vector<16x1xi32> to vector<16xi32>
        %gather3A_998 = tpu.dynamic_gather %get3A_992[%gather3A_997] in [0] : vector<16xf32>, vector<16xi32> -> vector<16xf32>
        %gather3A_999 = vector.shape_cast %broadcast_in_dim3A : vector<16x1xi32> to vector<16xi32>
        %gather3A_1000 = tpu.dynamic_gather %get3A_996[%gather3A_999] in [0] : vector<16xf32>, vector<16xi32> -> vector<16xf32>
        %gather3A_1001 = vector.shape_cast %broadcast_in_dim3A_48 : vector<16x1xi32> to vector<16xi32>
        %gather3A_1002 = tpu.dynamic_gather %get3A_992[%gather3A_1001] in [0] : vector<16xf32>, vector<16xi32> -> vector<16xf32>
        %gather3A_1003 = vector.shape_cast %broadcast_in_dim3A_48 : vector<16x1xi32> to vector<16xi32>
        %gather3A_1004 = tpu.dynamic_gather %get3A_996[%gather3A_1003] in [0] : vector<16xf32>, vector<16xi32> -> vector<16xf32>
        %select_n3A_1005 = arith.select %eq3A_52, %gather3A_1000, %gather3A_998 : vector<16xi1>, vector<16xf32>
        %select_n3A_1006 = arith.select %eq3A_52, %gather3A_1004, %gather3A_1002 : vector<16xi1>, vector<16xf32>
        %add3A_1007 = arith.constant 1 : i32
        %add3A_1008 = arith.addi %mul3A_423, %add3A_1007 : i32
        %swap3A_1009 = arith.index_cast %add3A_1008 : i32 to index
        %swap3A_1010 = arith.constant 128 : index
        %swap3A_1011 = tpu.vector_load %arg9[%swap3A_1009, %swap3A_1010] {strides = array<i32>} : memref<16x512xf32, #tpu.memory_space<vmem>>, vector<16xf32>,
        tpu.vector_store %arg9[%swap3A_1009, %swap3A_1010], %select_n3A_1005 {strides = array<i32>} : memref<16x512xf32, #tpu.memory_space<vmem>>, vector<16xf32>,
        %add3A_1012 = arith.constant 1 : i32
        %add3A_1013 = arith.addi %mul3A_423, %add3A_1012 : i32
        %swap3A_1014 = arith.index_cast %add3A_1013 : i32 to index
        %swap3A_1015 = arith.constant 144 : index
        %swap3A_1016 = tpu.vector_load %arg9[%swap3A_1014, %swap3A_1015] {strides = array<i32>} : memref<16x512xf32, #tpu.memory_space<vmem>>, vector<16xf32>,
        tpu.vector_store %arg9[%swap3A_1014, %swap3A_1015], %select_n3A_1006 {strides = array<i32>} : memref<16x512xf32, #tpu.memory_space<vmem>>, vector<16xf32>,
        %add3A_1017 = arith.constant 80 : i32
        %add3A_1018 = arith.addi %mul3A_876, %add3A_1017 : i32
        %get3A_1019 = arith.index_cast %add3A_1018 : i32 to index
        %get3A_1020 = tpu.vector_load %arg5[%get3A_1019] {strides = array<i32>} : memref<4096xf32, #tpu.memory_space<vmem>>, vector<16xf32>,
        %add3A_1021 = arith.constant 80 : i32
        %add3A_1022 = arith.addi %mul3A_876, %add3A_1021 : i32
        %get3A_1023 = arith.index_cast %add3A_1022 : i32 to index
        %get3A_1024 = tpu.vector_load %arg7[%get3A_1023] {strides = array<i32>} : memref<4096xf32, #tpu.memory_space<vmem>>, vector<16xf32>,
        %gather3A_1025 = vector.shape_cast %broadcast_in_dim3A : vector<16x1xi32> to vector<16xi32>
        %gather3A_1026 = tpu.dynamic_gather %get3A_1020[%gather3A_1025] in [0] : vector<16xf32>, vector<16xi32> -> vector<16xf32>
        %gather3A_1027 = vector.shape_cast %broadcast_in_dim3A : vector<16x1xi32> to vector<16xi32>
        %gather3A_1028 = tpu.dynamic_gather %get3A_1024[%gather3A_1027] in [0] : vector<16xf32>, vector<16xi32> -> vector<16xf32>
        %gather3A_1029 = vector.shape_cast %broadcast_in_dim3A_48 : vector<16x1xi32> to vector<16xi32>
        %gather3A_1030 = tpu.dynamic_gather %get3A_1020[%gather3A_1029] in [0] : vector<16xf32>, vector<16xi32> -> vector<16xf32>
        %gather3A_1031 = vector.shape_cast %broadcast_in_dim3A_48 : vector<16x1xi32> to vector<16xi32>
        %gather3A_1032 = tpu.dynamic_gather %get3A_1024[%gather3A_1031] in [0] : vector<16xf32>, vector<16xi32> -> vector<16xf32>
        %select_n3A_1033 = arith.select %eq3A_52, %gather3A_1028, %gather3A_1026 : vector<16xi1>, vector<16xf32>
        %select_n3A_1034 = arith.select %eq3A_52, %gather3A_1032, %gather3A_1030 : vector<16xi1>, vector<16xf32>
        %add3A_1035 = arith.constant 1 : i32
        %add3A_1036 = arith.addi %mul3A_423, %add3A_1035 : i32
        %swap3A_1037 = arith.index_cast %add3A_1036 : i32 to index
        %swap3A_1038 = arith.constant 160 : index
        %swap3A_1039 = tpu.vector_load %arg9[%swap3A_1037, %swap3A_1038] {strides = array<i32>} : memref<16x512xf32, #tpu.memory_space<vmem>>, vector<16xf32>,
        tpu.vector_store %arg9[%swap3A_1037, %swap3A_1038], %select_n3A_1033 {strides = array<i32>} : memref<16x512xf32, #tpu.memory_space<vmem>>, vector<16xf32>,
        %add3A_1040 = arith.constant 1 : i32
        %add3A_1041 = arith.addi %mul3A_423, %add3A_1040 : i32
        %swap3A_1042 = arith.index_cast %add3A_1041 : i32 to index
        %swap3A_1043 = arith.constant 176 : index
        %swap3A_1044 = tpu.vector_load %arg9[%swap3A_1042, %swap3A_1043] {strides = array<i32>} : memref<16x512xf32, #tpu.memory_space<vmem>>, vector<16xf32>,
        tpu.vector_store %arg9[%swap3A_1042, %swap3A_1043], %select_n3A_1034 {strides = array<i32>} : memref<16x512xf32, #tpu.memory_space<vmem>>, vector<16xf32>,
        %add3A_1045 = arith.constant 96 : i32
        %add3A_1046 = arith.addi %mul3A_876, %add3A_1045 : i32
        %get3A_1047 = arith.index_cast %add3A_1046 : i32 to index
        %get3A_1048 = tpu.vector_load %arg5[%get3A_1047] {strides = array<i32>} : memref<4096xf32, #tpu.memory_space<vmem>>, vector<16xf32>,
        %add3A_1049 = arith.constant 96 : i32
        %add3A_1050 = arith.addi %mul3A_876, %add3A_1049 : i32
        %get3A_1051 = arith.index_cast %add3A_1050 : i32 to index
        %get3A_1052 = tpu.vector_load %arg7[%get3A_1051] {strides = array<i32>} : memref<4096xf32, #tpu.memory_space<vmem>>, vector<16xf32>,
        %gather3A_1053 = vector.shape_cast %broadcast_in_dim3A : vector<16x1xi32> to vector<16xi32>
        %gather3A_1054 = tpu.dynamic_gather %get3A_1048[%gather3A_1053] in [0] : vector<16xf32>, vector<16xi32> -> vector<16xf32>
        %gather3A_1055 = vector.shape_cast %broadcast_in_dim3A : vector<16x1xi32> to vector<16xi32>
        %gather3A_1056 = tpu.dynamic_gather %get3A_1052[%gather3A_1055] in [0] : vector<16xf32>, vector<16xi32> -> vector<16xf32>
        %gather3A_1057 = vector.shape_cast %broadcast_in_dim3A_48 : vector<16x1xi32> to vector<16xi32>
        %gather3A_1058 = tpu.dynamic_gather %get3A_1048[%gather3A_1057] in [0] : vector<16xf32>, vector<16xi32> -> vector<16xf32>
        %gather3A_1059 = vector.shape_cast %broadcast_in_dim3A_48 : vector<16x1xi32> to vector<16xi32>
        %gather3A_1060 = tpu.dynamic_gather %get3A_1052[%gather3A_1059] in [0] : vector<16xf32>, vector<16xi32> -> vector<16xf32>
        %select_n3A_1061 = arith.select %eq3A_52, %gather3A_1056, %gather3A_1054 : vector<16xi1>, vector<16xf32>
        %select_n3A_1062 = arith.select %eq3A_52, %gather3A_1060, %gather3A_1058 : vector<16xi1>, vector<16xf32>
        %add3A_1063 = arith.constant 1 : i32
        %add3A_1064 = arith.addi %mul3A_423, %add3A_1063 : i32
        %swap3A_1065 = arith.index_cast %add3A_1064 : i32 to index
        %swap3A_1066 = arith.constant 192 : index
        %swap3A_1067 = tpu.vector_load %arg9[%swap3A_1065, %swap3A_1066] {strides = array<i32>} : memref<16x512xf32, #tpu.memory_space<vmem>>, vector<16xf32>,
        tpu.vector_store %arg9[%swap3A_1065, %swap3A_1066], %select_n3A_1061 {strides = array<i32>} : memref<16x512xf32, #tpu.memory_space<vmem>>, vector<16xf32>,
        %add3A_1068 = arith.constant 1 : i32
        %add3A_1069 = arith.addi %mul3A_423, %add3A_1068 : i32
        %swap3A_1070 = arith.index_cast %add3A_1069 : i32 to index
        %swap3A_1071 = arith.constant 208 : index
        %swap3A_1072 = tpu.vector_load %arg9[%swap3A_1070, %swap3A_1071] {strides = array<i32>} : memref<16x512xf32, #tpu.memory_space<vmem>>, vector<16xf32>,
        tpu.vector_store %arg9[%swap3A_1070, %swap3A_1071], %select_n3A_1062 {strides = array<i32>} : memref<16x512xf32, #tpu.memory_space<vmem>>, vector<16xf32>,
        %add3A_1073 = arith.constant 112 : i32
        %add3A_1074 = arith.addi %mul3A_876, %add3A_1073 : i32
        %get3A_1075 = arith.index_cast %add3A_1074 : i32 to index
        %get3A_1076 = tpu.vector_load %arg5[%get3A_1075] {strides = array<i32>} : memref<4096xf32, #tpu.memory_space<vmem>>, vector<16xf32>,
        %add3A_1077 = arith.constant 112 : i32
        %add3A_1078 = arith.addi %mul3A_876, %add3A_1077 : i32
        %get3A_1079 = arith.index_cast %add3A_1078 : i32 to index
        %get3A_1080 = tpu.vector_load %arg7[%get3A_1079] {strides = array<i32>} : memref<4096xf32, #tpu.memory_space<vmem>>, vector<16xf32>,
        %gather3A_1081 = vector.shape_cast %broadcast_in_dim3A : vector<16x1xi32> to vector<16xi32>
        %gather3A_1082 = tpu.dynamic_gather %get3A_1076[%gather3A_1081] in [0] : vector<16xf32>, vector<16xi32> -> vector<16xf32>
        %gather3A_1083 = vector.shape_cast %broadcast_in_dim3A : vector<16x1xi32> to vector<16xi32>
        %gather3A_1084 = tpu.dynamic_gather %get3A_1080[%gather3A_1083] in [0] : vector<16xf32>, vector<16xi32> -> vector<16xf32>
        %gather3A_1085 = vector.shape_cast %broadcast_in_dim3A_48 : vector<16x1xi32> to vector<16xi32>
        %gather3A_1086 = tpu.dynamic_gather %get3A_1076[%gather3A_1085] in [0] : vector<16xf32>, vector<16xi32> -> vector<16xf32>
        %gather3A_1087 = vector.shape_cast %broadcast_in_dim3A_48 : vector<16x1xi32> to vector<16xi32>
        %gather3A_1088 = tpu.dynamic_gather %get3A_1080[%gather3A_1087] in [0] : vector<16xf32>, vector<16xi32> -> vector<16xf32>
        %select_n3A_1089 = arith.select %eq3A_52, %gather3A_1084, %gather3A_1082 : vector<16xi1>, vector<16xf32>
        %select_n3A_1090 = arith.select %eq3A_52, %gather3A_1088, %gather3A_1086 : vector<16xi1>, vector<16xf32>
        %add3A_1091 = arith.constant 1 : i32
        %add3A_1092 = arith.addi %mul3A_423, %add3A_1091 : i32
        %swap3A_1093 = arith.index_cast %add3A_1092 : i32 to index
        %swap3A_1094 = arith.constant 224 : index
        %swap3A_1095 = tpu.vector_load %arg9[%swap3A_1093, %swap3A_1094] {strides = array<i32>} : memref<16x512xf32, #tpu.memory_space<vmem>>, vector<16xf32>,
        tpu.vector_store %arg9[%swap3A_1093, %swap3A_1094], %select_n3A_1089 {strides = array<i32>} : memref<16x512xf32, #tpu.memory_space<vmem>>, vector<16xf32>,
        %add3A_1096 = arith.constant 1 : i32
        %add3A_1097 = arith.addi %mul3A_423, %add3A_1096 : i32
        %swap3A_1098 = arith.index_cast %add3A_1097 : i32 to index
        %swap3A_1099 = arith.constant 240 : index
        %swap3A_1100 = tpu.vector_load %arg9[%swap3A_1098, %swap3A_1099] {strides = array<i32>} : memref<16x512xf32, #tpu.memory_space<vmem>>, vector<16xf32>,
        tpu.vector_store %arg9[%swap3A_1098, %swap3A_1099], %select_n3A_1090 {strides = array<i32>} : memref<16x512xf32, #tpu.memory_space<vmem>>, vector<16xf32>,
        %add3A_1101 = arith.constant 128 : i32
        %add3A_1102 = arith.addi %mul3A_876, %add3A_1101 : i32
        %get3A_1103 = arith.index_cast %add3A_1102 : i32 to index
        %get3A_1104 = tpu.vector_load %arg5[%get3A_1103] {strides = array<i32>} : memref<4096xf32, #tpu.memory_space<vmem>>, vector<16xf32>,
        %add3A_1105 = arith.constant 128 : i32
        %add3A_1106 = arith.addi %mul3A_876, %add3A_1105 : i32
        %get3A_1107 = arith.index_cast %add3A_1106 : i32 to index
        %get3A_1108 = tpu.vector_load %arg7[%get3A_1107] {strides = array<i32>} : memref<4096xf32, #tpu.memory_space<vmem>>, vector<16xf32>,
        %gather3A_1109 = vector.shape_cast %broadcast_in_dim3A : vector<16x1xi32> to vector<16xi32>
        %gather3A_1110 = tpu.dynamic_gather %get3A_1104[%gather3A_1109] in [0] : vector<16xf32>, vector<16xi32> -> vector<16xf32>
        %gather3A_1111 = vector.shape_cast %broadcast_in_dim3A : vector<16x1xi32> to vector<16xi32>
        %gather3A_1112 = tpu.dynamic_gather %get3A_1108[%gather3A_1111] in [0] : vector<16xf32>, vector<16xi32> -> vector<16xf32>
        %gather3A_1113 = vector.shape_cast %broadcast_in_dim3A_48 : vector<16x1xi32> to vector<16xi32>
        %gather3A_1114 = tpu.dynamic_gather %get3A_1104[%gather3A_1113] in [0] : vector<16xf32>, vector<16xi32> -> vector<16xf32>
        %gather3A_1115 = vector.shape_cast %broadcast_in_dim3A_48 : vector<16x1xi32> to vector<16xi32>
        %gather3A_1116 = tpu.dynamic_gather %get3A_1108[%gather3A_1115] in [0] : vector<16xf32>, vector<16xi32> -> vector<16xf32>
        %select_n3A_1117 = arith.select %eq3A_52, %gather3A_1112, %gather3A_1110 : vector<16xi1>, vector<16xf32>
        %select_n3A_1118 = arith.select %eq3A_52, %gather3A_1116, %gather3A_1114 : vector<16xi1>, vector<16xf32>
        %add3A_1119 = arith.constant 1 : i32
        %add3A_1120 = arith.addi %mul3A_423, %add3A_1119 : i32
        %swap3A_1121 = arith.index_cast %add3A_1120 : i32 to index
        %swap3A_1122 = arith.constant 256 : index
        %swap3A_1123 = tpu.vector_load %arg9[%swap3A_1121, %swap3A_1122] {strides = array<i32>} : memref<16x512xf32, #tpu.memory_space<vmem>>, vector<16xf32>,
        tpu.vector_store %arg9[%swap3A_1121, %swap3A_1122], %select_n3A_1117 {strides = array<i32>} : memref<16x512xf32, #tpu.memory_space<vmem>>, vector<16xf32>,
        %add3A_1124 = arith.constant 1 : i32
        %add3A_1125 = arith.addi %mul3A_423, %add3A_1124 : i32
        %swap3A_1126 = arith.index_cast %add3A_1125 : i32 to index
        %swap3A_1127 = arith.constant 272 : index
        %swap3A_1128 = tpu.vector_load %arg9[%swap3A_1126, %swap3A_1127] {strides = array<i32>} : memref<16x512xf32, #tpu.memory_space<vmem>>, vector<16xf32>,
        tpu.vector_store %arg9[%swap3A_1126, %swap3A_1127], %select_n3A_1118 {strides = array<i32>} : memref<16x512xf32, #tpu.memory_space<vmem>>, vector<16xf32>,
        %add3A_1129 = arith.constant 144 : i32
        %add3A_1130 = arith.addi %mul3A_876, %add3A_1129 : i32
        %get3A_1131 = arith.index_cast %add3A_1130 : i32 to index
        %get3A_1132 = tpu.vector_load %arg5[%get3A_1131] {strides = array<i32>} : memref<4096xf32, #tpu.memory_space<vmem>>, vector<16xf32>,
        %add3A_1133 = arith.constant 144 : i32
        %add3A_1134 = arith.addi %mul3A_876, %add3A_1133 : i32
        %get3A_1135 = arith.index_cast %add3A_1134 : i32 to index
        %get3A_1136 = tpu.vector_load %arg7[%get3A_1135] {strides = array<i32>} : memref<4096xf32, #tpu.memory_space<vmem>>, vector<16xf32>,
        %gather3A_1137 = vector.shape_cast %broadcast_in_dim3A : vector<16x1xi32> to vector<16xi32>
        %gather3A_1138 = tpu.dynamic_gather %get3A_1132[%gather3A_1137] in [0] : vector<16xf32>, vector<16xi32> -> vector<16xf32>
        %gather3A_1139 = vector.shape_cast %broadcast_in_dim3A : vector<16x1xi32> to vector<16xi32>
        %gather3A_1140 = tpu.dynamic_gather %get3A_1136[%gather3A_1139] in [0] : vector<16xf32>, vector<16xi32> -> vector<16xf32>
        %gather3A_1141 = vector.shape_cast %broadcast_in_dim3A_48 : vector<16x1xi32> to vector<16xi32>
        %gather3A_1142 = tpu.dynamic_gather %get3A_1132[%gather3A_1141] in [0] : vector<16xf32>, vector<16xi32> -> vector<16xf32>
        %gather3A_1143 = vector.shape_cast %broadcast_in_dim3A_48 : vector<16x1xi32> to vector<16xi32>
        %gather3A_1144 = tpu.dynamic_gather %get3A_1136[%gather3A_1143] in [0] : vector<16xf32>, vector<16xi32> -> vector<16xf32>
        %select_n3A_1145 = arith.select %eq3A_52, %gather3A_1140, %gather3A_1138 : vector<16xi1>, vector<16xf32>
        %select_n3A_1146 = arith.select %eq3A_52, %gather3A_1144, %gather3A_1142 : vector<16xi1>, vector<16xf32>
        %add3A_1147 = arith.constant 1 : i32
        %add3A_1148 = arith.addi %mul3A_423, %add3A_1147 : i32
        %swap3A_1149 = arith.index_cast %add3A_1148 : i32 to index
        %swap3A_1150 = arith.constant 288 : index
        %swap3A_1151 = tpu.vector_load %arg9[%swap3A_1149, %swap3A_1150] {strides = array<i32>} : memref<16x512xf32, #tpu.memory_space<vmem>>, vector<16xf32>,
        tpu.vector_store %arg9[%swap3A_1149, %swap3A_1150], %select_n3A_1145 {strides = array<i32>} : memref<16x512xf32, #tpu.memory_space<vmem>>, vector<16xf32>,
        %add3A_1152 = arith.constant 1 : i32
        %add3A_1153 = arith.addi %mul3A_423, %add3A_1152 : i32
        %swap3A_1154 = arith.index_cast %add3A_1153 : i32 to index
        %swap3A_1155 = arith.constant 304 : index
        %swap3A_1156 = tpu.vector_load %arg9[%swap3A_1154, %swap3A_1155] {strides = array<i32>} : memref<16x512xf32, #tpu.memory_space<vmem>>, vector<16xf32>,
        tpu.vector_store %arg9[%swap3A_1154, %swap3A_1155], %select_n3A_1146 {strides = array<i32>} : memref<16x512xf32, #tpu.memory_space<vmem>>, vector<16xf32>,
        %add3A_1157 = arith.constant 160 : i32
        %add3A_1158 = arith.addi %mul3A_876, %add3A_1157 : i32
        %get3A_1159 = arith.index_cast %add3A_1158 : i32 to index
        %get3A_1160 = tpu.vector_load %arg5[%get3A_1159] {strides = array<i32>} : memref<4096xf32, #tpu.memory_space<vmem>>, vector<16xf32>,
        %add3A_1161 = arith.constant 160 : i32
        %add3A_1162 = arith.addi %mul3A_876, %add3A_1161 : i32
        %get3A_1163 = arith.index_cast %add3A_1162 : i32 to index
        %get3A_1164 = tpu.vector_load %arg7[%get3A_1163] {strides = array<i32>} : memref<4096xf32, #tpu.memory_space<vmem>>, vector<16xf32>,
        %gather3A_1165 = vector.shape_cast %broadcast_in_dim3A : vector<16x1xi32> to vector<16xi32>
        %gather3A_1166 = tpu.dynamic_gather %get3A_1160[%gather3A_1165] in [0] : vector<16xf32>, vector<16xi32> -> vector<16xf32>
        %gather3A_1167 = vector.shape_cast %broadcast_in_dim3A : vector<16x1xi32> to vector<16xi32>
        %gather3A_1168 = tpu.dynamic_gather %get3A_1164[%gather3A_1167] in [0] : vector<16xf32>, vector<16xi32> -> vector<16xf32>
        %gather3A_1169 = vector.shape_cast %broadcast_in_dim3A_48 : vector<16x1xi32> to vector<16xi32>
        %gather3A_1170 = tpu.dynamic_gather %get3A_1160[%gather3A_1169] in [0] : vector<16xf32>, vector<16xi32> -> vector<16xf32>
        %gather3A_1171 = vector.shape_cast %broadcast_in_dim3A_48 : vector<16x1xi32> to vector<16xi32>
        %gather3A_1172 = tpu.dynamic_gather %get3A_1164[%gather3A_1171] in [0] : vector<16xf32>, vector<16xi32> -> vector<16xf32>
        %select_n3A_1173 = arith.select %eq3A_52, %gather3A_1168, %gather3A_1166 : vector<16xi1>, vector<16xf32>
        %select_n3A_1174 = arith.select %eq3A_52, %gather3A_1172, %gather3A_1170 : vector<16xi1>, vector<16xf32>
        %add3A_1175 = arith.constant 1 : i32
        %add3A_1176 = arith.addi %mul3A_423, %add3A_1175 : i32
        %swap3A_1177 = arith.index_cast %add3A_1176 : i32 to index
        %swap3A_1178 = arith.constant 320 : index
        %swap3A_1179 = tpu.vector_load %arg9[%swap3A_1177, %swap3A_1178] {strides = array<i32>} : memref<16x512xf32, #tpu.memory_space<vmem>>, vector<16xf32>,
        tpu.vector_store %arg9[%swap3A_1177, %swap3A_1178], %select_n3A_1173 {strides = array<i32>} : memref<16x512xf32, #tpu.memory_space<vmem>>, vector<16xf32>,
        %add3A_1180 = arith.constant 1 : i32
        %add3A_1181 = arith.addi %mul3A_423, %add3A_1180 : i32
        %swap3A_1182 = arith.index_cast %add3A_1181 : i32 to index
        %swap3A_1183 = arith.constant 336 : index
        %swap3A_1184 = tpu.vector_load %arg9[%swap3A_1182, %swap3A_1183] {strides = array<i32>} : memref<16x512xf32, #tpu.memory_space<vmem>>, vector<16xf32>,
        tpu.vector_store %arg9[%swap3A_1182, %swap3A_1183], %select_n3A_1174 {strides = array<i32>} : memref<16x512xf32, #tpu.memory_space<vmem>>, vector<16xf32>,
        %add3A_1185 = arith.constant 176 : i32
        %add3A_1186 = arith.addi %mul3A_876, %add3A_1185 : i32
        %get3A_1187 = arith.index_cast %add3A_1186 : i32 to index
        %get3A_1188 = tpu.vector_load %arg5[%get3A_1187] {strides = array<i32>} : memref<4096xf32, #tpu.memory_space<vmem>>, vector<16xf32>,
        %add3A_1189 = arith.constant 176 : i32
        %add3A_1190 = arith.addi %mul3A_876, %add3A_1189 : i32
        %get3A_1191 = arith.index_cast %add3A_1190 : i32 to index
        %get3A_1192 = tpu.vector_load %arg7[%get3A_1191] {strides = array<i32>} : memref<4096xf32, #tpu.memory_space<vmem>>, vector<16xf32>,
        %gather3A_1193 = vector.shape_cast %broadcast_in_dim3A : vector<16x1xi32> to vector<16xi32>
        %gather3A_1194 = tpu.dynamic_gather %get3A_1188[%gather3A_1193] in [0] : vector<16xf32>, vector<16xi32> -> vector<16xf32>
        %gather3A_1195 = vector.shape_cast %broadcast_in_dim3A : vector<16x1xi32> to vector<16xi32>
        %gather3A_1196 = tpu.dynamic_gather %get3A_1192[%gather3A_1195] in [0] : vector<16xf32>, vector<16xi32> -> vector<16xf32>
        %gather3A_1197 = vector.shape_cast %broadcast_in_dim3A_48 : vector<16x1xi32> to vector<16xi32>
        %gather3A_1198 = tpu.dynamic_gather %get3A_1188[%gather3A_1197] in [0] : vector<16xf32>, vector<16xi32> -> vector<16xf32>
        %gather3A_1199 = vector.shape_cast %broadcast_in_dim3A_48 : vector<16x1xi32> to vector<16xi32>
        %gather3A_1200 = tpu.dynamic_gather %get3A_1192[%gather3A_1199] in [0] : vector<16xf32>, vector<16xi32> -> vector<16xf32>
        %select_n3A_1201 = arith.select %eq3A_52, %gather3A_1196, %gather3A_1194 : vector<16xi1>, vector<16xf32>
        %select_n3A_1202 = arith.select %eq3A_52, %gather3A_1200, %gather3A_1198 : vector<16xi1>, vector<16xf32>
        %add3A_1203 = arith.constant 1 : i32
        %add3A_1204 = arith.addi %mul3A_423, %add3A_1203 : i32
        %swap3A_1205 = arith.index_cast %add3A_1204 : i32 to index
        %swap3A_1206 = arith.constant 352 : index
        %swap3A_1207 = tpu.vector_load %arg9[%swap3A_1205, %swap3A_1206] {strides = array<i32>} : memref<16x512xf32, #tpu.memory_space<vmem>>, vector<16xf32>,
        tpu.vector_store %arg9[%swap3A_1205, %swap3A_1206], %select_n3A_1201 {strides = array<i32>} : memref<16x512xf32, #tpu.memory_space<vmem>>, vector<16xf32>,
        %add3A_1208 = arith.constant 1 : i32
        %add3A_1209 = arith.addi %mul3A_423, %add3A_1208 : i32
        %swap3A_1210 = arith.index_cast %add3A_1209 : i32 to index
        %swap3A_1211 = arith.constant 368 : index
        %swap3A_1212 = tpu.vector_load %arg9[%swap3A_1210, %swap3A_1211] {strides = array<i32>} : memref<16x512xf32, #tpu.memory_space<vmem>>, vector<16xf32>,
        tpu.vector_store %arg9[%swap3A_1210, %swap3A_1211], %select_n3A_1202 {strides = array<i32>} : memref<16x512xf32, #tpu.memory_space<vmem>>, vector<16xf32>,
        %add3A_1213 = arith.constant 192 : i32
        %add3A_1214 = arith.addi %mul3A_876, %add3A_1213 : i32
        %get3A_1215 = arith.index_cast %add3A_1214 : i32 to index
        %get3A_1216 = tpu.vector_load %arg5[%get3A_1215] {strides = array<i32>} : memref<4096xf32, #tpu.memory_space<vmem>>, vector<16xf32>,
        %add3A_1217 = arith.constant 192 : i32
        %add3A_1218 = arith.addi %mul3A_876, %add3A_1217 : i32
        %get3A_1219 = arith.index_cast %add3A_1218 : i32 to index
        %get3A_1220 = tpu.vector_load %arg7[%get3A_1219] {strides = array<i32>} : memref<4096xf32, #tpu.memory_space<vmem>>, vector<16xf32>,
        %gather3A_1221 = vector.shape_cast %broadcast_in_dim3A : vector<16x1xi32> to vector<16xi32>
        %gather3A_1222 = tpu.dynamic_gather %get3A_1216[%gather3A_1221] in [0] : vector<16xf32>, vector<16xi32> -> vector<16xf32>
        %gather3A_1223 = vector.shape_cast %broadcast_in_dim3A : vector<16x1xi32> to vector<16xi32>
        %gather3A_1224 = tpu.dynamic_gather %get3A_1220[%gather3A_1223] in [0] : vector<16xf32>, vector<16xi32> -> vector<16xf32>
        %gather3A_1225 = vector.shape_cast %broadcast_in_dim3A_48 : vector<16x1xi32> to vector<16xi32>
        %gather3A_1226 = tpu.dynamic_gather %get3A_1216[%gather3A_1225] in [0] : vector<16xf32>, vector<16xi32> -> vector<16xf32>
        %gather3A_1227 = vector.shape_cast %broadcast_in_dim3A_48 : vector<16x1xi32> to vector<16xi32>
        %gather3A_1228 = tpu.dynamic_gather %get3A_1220[%gather3A_1227] in [0] : vector<16xf32>, vector<16xi32> -> vector<16xf32>
        %select_n3A_1229 = arith.select %eq3A_52, %gather3A_1224, %gather3A_1222 : vector<16xi1>, vector<16xf32>
        %select_n3A_1230 = arith.select %eq3A_52, %gather3A_1228, %gather3A_1226 : vector<16xi1>, vector<16xf32>
        %add3A_1231 = arith.constant 1 : i32
        %add3A_1232 = arith.addi %mul3A_423, %add3A_1231 : i32
        %swap3A_1233 = arith.index_cast %add3A_1232 : i32 to index
        %swap3A_1234 = arith.constant 384 : index
        %swap3A_1235 = tpu.vector_load %arg9[%swap3A_1233, %swap3A_1234] {strides = array<i32>} : memref<16x512xf32, #tpu.memory_space<vmem>>, vector<16xf32>,
        tpu.vector_store %arg9[%swap3A_1233, %swap3A_1234], %select_n3A_1229 {strides = array<i32>} : memref<16x512xf32, #tpu.memory_space<vmem>>, vector<16xf32>,
        %add3A_1236 = arith.constant 1 : i32
        %add3A_1237 = arith.addi %mul3A_423, %add3A_1236 : i32
        %swap3A_1238 = arith.index_cast %add3A_1237 : i32 to index
        %swap3A_1239 = arith.constant 400 : index
        %swap3A_1240 = tpu.vector_load %arg9[%swap3A_1238, %swap3A_1239] {strides = array<i32>} : memref<16x512xf32, #tpu.memory_space<vmem>>, vector<16xf32>,
        tpu.vector_store %arg9[%swap3A_1238, %swap3A_1239], %select_n3A_1230 {strides = array<i32>} : memref<16x512xf32, #tpu.memory_space<vmem>>, vector<16xf32>,
        %add3A_1241 = arith.constant 208 : i32
        %add3A_1242 = arith.addi %mul3A_876, %add3A_1241 : i32
        %get3A_1243 = arith.index_cast %add3A_1242 : i32 to index
        %get3A_1244 = tpu.vector_load %arg5[%get3A_1243] {strides = array<i32>} : memref<4096xf32, #tpu.memory_space<vmem>>, vector<16xf32>,
        %add3A_1245 = arith.constant 208 : i32
        %add3A_1246 = arith.addi %mul3A_876, %add3A_1245 : i32
        %get3A_1247 = arith.index_cast %add3A_1246 : i32 to index
        %get3A_1248 = tpu.vector_load %arg7[%get3A_1247] {strides = array<i32>} : memref<4096xf32, #tpu.memory_space<vmem>>, vector<16xf32>,
        %gather3A_1249 = vector.shape_cast %broadcast_in_dim3A : vector<16x1xi32> to vector<16xi32>
        %gather3A_1250 = tpu.dynamic_gather %get3A_1244[%gather3A_1249] in [0] : vector<16xf32>, vector<16xi32> -> vector<16xf32>
        %gather3A_1251 = vector.shape_cast %broadcast_in_dim3A : vector<16x1xi32> to vector<16xi32>
        %gather3A_1252 = tpu.dynamic_gather %get3A_1248[%gather3A_1251] in [0] : vector<16xf32>, vector<16xi32> -> vector<16xf32>
        %gather3A_1253 = vector.shape_cast %broadcast_in_dim3A_48 : vector<16x1xi32> to vector<16xi32>
        %gather3A_1254 = tpu.dynamic_gather %get3A_1244[%gather3A_1253] in [0] : vector<16xf32>, vector<16xi32> -> vector<16xf32>
        %gather3A_1255 = vector.shape_cast %broadcast_in_dim3A_48 : vector<16x1xi32> to vector<16xi32>
        %gather3A_1256 = tpu.dynamic_gather %get3A_1248[%gather3A_1255] in [0] : vector<16xf32>, vector<16xi32> -> vector<16xf32>
        %select_n3A_1257 = arith.select %eq3A_52, %gather3A_1252, %gather3A_1250 : vector<16xi1>, vector<16xf32>
        %select_n3A_1258 = arith.select %eq3A_52, %gather3A_1256, %gather3A_1254 : vector<16xi1>, vector<16xf32>
        %add3A_1259 = arith.constant 1 : i32
        %add3A_1260 = arith.addi %mul3A_423, %add3A_1259 : i32
        %swap3A_1261 = arith.index_cast %add3A_1260 : i32 to index
        %swap3A_1262 = arith.constant 416 : index
        %swap3A_1263 = tpu.vector_load %arg9[%swap3A_1261, %swap3A_1262] {strides = array<i32>} : memref<16x512xf32, #tpu.memory_space<vmem>>, vector<16xf32>,
        tpu.vector_store %arg9[%swap3A_1261, %swap3A_1262], %select_n3A_1257 {strides = array<i32>} : memref<16x512xf32, #tpu.memory_space<vmem>>, vector<16xf32>,
        %add3A_1264 = arith.constant 1 : i32
        %add3A_1265 = arith.addi %mul3A_423, %add3A_1264 : i32
        %swap3A_1266 = arith.index_cast %add3A_1265 : i32 to index
        %swap3A_1267 = arith.constant 432 : index
        %swap3A_1268 = tpu.vector_load %arg9[%swap3A_1266, %swap3A_1267] {strides = array<i32>} : memref<16x512xf32, #tpu.memory_space<vmem>>, vector<16xf32>,
        tpu.vector_store %arg9[%swap3A_1266, %swap3A_1267], %select_n3A_1258 {strides = array<i32>} : memref<16x512xf32, #tpu.memory_space<vmem>>, vector<16xf32>,
        %add3A_1269 = arith.constant 224 : i32
        %add3A_1270 = arith.addi %mul3A_876, %add3A_1269 : i32
        %get3A_1271 = arith.index_cast %add3A_1270 : i32 to index
        %get3A_1272 = tpu.vector_load %arg5[%get3A_1271] {strides = array<i32>} : memref<4096xf32, #tpu.memory_space<vmem>>, vector<16xf32>,
        %add3A_1273 = arith.constant 224 : i32
        %add3A_1274 = arith.addi %mul3A_876, %add3A_1273 : i32
        %get3A_1275 = arith.index_cast %add3A_1274 : i32 to index
        %get3A_1276 = tpu.vector_load %arg7[%get3A_1275] {strides = array<i32>} : memref<4096xf32, #tpu.memory_space<vmem>>, vector<16xf32>,
        %gather3A_1277 = vector.shape_cast %broadcast_in_dim3A : vector<16x1xi32> to vector<16xi32>
        %gather3A_1278 = tpu.dynamic_gather %get3A_1272[%gather3A_1277] in [0] : vector<16xf32>, vector<16xi32> -> vector<16xf32>
        %gather3A_1279 = vector.shape_cast %broadcast_in_dim3A : vector<16x1xi32> to vector<16xi32>
        %gather3A_1280 = tpu.dynamic_gather %get3A_1276[%gather3A_1279] in [0] : vector<16xf32>, vector<16xi32> -> vector<16xf32>
        %gather3A_1281 = vector.shape_cast %broadcast_in_dim3A_48 : vector<16x1xi32> to vector<16xi32>
        %gather3A_1282 = tpu.dynamic_gather %get3A_1272[%gather3A_1281] in [0] : vector<16xf32>, vector<16xi32> -> vector<16xf32>
        %gather3A_1283 = vector.shape_cast %broadcast_in_dim3A_48 : vector<16x1xi32> to vector<16xi32>
        %gather3A_1284 = tpu.dynamic_gather %get3A_1276[%gather3A_1283] in [0] : vector<16xf32>, vector<16xi32> -> vector<16xf32>
        %select_n3A_1285 = arith.select %eq3A_52, %gather3A_1280, %gather3A_1278 : vector<16xi1>, vector<16xf32>
        %select_n3A_1286 = arith.select %eq3A_52, %gather3A_1284, %gather3A_1282 : vector<16xi1>, vector<16xf32>
        %add3A_1287 = arith.constant 1 : i32
        %add3A_1288 = arith.addi %mul3A_423, %add3A_1287 : i32
        %swap3A_1289 = arith.index_cast %add3A_1288 : i32 to index
        %swap3A_1290 = arith.constant 448 : index
        %swap3A_1291 = tpu.vector_load %arg9[%swap3A_1289, %swap3A_1290] {strides = array<i32>} : memref<16x512xf32, #tpu.memory_space<vmem>>, vector<16xf32>,
        tpu.vector_store %arg9[%swap3A_1289, %swap3A_1290], %select_n3A_1285 {strides = array<i32>} : memref<16x512xf32, #tpu.memory_space<vmem>>, vector<16xf32>,
        %add3A_1292 = arith.constant 1 : i32
        %add3A_1293 = arith.addi %mul3A_423, %add3A_1292 : i32
        %swap3A_1294 = arith.index_cast %add3A_1293 : i32 to index
        %swap3A_1295 = arith.constant 464 : index
        %swap3A_1296 = tpu.vector_load %arg9[%swap3A_1294, %swap3A_1295] {strides = array<i32>} : memref<16x512xf32, #tpu.memory_space<vmem>>, vector<16xf32>,
        tpu.vector_store %arg9[%swap3A_1294, %swap3A_1295], %select_n3A_1286 {strides = array<i32>} : memref<16x512xf32, #tpu.memory_space<vmem>>, vector<16xf32>,
        %add3A_1297 = arith.constant 240 : i32
        %add3A_1298 = arith.addi %mul3A_876, %add3A_1297 : i32
        %get3A_1299 = arith.index_cast %add3A_1298 : i32 to index
        %get3A_1300 = tpu.vector_load %arg5[%get3A_1299] {strides = array<i32>} : memref<4096xf32, #tpu.memory_space<vmem>>, vector<16xf32>,
        %add3A_1301 = arith.constant 240 : i32
        %add3A_1302 = arith.addi %mul3A_876, %add3A_1301 : i32
        %get3A_1303 = arith.index_cast %add3A_1302 : i32 to index
        %get3A_1304 = tpu.vector_load %arg7[%get3A_1303] {strides = array<i32>} : memref<4096xf32, #tpu.memory_space<vmem>>, vector<16xf32>,
        %gather3A_1305 = vector.shape_cast %broadcast_in_dim3A : vector<16x1xi32> to vector<16xi32>
        %gather3A_1306 = tpu.dynamic_gather %get3A_1300[%gather3A_1305] in [0] : vector<16xf32>, vector<16xi32> -> vector<16xf32>
        %gather3A_1307 = vector.shape_cast %broadcast_in_dim3A : vector<16x1xi32> to vector<16xi32>
        %gather3A_1308 = tpu.dynamic_gather %get3A_1304[%gather3A_1307] in [0] : vector<16xf32>, vector<16xi32> -> vector<16xf32>
        %gather3A_1309 = vector.shape_cast %broadcast_in_dim3A_48 : vector<16x1xi32> to vector<16xi32>
        %gather3A_1310 = tpu.dynamic_gather %get3A_1300[%gather3A_1309] in [0] : vector<16xf32>, vector<16xi32> -> vector<16xf32>
        %gather3A_1311 = vector.shape_cast %broadcast_in_dim3A_48 : vector<16x1xi32> to vector<16xi32>
        %gather3A_1312 = tpu.dynamic_gather %get3A_1304[%gather3A_1311] in [0] : vector<16xf32>, vector<16xi32> -> vector<16xf32>
        %select_n3A_1313 = arith.select %eq3A_52, %gather3A_1308, %gather3A_1306 : vector<16xi1>, vector<16xf32>
        %select_n3A_1314 = arith.select %eq3A_52, %gather3A_1312, %gather3A_1310 : vector<16xi1>, vector<16xf32>
        %add3A_1315 = arith.constant 1 : i32
        %add3A_1316 = arith.addi %mul3A_423, %add3A_1315 : i32
        %swap3A_1317 = arith.index_cast %add3A_1316 : i32 to index
        %swap3A_1318 = arith.constant 480 : index
        %swap3A_1319 = tpu.vector_load %arg9[%swap3A_1317, %swap3A_1318] {strides = array<i32>} : memref<16x512xf32, #tpu.memory_space<vmem>>, vector<16xf32>,
        tpu.vector_store %arg9[%swap3A_1317, %swap3A_1318], %select_n3A_1313 {strides = array<i32>} : memref<16x512xf32, #tpu.memory_space<vmem>>, vector<16xf32>,
        %add3A_1320 = arith.constant 1 : i32
        %add3A_1321 = arith.addi %mul3A_423, %add3A_1320 : i32
        %swap3A_1322 = arith.index_cast %add3A_1321 : i32 to index
        %swap3A_1323 = arith.constant 496 : index
        %swap3A_1324 = tpu.vector_load %arg9[%swap3A_1322, %swap3A_1323] {strides = array<i32>} : memref<16x512xf32, #tpu.memory_space<vmem>>, vector<16xf32>,
        tpu.vector_store %arg9[%swap3A_1322, %swap3A_1323], %select_n3A_1314 {strides = array<i32>} : memref<16x512xf32, #tpu.memory_space<vmem>>, vector<16xf32>,
      }
      %scan3A_187 = arith.constant 8 : i32
      %mul3A_188 = arith.constant 4 : i32
      %mul3A_189 = arith.muli %add3A, %mul3A_188 : i32
      %jit3A_190 = arith.constant 32 : i32
      %div3A_191 = arith.divsi %add3A_85, %jit3A_190 : i32
      %sign3A_192 = arith.constant 0 : i32
      %sign3A_193 = arith.cmpi sgt, %add3A_85, %sign3A_192 : i32
      %sign3A_194 = arith.extui %sign3A_193 : i1 to i32
      %sign3A_195 = arith.constant 0 : i32
      %sign3A_196 = arith.cmpi slt, %add3A_85, %sign3A_195 : i32
      %sign3A_197 = arith.extui %sign3A_196 : i1 to i32
      %sign3A_198 = arith.subi %sign3A_194, %sign3A_197 : i32
      %sign3A_199 = arith.constant 0 : i32
      %sign3A_200 = arith.cmpi sgt, %jit3A_190, %sign3A_199 : i32
      %sign3A_201 = arith.extui %sign3A_200 : i1 to i32
      %sign3A_202 = arith.constant 0 : i32
      %sign3A_203 = arith.cmpi slt, %jit3A_190, %sign3A_202 : i32
      %sign3A_204 = arith.extui %sign3A_203 : i1 to i32
      %sign3A_205 = arith.subi %sign3A_201, %sign3A_204 : i32
      %ne3A_206 = arith.cmpi ne, %sign3A_198, %sign3A_205 : i32
      %rem3A_207 = arith.remsi %add3A_85, %jit3A_190 : i32
      %ne3A_208 = arith.constant 0 : i32
      %ne3A_209 = arith.cmpi ne, %rem3A_207, %ne3A_208 : i32
      %and3A_210 = arith.andi %ne3A_206, %ne3A_209 : i1
      %sub3A_211 = arith.constant 1 : i32
      %sub3A_212 = arith.subi %div3A_191, %sub3A_211 : i32
      %select_n3A_213 = arith.select %and3A_210, %sub3A_212, %div3A_191 : i32
      %add3A_214 = arith.addi %mul3A_189, %select_n3A_213 : i32
      %jit3A_215 = arith.constant 32 : i32
      %eq3A_216 = arith.constant 0 : i32
      %eq3A_217 = arith.cmpi eq, %jit3A_215, %eq3A_216 : i32
      %jit3A_218 = arith.constant 1 : i32
      %select_n3A_219 = arith.select %eq3A_217, %jit3A_218, %jit3A_215 : i32
      %rem3A_220 = arith.remsi %add3A_85, %select_n3A_219 : i32
      %ne3A_221 = arith.constant 0 : i32
      %ne3A_222 = arith.cmpi ne, %rem3A_220, %ne3A_221 : i32
      %lt3A_223 = arith.constant 0 : i32
      %lt3A_224 = arith.cmpi slt, %rem3A_220, %lt3A_223 : i32
      %lt3A_225 = arith.constant 0 : i32
      %lt3A_226 = arith.cmpi slt, %select_n3A_219, %lt3A_225 : i32
      %ne3A_227 = arith.xori %lt3A_224, %lt3A_226 : i1
      %and3A_228 = arith.andi %ne3A_227, %ne3A_222 : i1
      %add3A_229 = arith.addi %rem3A_220, %select_n3A_219 : i32
      %select_n3A_230 = arith.select %and3A_228, %add3A_229, %rem3A_220 : i32
      %mul3A_231 = arith.constant 16 : i32
      %mul3A_232 = arith.muli %select_n3A_230, %mul3A_231 : i32
      %dma_start3A_233 = arith.constant 0 : i32
      %dma_start3A_234 = tpu.memref_slice %arg4[%add3A_214, %mul3A_232, %dma_start3A_233] : memref<128x512x512xf32, #tpu.memory_space<hbm>> -> memref<1x16x512xf32, #tpu.memory_space<hbm>>
      %dma_start3A_235 = tpu.memref_squeeze %dma_start3A_234 : memref<1x16x512xf32, #tpu.memory_space<hbm>> -> memref<16x512xf32, #tpu.memory_space<hbm>>
      %dma_start3A_236 = arith.constant 0 : i32
      %dma_start3A_237 = tpu.memref_slice %arg4[%add3A_214, %mul3A_232, %dma_start3A_236] : memref<128x512x512xf32, #tpu.memory_space<hbm>> -> memref<1x16x512xf32, #tpu.memory_space<hbm>>
      %dma_start3A_238 = tpu.memref_squeeze %dma_start3A_237 : memref<1x16x512xf32, #tpu.memory_space<hbm>> -> memref<16x512xf32, #tpu.memory_space<hbm>>
      tpu.enqueue_dma source(%arg9 : memref<16x512xf32, #tpu.memory_space<vmem>>) target(%dma_start3A_238 : memref<16x512xf32, #tpu.memory_space<hbm>>) target_semaphore(%arg13 : memref<!tpu.dma_semaphore, #tpu.memory_space<semaphore_mem>>)
      %add3A_239 = arith.constant 2 : i32
      %add3A_240 = arith.addi %add3A_85, %add3A_239 : i32
      %lt3A_241 = arith.constant 128 : i32
      %lt3A_242 = arith.cmpi slt, %add3A_240, %lt3A_241 : i32
      %convert_element_type3A_243 = arith.extui %lt3A_242 : i1 to i32
      %cond3A_244 = arith.constant 0 : i32
      %cond3A_245 = arith.cmpi ne, %convert_element_type3A_243, %cond3A_244 : i32
      scf.if %cond3A_245 {
        %add3A_421 = arith.constant 2 : i32
        %add3A_422 = arith.addi %add3A_85, %add3A_421 : i32
        %mul3A_423 = arith.constant 4 : i32
        %mul3A_424 = arith.muli %add3A, %mul3A_423 : i32
        %jit3A_425 = arith.constant 32 : i32
        %div3A_426 = arith.divsi %add3A_422, %jit3A_425 : i32
        %sign3A_427 = arith.constant 0 : i32
        %sign3A_428 = arith.cmpi sgt, %add3A_422, %sign3A_427 : i32
        %sign3A_429 = arith.extui %sign3A_428 : i1 to i32
        %sign3A_430 = arith.constant 0 : i32
        %sign3A_431 = arith.cmpi slt, %add3A_422, %sign3A_430 : i32
        %sign3A_432 = arith.extui %sign3A_431 : i1 to i32
        %sign3A_433 = arith.subi %sign3A_429, %sign3A_432 : i32
        %sign3A_434 = arith.constant 0 : i32
        %sign3A_435 = arith.cmpi sgt, %jit3A_425, %sign3A_434 : i32
        %sign3A_436 = arith.extui %sign3A_435 : i1 to i32
        %sign3A_437 = arith.constant 0 : i32
        %sign3A_438 = arith.cmpi slt, %jit3A_425, %sign3A_437 : i32
        %sign3A_439 = arith.extui %sign3A_438 : i1 to i32
        %sign3A_440 = arith.subi %sign3A_436, %sign3A_439 : i32
        %ne3A_441 = arith.cmpi ne, %sign3A_433, %sign3A_440 : i32
        %rem3A_442 = arith.remsi %add3A_422, %jit3A_425 : i32
        %ne3A_443 = arith.constant 0 : i32
        %ne3A_444 = arith.cmpi ne, %rem3A_442, %ne3A_443 : i32
        %and3A_445 = arith.andi %ne3A_441, %ne3A_444 : i1
        %sub3A_446 = arith.constant 1 : i32
        %sub3A_447 = arith.subi %div3A_426, %sub3A_446 : i32
        %select_n3A_448 = arith.select %and3A_445, %sub3A_447, %div3A_426 : i32
        %add3A_449 = arith.addi %mul3A_424, %select_n3A_448 : i32
        %jit3A_450 = arith.constant 32 : i32
        %eq3A_451 = arith.constant 0 : i32
        %eq3A_452 = arith.cmpi eq, %jit3A_450, %eq3A_451 : i32
        %jit3A_453 = arith.constant 1 : i32
        %select_n3A_454 = arith.select %eq3A_452, %jit3A_453, %jit3A_450 : i32
        %rem3A_455 = arith.remsi %add3A_422, %select_n3A_454 : i32
        %ne3A_456 = arith.constant 0 : i32
        %ne3A_457 = arith.cmpi ne, %rem3A_455, %ne3A_456 : i32
        %lt3A_458 = arith.constant 0 : i32
        %lt3A_459 = arith.cmpi slt, %rem3A_455, %lt3A_458 : i32
        %lt3A_460 = arith.constant 0 : i32
        %lt3A_461 = arith.cmpi slt, %select_n3A_454, %lt3A_460 : i32
        %ne3A_462 = arith.xori %lt3A_459, %lt3A_461 : i1
        %and3A_463 = arith.andi %ne3A_462, %ne3A_457 : i1
        %add3A_464 = arith.addi %rem3A_455, %select_n3A_454 : i32
        %select_n3A_465 = arith.select %and3A_463, %add3A_464, %rem3A_455 : i32
        %mul3A_466 = arith.constant 16 : i32
        %mul3A_467 = arith.muli %select_n3A_465, %mul3A_466 : i32
        %mul3A_468 = arith.constant 256 : i32
        %mul3A_469 = arith.muli %mul3A_467, %mul3A_468 : i32
        %dma_start3A_470 = tpu.memref_slice %arg2[%add3A_449, %mul3A_469] : memref<128x131072xf32, #tpu.memory_space<hbm>> -> memref<1x4096xf32, #tpu.memory_space<hbm>>
        %dma_start3A_471 = tpu.memref_squeeze %dma_start3A_470 : memref<1x4096xf32, #tpu.memory_space<hbm>> -> memref<4096xf32, #tpu.memory_space<hbm>>
        %dma_start3A_472 = tpu.memref_slice %arg2[%add3A_449, %mul3A_469] : memref<128x131072xf32, #tpu.memory_space<hbm>> -> memref<1x4096xf32, #tpu.memory_space<hbm>>
        %dma_start3A_473 = tpu.memref_squeeze %dma_start3A_472 : memref<1x4096xf32, #tpu.memory_space<hbm>> -> memref<4096xf32, #tpu.memory_space<hbm>>
        tpu.enqueue_dma source(%dma_start3A_473 : memref<4096xf32, #tpu.memory_space<hbm>>) target(%arg5 : memref<4096xf32, #tpu.memory_space<vmem>>) target_semaphore(%arg11 : memref<!tpu.dma_semaphore, #tpu.memory_space<semaphore_mem>>)
        %mul3A_474 = arith.constant 4 : i32
        %mul3A_475 = arith.muli %add3A, %mul3A_474 : i32
        %jit3A_476 = arith.constant 32 : i32
        %div3A_477 = arith.divsi %add3A_422, %jit3A_476 : i32
        %sign3A_478 = arith.constant 0 : i32
        %sign3A_479 = arith.cmpi sgt, %add3A_422, %sign3A_478 : i32
        %sign3A_480 = arith.extui %sign3A_479 : i1 to i32
        %sign3A_481 = arith.constant 0 : i32
        %sign3A_482 = arith.cmpi slt, %add3A_422, %sign3A_481 : i32
        %sign3A_483 = arith.extui %sign3A_482 : i1 to i32
        %sign3A_484 = arith.subi %sign3A_480, %sign3A_483 : i32
        %sign3A_485 = arith.constant 0 : i32
        %sign3A_486 = arith.cmpi sgt, %jit3A_476, %sign3A_485 : i32
        %sign3A_487 = arith.extui %sign3A_486 : i1 to i32
        %sign3A_488 = arith.constant 0 : i32
        %sign3A_489 = arith.cmpi slt, %jit3A_476, %sign3A_488 : i32
        %sign3A_490 = arith.extui %sign3A_489 : i1 to i32
        %sign3A_491 = arith.subi %sign3A_487, %sign3A_490 : i32
        %ne3A_492 = arith.cmpi ne, %sign3A_484, %sign3A_491 : i32
        %rem3A_493 = arith.remsi %add3A_422, %jit3A_476 : i32
        %ne3A_494 = arith.constant 0 : i32
        %ne3A_495 = arith.cmpi ne, %rem3A_493, %ne3A_494 : i32
        %and3A_496 = arith.andi %ne3A_492, %ne3A_495 : i1
        %sub3A_497 = arith.constant 1 : i32
        %sub3A_498 = arith.subi %div3A_477, %sub3A_497 : i32
        %select_n3A_499 = arith.select %and3A_496, %sub3A_498, %div3A_477 : i32
        %add3A_500 = arith.addi %mul3A_475, %select_n3A_499 : i32
        %jit3A_501 = arith.constant 32 : i32
        %eq3A_502 = arith.constant 0 : i32
        %eq3A_503 = arith.cmpi eq, %jit3A_501, %eq3A_502 : i32
        %jit3A_504 = arith.constant 1 : i32
        %select_n3A_505 = arith.select %eq3A_503, %jit3A_504, %jit3A_501 : i32
        %rem3A_506 = arith.remsi %add3A_422, %select_n3A_505 : i32
        %ne3A_507 = arith.constant 0 : i32
        %ne3A_508 = arith.cmpi ne, %rem3A_506, %ne3A_507 : i32
        %lt3A_509 = arith.constant 0 : i32
        %lt3A_510 = arith.cmpi slt, %rem3A_506, %lt3A_509 : i32
        %lt3A_511 = arith.constant 0 : i32
        %lt3A_512 = arith.cmpi slt, %select_n3A_505, %lt3A_511 : i32
        %ne3A_513 = arith.xori %lt3A_510, %lt3A_512 : i1
        %and3A_514 = arith.andi %ne3A_513, %ne3A_508 : i1
        %add3A_515 = arith.addi %rem3A_506, %select_n3A_505 : i32
        %select_n3A_516 = arith.select %and3A_514, %add3A_515, %rem3A_506 : i32
        %mul3A_517 = arith.constant 16 : i32
        %mul3A_518 = arith.muli %select_n3A_516, %mul3A_517 : i32
        %mul3A_519 = arith.constant 256 : i32
        %mul3A_520 = arith.muli %mul3A_518, %mul3A_519 : i32
        %dma_start3A_521 = tpu.memref_slice %arg3[%add3A_500, %mul3A_520] : memref<128x131072xf32, #tpu.memory_space<hbm>> -> memref<1x4096xf32, #tpu.memory_space<hbm>>
        %dma_start3A_522 = tpu.memref_squeeze %dma_start3A_521 : memref<1x4096xf32, #tpu.memory_space<hbm>> -> memref<4096xf32, #tpu.memory_space<hbm>>
        %dma_start3A_523 = tpu.memref_slice %arg3[%add3A_500, %mul3A_520] : memref<128x131072xf32, #tpu.memory_space<hbm>> -> memref<1x4096xf32, #tpu.memory_space<hbm>>
        %dma_start3A_524 = tpu.memref_squeeze %dma_start3A_523 : memref<1x4096xf32, #tpu.memory_space<hbm>> -> memref<4096xf32, #tpu.memory_space<hbm>>
        tpu.enqueue_dma source(%dma_start3A_524 : memref<4096xf32, #tpu.memory_space<hbm>>) target(%arg7 : memref<4096xf32, #tpu.memory_space<vmem>>) target_semaphore(%arg11 : memref<!tpu.dma_semaphore, #tpu.memory_space<semaphore_mem>>)
      } else {
      }
      %mul3A_246 = arith.constant 2 : i32
      %mul3A_247 = arith.muli %mul3A_246, %scan3A_81 : i32
      %add3A_248 = arith.constant 1 : i32
      %add3A_249 = arith.addi %mul3A_247, %add3A_248 : i32
      %mul3A_250 = arith.constant 4 : i32
      %mul3A_251 = arith.muli %add3A, %mul3A_250 : i32
      %jit3A_252 = arith.constant 32 : i32
      %div3A_253 = arith.divsi %add3A_249, %jit3A_252 : i32
      %sign3A_254 = arith.constant 0 : i32
      %sign3A_255 = arith.cmpi sgt, %add3A_249, %sign3A_254 : i32
      %sign3A_256 = arith.extui %sign3A_255 : i1 to i32
      %sign3A_257 = arith.constant 0 : i32
      %sign3A_258 = arith.cmpi slt, %add3A_249, %sign3A_257 : i32
      %sign3A_259 = arith.extui %sign3A_258 : i1 to i32
      %sign3A_260 = arith.subi %sign3A_256, %sign3A_259 : i32
      %sign3A_261 = arith.constant 0 : i32
      %sign3A_262 = arith.cmpi sgt, %jit3A_252, %sign3A_261 : i32
      %sign3A_263 = arith.extui %sign3A_262 : i1 to i32
      %sign3A_264 = arith.constant 0 : i32
      %sign3A_265 = arith.cmpi slt, %jit3A_252, %sign3A_264 : i32
      %sign3A_266 = arith.extui %sign3A_265 : i1 to i32
      %sign3A_267 = arith.subi %sign3A_263, %sign3A_266 : i32
      %ne3A_268 = arith.cmpi ne, %sign3A_260, %sign3A_267 : i32
      %rem3A_269 = arith.remsi %add3A_249, %jit3A_252 : i32
      %ne3A_270 = arith.constant 0 : i32
      %ne3A_271 = arith.cmpi ne, %rem3A_269, %ne3A_270 : i32
      %and3A_272 = arith.andi %ne3A_268, %ne3A_271 : i1
      %sub3A_273 = arith.constant 1 : i32
      %sub3A_274 = arith.subi %div3A_253, %sub3A_273 : i32
      %select_n3A_275 = arith.select %and3A_272, %sub3A_274, %div3A_253 : i32
      %add3A_276 = arith.addi %mul3A_251, %select_n3A_275 : i32
      %jit3A_277 = arith.constant 32 : i32
      %eq3A_278 = arith.constant 0 : i32
      %eq3A_279 = arith.cmpi eq, %jit3A_277, %eq3A_278 : i32
      %jit3A_280 = arith.constant 1 : i32
      %select_n3A_281 = arith.select %eq3A_279, %jit3A_280, %jit3A_277 : i32
      %rem3A_282 = arith.remsi %add3A_249, %select_n3A_281 : i32
      %ne3A_283 = arith.constant 0 : i32
      %ne3A_284 = arith.cmpi ne, %rem3A_282, %ne3A_283 : i32
      %lt3A_285 = arith.constant 0 : i32
      %lt3A_286 = arith.cmpi slt, %rem3A_282, %lt3A_285 : i32
      %lt3A_287 = arith.constant 0 : i32
      %lt3A_288 = arith.cmpi slt, %select_n3A_281, %lt3A_287 : i32
      %ne3A_289 = arith.xori %lt3A_286, %lt3A_288 : i1
      %and3A_290 = arith.andi %ne3A_289, %ne3A_284 : i1
      %add3A_291 = arith.addi %rem3A_282, %select_n3A_281 : i32
      %select_n3A_292 = arith.select %and3A_290, %add3A_291, %rem3A_282 : i32
      %mul3A_293 = arith.constant 16 : i32
      %mul3A_294 = arith.muli %select_n3A_292, %mul3A_293 : i32
      %mul3A_295 = arith.constant 256 : i32
      %mul3A_296 = arith.muli %mul3A_294, %mul3A_295 : i32
      %dma_wait3A_297 = tpu.memref_slice %arg2[%add3A_276, %mul3A_296] : memref<128x131072xf32, #tpu.memory_space<hbm>> -> memref<1x4096xf32, #tpu.memory_space<hbm>>
      %dma_wait3A_298 = tpu.memref_squeeze %dma_wait3A_297 : memref<1x4096xf32, #tpu.memory_space<hbm>> -> memref<4096xf32, #tpu.memory_space<hbm>>
      %dma_wait3A_299 = tpu.memref_slice %arg2[%add3A_276, %mul3A_296] : memref<128x131072xf32, #tpu.memory_space<hbm>> -> memref<1x4096xf32, #tpu.memory_space<hbm>>
      %dma_wait3A_300 = tpu.memref_squeeze %dma_wait3A_299 : memref<1x4096xf32, #tpu.memory_space<hbm>> -> memref<4096xf32, #tpu.memory_space<hbm>>
      tpu.wait_dma2 semaphore(%arg12 : memref<!tpu.dma_semaphore, #tpu.memory_space<semaphore_mem>>) src(%dma_wait3A_300 : memref<4096xf32, #tpu.memory_space<hbm>>) dst(%arg6 : memref<4096xf32, #tpu.memory_space<vmem>>)
      %mul3A_301 = arith.constant 4 : i32
      %mul3A_302 = arith.muli %add3A, %mul3A_301 : i32
      %jit3A_303 = arith.constant 32 : i32
      %div3A_304 = arith.divsi %add3A_249, %jit3A_303 : i32
      %sign3A_305 = arith.constant 0 : i32
      %sign3A_306 = arith.cmpi sgt, %add3A_249, %sign3A_305 : i32
      %sign3A_307 = arith.extui %sign3A_306 : i1 to i32
      %sign3A_308 = arith.constant 0 : i32
      %sign3A_309 = arith.cmpi slt, %add3A_249, %sign3A_308 : i32
      %sign3A_310 = arith.extui %sign3A_309 : i1 to i32
      %sign3A_311 = arith.subi %sign3A_307, %sign3A_310 : i32
      %sign3A_312 = arith.constant 0 : i32
      %sign3A_313 = arith.cmpi sgt, %jit3A_303, %sign3A_312 : i32
      %sign3A_314 = arith.extui %sign3A_313 : i1 to i32
      %sign3A_315 = arith.constant 0 : i32
      %sign3A_316 = arith.cmpi slt, %jit3A_303, %sign3A_315 : i32
      %sign3A_317 = arith.extui %sign3A_316 : i1 to i32
      %sign3A_318 = arith.subi %sign3A_314, %sign3A_317 : i32
      %ne3A_319 = arith.cmpi ne, %sign3A_311, %sign3A_318 : i32
      %rem3A_320 = arith.remsi %add3A_249, %jit3A_303 : i32
      %ne3A_321 = arith.constant 0 : i32
      %ne3A_322 = arith.cmpi ne, %rem3A_320, %ne3A_321 : i32
      %and3A_323 = arith.andi %ne3A_319, %ne3A_322 : i1
      %sub3A_324 = arith.constant 1 : i32
      %sub3A_325 = arith.subi %div3A_304, %sub3A_324 : i32
      %select_n3A_326 = arith.select %and3A_323, %sub3A_325, %div3A_304 : i32
      %add3A_327 = arith.addi %mul3A_302, %select_n3A_326 : i32
      %jit3A_328 = arith.constant 32 : i32
      %eq3A_329 = arith.constant 0 : i32
      %eq3A_330 = arith.cmpi eq, %jit3A_328, %eq3A_329 : i32
      %jit3A_331 = arith.constant 1 : i32
      %select_n3A_332 = arith.select %eq3A_330, %jit3A_331, %jit3A_328 : i32
      %rem3A_333 = arith.remsi %add3A_249, %select_n3A_332 : i32
      %ne3A_334 = arith.constant 0 : i32
      %ne3A_335 = arith.cmpi ne, %rem3A_333, %ne3A_334 : i32
      %lt3A_336 = arith.constant 0 : i32
      %lt3A_337 = arith.cmpi slt, %rem3A_333, %lt3A_336 : i32
      %lt3A_338 = arith.constant 0 : i32
      %lt3A_339 = arith.cmpi slt, %select_n3A_332, %lt3A_338 : i32
      %ne3A_340 = arith.xori %lt3A_337, %lt3A_339 : i1
      %and3A_341 = arith.andi %ne3A_340, %ne3A_335 : i1
      %add3A_342 = arith.addi %rem3A_333, %select_n3A_332 : i32
      %select_n3A_343 = arith.select %and3A_341, %add3A_342, %rem3A_333 : i32
      %mul3A_344 = arith.constant 16 : i32
      %mul3A_345 = arith.muli %select_n3A_343, %mul3A_344 : i32
      %mul3A_346 = arith.constant 256 : i32
      %mul3A_347 = arith.muli %mul3A_345, %mul3A_346 : i32
      %dma_wait3A_348 = tpu.memref_slice %arg3[%add3A_327, %mul3A_347] : memref<128x131072xf32, #tpu.memory_space<hbm>> -> memref<1x4096xf32, #tpu.memory_space<hbm>>
      %dma_wait3A_349 = tpu.memref_squeeze %dma_wait3A_348 : memref<1x4096xf32, #tpu.memory_space<hbm>> -> memref<4096xf32, #tpu.memory_space<hbm>>
      %dma_wait3A_350 = tpu.memref_slice %arg3[%add3A_327, %mul3A_347] : memref<128x131072xf32, #tpu.memory_space<hbm>> -> memref<1x4096xf32, #tpu.memory_space<hbm>>
      %dma_wait3A_351 = tpu.memref_squeeze %dma_wait3A_350 : memref<1x4096xf32, #tpu.memory_space<hbm>> -> memref<4096xf32, #tpu.memory_space<hbm>>
      tpu.wait_dma2 semaphore(%arg12 : memref<!tpu.dma_semaphore, #tpu.memory_space<semaphore_mem>>) src(%dma_wait3A_351 : memref<4096xf32, #tpu.memory_space<hbm>>) dst(%arg8 : memref<4096xf32, #tpu.memory_space<vmem>>)
      %ge3A_352 = arith.constant 2 : i32
      %ge3A_353 = arith.cmpi sge, %add3A_249, %ge3A_352 : i32
      %convert_element_type3A_354 = arith.extui %ge3A_353 : i1 to i32
      %cond3A_355 = arith.constant 0 : i32
      %cond3A_356 = arith.cmpi ne, %convert_element_type3A_354, %cond3A_355 : i32
      scf.if %cond3A_356 {
        %sub3A_421 = arith.constant 2 : i32
        %sub3A_422 = arith.subi %add3A_249, %sub3A_421 : i32
        %mul3A_423 = arith.constant 4 : i32
        %mul3A_424 = arith.muli %add3A, %mul3A_423 : i32
        %jit3A_425 = arith.constant 32 : i32
        %div3A_426 = arith.divsi %sub3A_422, %jit3A_425 : i32
        %sign3A_427 = arith.constant 0 : i32
        %sign3A_428 = arith.cmpi sgt, %sub3A_422, %sign3A_427 : i32
        %sign3A_429 = arith.extui %sign3A_428 : i1 to i32
        %sign3A_430 = arith.constant 0 : i32
        %sign3A_431 = arith.cmpi slt, %sub3A_422, %sign3A_430 : i32
        %sign3A_432 = arith.extui %sign3A_431 : i1 to i32
        %sign3A_433 = arith.subi %sign3A_429, %sign3A_432 : i32
        %sign3A_434 = arith.constant 0 : i32
        %sign3A_435 = arith.cmpi sgt, %jit3A_425, %sign3A_434 : i32
        %sign3A_436 = arith.extui %sign3A_435 : i1 to i32
        %sign3A_437 = arith.constant 0 : i32
        %sign3A_438 = arith.cmpi slt, %jit3A_425, %sign3A_437 : i32
        %sign3A_439 = arith.extui %sign3A_438 : i1 to i32
        %sign3A_440 = arith.subi %sign3A_436, %sign3A_439 : i32
        %ne3A_441 = arith.cmpi ne, %sign3A_433, %sign3A_440 : i32
        %rem3A_442 = arith.remsi %sub3A_422, %jit3A_425 : i32
        %ne3A_443 = arith.constant 0 : i32
        %ne3A_444 = arith.cmpi ne, %rem3A_442, %ne3A_443 : i32
        %and3A_445 = arith.andi %ne3A_441, %ne3A_444 : i1
        %sub3A_446 = arith.constant 1 : i32
        %sub3A_447 = arith.subi %div3A_426, %sub3A_446 : i32
        %select_n3A_448 = arith.select %and3A_445, %sub3A_447, %div3A_426 : i32
        %add3A_449 = arith.addi %mul3A_424, %select_n3A_448 : i32
        %jit3A_450 = arith.constant 32 : i32
        %eq3A_451 = arith.constant 0 : i32
        %eq3A_452 = arith.cmpi eq, %jit3A_450, %eq3A_451 : i32
        %jit3A_453 = arith.constant 1 : i32
        %select_n3A_454 = arith.select %eq3A_452, %jit3A_453, %jit3A_450 : i32
        %rem3A_455 = arith.remsi %sub3A_422, %select_n3A_454 : i32
        %ne3A_456 = arith.constant 0 : i32
        %ne3A_457 = arith.cmpi ne, %rem3A_455, %ne3A_456 : i32
        %lt3A_458 = arith.constant 0 : i32
        %lt3A_459 = arith.cmpi slt, %rem3A_455, %lt3A_458 : i32
        %lt3A_460 = arith.constant 0 : i32
        %lt3A_461 = arith.cmpi slt, %select_n3A_454, %lt3A_460 : i32
        %ne3A_462 = arith.xori %lt3A_459, %lt3A_461 : i1
        %and3A_463 = arith.andi %ne3A_462, %ne3A_457 : i1
        %add3A_464 = arith.addi %rem3A_455, %select_n3A_454 : i32
        %select_n3A_465 = arith.select %and3A_463, %add3A_464, %rem3A_455 : i32
        %mul3A_466 = arith.constant 16 : i32
        %mul3A_467 = arith.muli %select_n3A_465, %mul3A_466 : i32
        %dma_wait3A_468 = arith.constant 0 : i32
        %dma_wait3A_469 = tpu.memref_slice %arg4[%add3A_449, %mul3A_467, %dma_wait3A_468] : memref<128x512x512xf32, #tpu.memory_space<hbm>> -> memref<1x16x512xf32, #tpu.memory_space<hbm>>
        %dma_wait3A_470 = tpu.memref_squeeze %dma_wait3A_469 : memref<1x16x512xf32, #tpu.memory_space<hbm>> -> memref<16x512xf32, #tpu.memory_space<hbm>>
        %dma_wait3A_471 = arith.constant 0 : i32
        %dma_wait3A_472 = tpu.memref_slice %arg4[%add3A_449, %mul3A_467, %dma_wait3A_471] : memref<128x512x512xf32, #tpu.memory_space<hbm>> -> memref<1x16x512xf32, #tpu.memory_space<hbm>>
        %dma_wait3A_473 = tpu.memref_squeeze %dma_wait3A_472 : memref<1x16x512xf32, #tpu.memory_space<hbm>> -> memref<16x512xf32, #tpu.memory_space<hbm>>
        tpu.wait_dma2 semaphore(%arg14 : memref<!tpu.dma_semaphore, #tpu.memory_space<semaphore_mem>>) src(%arg10 : memref<16x512xf32, #tpu.memory_space<vmem>>) dst(%dma_wait3A_473 : memref<16x512xf32, #tpu.memory_space<hbm>>)
      } else {
      }
      %scan3A_357 = arith.constant 0 : i32
      %scan3A_358 = arith.constant 0 : i32
      %scan3A_359 = arith.constant 8 : i32
      %scan3A_360 = arith.addi %scan3A_358, %scan3A_359 : i32
      %scan3A_361 = arith.constant 1 : i32
      scf.for %scan3A_421 = %scan3A_358 to %scan3A_360 step %scan3A_361  : i32 {
        %mul3A_422 = arith.constant 2 : i32
        %mul3A_423 = arith.muli %mul3A_422, %scan3A_421 : i32
        %add3A_424 = arith.constant 0 : i32
        %add3A_425 = arith.addi %mul3A_423, %add3A_424 : i32
        %mul3A_426 = arith.constant 256 : i32
        %mul3A_427 = arith.muli %add3A_425, %mul3A_426 : i32
        %add3A_428 = arith.constant 0 : i32
        %add3A_429 = arith.addi %mul3A_427, %add3A_428 : i32
        %get3A = arith.index_cast %add3A_429 : i32 to index
        %get3A_430 = tpu.vector_load %arg6[%get3A] {strides = array<i32>} : memref<4096xf32, #tpu.memory_space<vmem>>, vector<16xf32>,
        %add3A_431 = arith.constant 0 : i32
        %add3A_432 = arith.addi %mul3A_427, %add3A_431 : i32
        %get3A_433 = arith.index_cast %add3A_432 : i32 to index
        %get3A_434 = tpu.vector_load %arg8[%get3A_433] {strides = array<i32>} : memref<4096xf32, #tpu.memory_space<vmem>>, vector<16xf32>,
        %gather3A = vector.shape_cast %broadcast_in_dim3A : vector<16x1xi32> to vector<16xi32>
        %gather3A_435 = tpu.dynamic_gather %get3A_430[%gather3A] in [0] : vector<16xf32>, vector<16xi32> -> vector<16xf32>
        %gather3A_436 = vector.shape_cast %broadcast_in_dim3A : vector<16x1xi32> to vector<16xi32>
        %gather3A_437 = tpu.dynamic_gather %get3A_434[%gather3A_436] in [0] : vector<16xf32>, vector<16xi32> -> vector<16xf32>
        %gather3A_438 = vector.shape_cast %broadcast_in_dim3A_48 : vector<16x1xi32> to vector<16xi32>
        %gather3A_439 = tpu.dynamic_gather %get3A_430[%gather3A_438] in [0] : vector<16xf32>, vector<16xi32> -> vector<16xf32>
        %gather3A_440 = vector.shape_cast %broadcast_in_dim3A_48 : vector<16x1xi32> to vector<16xi32>
        %gather3A_441 = tpu.dynamic_gather %get3A_434[%gather3A_440] in [0] : vector<16xf32>, vector<16xi32> -> vector<16xf32>
        %select_n3A_442 = arith.select %eq3A_52, %gather3A_435, %gather3A_437 : vector<16xi1>, vector<16xf32>
        %select_n3A_443 = arith.select %eq3A_52, %gather3A_439, %gather3A_441 : vector<16xi1>, vector<16xf32>
        %add3A_444 = arith.constant 0 : i32
        %add3A_445 = arith.addi %mul3A_423, %add3A_444 : i32
        %swap3A = arith.index_cast %add3A_445 : i32 to index
        %swap3A_446 = arith.constant 0 : index
        %swap3A_447 = tpu.vector_load %arg10[%swap3A, %swap3A_446] {strides = array<i32>} : memref<16x512xf32, #tpu.memory_space<vmem>>, vector<16xf32>,
        tpu.vector_store %arg10[%swap3A, %swap3A_446], %select_n3A_442 {strides = array<i32>} : memref<16x512xf32, #tpu.memory_space<vmem>>, vector<16xf32>,
        %add3A_448 = arith.constant 0 : i32
        %add3A_449 = arith.addi %mul3A_423, %add3A_448 : i32
        %swap3A_450 = arith.index_cast %add3A_449 : i32 to index
        %swap3A_451 = arith.constant 16 : index
        %swap3A_452 = tpu.vector_load %arg10[%swap3A_450, %swap3A_451] {strides = array<i32>} : memref<16x512xf32, #tpu.memory_space<vmem>>, vector<16xf32>,
        tpu.vector_store %arg10[%swap3A_450, %swap3A_451], %select_n3A_443 {strides = array<i32>} : memref<16x512xf32, #tpu.memory_space<vmem>>, vector<16xf32>,
        %add3A_453 = arith.constant 16 : i32
        %add3A_454 = arith.addi %mul3A_427, %add3A_453 : i32
        %get3A_455 = arith.index_cast %add3A_454 : i32 to index
        %get3A_456 = tpu.vector_load %arg6[%get3A_455] {strides = array<i32>} : memref<4096xf32, #tpu.memory_space<vmem>>, vector<16xf32>,
        %add3A_457 = arith.constant 16 : i32
        %add3A_458 = arith.addi %mul3A_427, %add3A_457 : i32
        %get3A_459 = arith.index_cast %add3A_458 : i32 to index
        %get3A_460 = tpu.vector_load %arg8[%get3A_459] {strides = array<i32>} : memref<4096xf32, #tpu.memory_space<vmem>>, vector<16xf32>,
        %gather3A_461 = vector.shape_cast %broadcast_in_dim3A : vector<16x1xi32> to vector<16xi32>
        %gather3A_462 = tpu.dynamic_gather %get3A_456[%gather3A_461] in [0] : vector<16xf32>, vector<16xi32> -> vector<16xf32>
        %gather3A_463 = vector.shape_cast %broadcast_in_dim3A : vector<16x1xi32> to vector<16xi32>
        %gather3A_464 = tpu.dynamic_gather %get3A_460[%gather3A_463] in [0] : vector<16xf32>, vector<16xi32> -> vector<16xf32>
        %gather3A_465 = vector.shape_cast %broadcast_in_dim3A_48 : vector<16x1xi32> to vector<16xi32>
        %gather3A_466 = tpu.dynamic_gather %get3A_456[%gather3A_465] in [0] : vector<16xf32>, vector<16xi32> -> vector<16xf32>
        %gather3A_467 = vector.shape_cast %broadcast_in_dim3A_48 : vector<16x1xi32> to vector<16xi32>
        %gather3A_468 = tpu.dynamic_gather %get3A_460[%gather3A_467] in [0] : vector<16xf32>, vector<16xi32> -> vector<16xf32>
        %select_n3A_469 = arith.select %eq3A_52, %gather3A_462, %gather3A_464 : vector<16xi1>, vector<16xf32>
        %select_n3A_470 = arith.select %eq3A_52, %gather3A_466, %gather3A_468 : vector<16xi1>, vector<16xf32>
        %add3A_471 = arith.constant 0 : i32
        %add3A_472 = arith.addi %mul3A_423, %add3A_471 : i32
        %swap3A_473 = arith.index_cast %add3A_472 : i32 to index
        %swap3A_474 = arith.constant 32 : index
        %swap3A_475 = tpu.vector_load %arg10[%swap3A_473, %swap3A_474] {strides = array<i32>} : memref<16x512xf32, #tpu.memory_space<vmem>>, vector<16xf32>,
        tpu.vector_store %arg10[%swap3A_473, %swap3A_474], %select_n3A_469 {strides = array<i32>} : memref<16x512xf32, #tpu.memory_space<vmem>>, vector<16xf32>,
        %add3A_476 = arith.constant 0 : i32
        %add3A_477 = arith.addi %mul3A_423, %add3A_476 : i32
        %swap3A_478 = arith.index_cast %add3A_477 : i32 to index
        %swap3A_479 = arith.constant 48 : index
        %swap3A_480 = tpu.vector_load %arg10[%swap3A_478, %swap3A_479] {strides = array<i32>} : memref<16x512xf32, #tpu.memory_space<vmem>>, vector<16xf32>,
        tpu.vector_store %arg10[%swap3A_478, %swap3A_479], %select_n3A_470 {strides = array<i32>} : memref<16x512xf32, #tpu.memory_space<vmem>>, vector<16xf32>,
        %add3A_481 = arith.constant 32 : i32
        %add3A_482 = arith.addi %mul3A_427, %add3A_481 : i32
        %get3A_483 = arith.index_cast %add3A_482 : i32 to index
        %get3A_484 = tpu.vector_load %arg6[%get3A_483] {strides = array<i32>} : memref<4096xf32, #tpu.memory_space<vmem>>, vector<16xf32>,
        %add3A_485 = arith.constant 32 : i32
        %add3A_486 = arith.addi %mul3A_427, %add3A_485 : i32
        %get3A_487 = arith.index_cast %add3A_486 : i32 to index
        %get3A_488 = tpu.vector_load %arg8[%get3A_487] {strides = array<i32>} : memref<4096xf32, #tpu.memory_space<vmem>>, vector<16xf32>,
        %gather3A_489 = vector.shape_cast %broadcast_in_dim3A : vector<16x1xi32> to vector<16xi32>
        %gather3A_490 = tpu.dynamic_gather %get3A_484[%gather3A_489] in [0] : vector<16xf32>, vector<16xi32> -> vector<16xf32>
        %gather3A_491 = vector.shape_cast %broadcast_in_dim3A : vector<16x1xi32> to vector<16xi32>
        %gather3A_492 = tpu.dynamic_gather %get3A_488[%gather3A_491] in [0] : vector<16xf32>, vector<16xi32> -> vector<16xf32>
        %gather3A_493 = vector.shape_cast %broadcast_in_dim3A_48 : vector<16x1xi32> to vector<16xi32>
        %gather3A_494 = tpu.dynamic_gather %get3A_484[%gather3A_493] in [0] : vector<16xf32>, vector<16xi32> -> vector<16xf32>
        %gather3A_495 = vector.shape_cast %broadcast_in_dim3A_48 : vector<16x1xi32> to vector<16xi32>
        %gather3A_496 = tpu.dynamic_gather %get3A_488[%gather3A_495] in [0] : vector<16xf32>, vector<16xi32> -> vector<16xf32>
        %select_n3A_497 = arith.select %eq3A_52, %gather3A_490, %gather3A_492 : vector<16xi1>, vector<16xf32>
        %select_n3A_498 = arith.select %eq3A_52, %gather3A_494, %gather3A_496 : vector<16xi1>, vector<16xf32>
        %add3A_499 = arith.constant 0 : i32
        %add3A_500 = arith.addi %mul3A_423, %add3A_499 : i32
        %swap3A_501 = arith.index_cast %add3A_500 : i32 to index
        %swap3A_502 = arith.constant 64 : index
        %swap3A_503 = tpu.vector_load %arg10[%swap3A_501, %swap3A_502] {strides = array<i32>} : memref<16x512xf32, #tpu.memory_space<vmem>>, vector<16xf32>,
        tpu.vector_store %arg10[%swap3A_501, %swap3A_502], %select_n3A_497 {strides = array<i32>} : memref<16x512xf32, #tpu.memory_space<vmem>>, vector<16xf32>,
        %add3A_504 = arith.constant 0 : i32
        %add3A_505 = arith.addi %mul3A_423, %add3A_504 : i32
        %swap3A_506 = arith.index_cast %add3A_505 : i32 to index
        %swap3A_507 = arith.constant 80 : index
        %swap3A_508 = tpu.vector_load %arg10[%swap3A_506, %swap3A_507] {strides = array<i32>} : memref<16x512xf32, #tpu.memory_space<vmem>>, vector<16xf32>,
        tpu.vector_store %arg10[%swap3A_506, %swap3A_507], %select_n3A_498 {strides = array<i32>} : memref<16x512xf32, #tpu.memory_space<vmem>>, vector<16xf32>,
        %add3A_509 = arith.constant 48 : i32
        %add3A_510 = arith.addi %mul3A_427, %add3A_509 : i32
        %get3A_511 = arith.index_cast %add3A_510 : i32 to index
        %get3A_512 = tpu.vector_load %arg6[%get3A_511] {strides = array<i32>} : memref<4096xf32, #tpu.memory_space<vmem>>, vector<16xf32>,
        %add3A_513 = arith.constant 48 : i32
        %add3A_514 = arith.addi %mul3A_427, %add3A_513 : i32
        %get3A_515 = arith.index_cast %add3A_514 : i32 to index
        %get3A_516 = tpu.vector_load %arg8[%get3A_515] {strides = array<i32>} : memref<4096xf32, #tpu.memory_space<vmem>>, vector<16xf32>,
        %gather3A_517 = vector.shape_cast %broadcast_in_dim3A : vector<16x1xi32> to vector<16xi32>
        %gather3A_518 = tpu.dynamic_gather %get3A_512[%gather3A_517] in [0] : vector<16xf32>, vector<16xi32> -> vector<16xf32>
        %gather3A_519 = vector.shape_cast %broadcast_in_dim3A : vector<16x1xi32> to vector<16xi32>
        %gather3A_520 = tpu.dynamic_gather %get3A_516[%gather3A_519] in [0] : vector<16xf32>, vector<16xi32> -> vector<16xf32>
        %gather3A_521 = vector.shape_cast %broadcast_in_dim3A_48 : vector<16x1xi32> to vector<16xi32>
        %gather3A_522 = tpu.dynamic_gather %get3A_512[%gather3A_521] in [0] : vector<16xf32>, vector<16xi32> -> vector<16xf32>
        %gather3A_523 = vector.shape_cast %broadcast_in_dim3A_48 : vector<16x1xi32> to vector<16xi32>
        %gather3A_524 = tpu.dynamic_gather %get3A_516[%gather3A_523] in [0] : vector<16xf32>, vector<16xi32> -> vector<16xf32>
        %select_n3A_525 = arith.select %eq3A_52, %gather3A_518, %gather3A_520 : vector<16xi1>, vector<16xf32>
        %select_n3A_526 = arith.select %eq3A_52, %gather3A_522, %gather3A_524 : vector<16xi1>, vector<16xf32>
        %add3A_527 = arith.constant 0 : i32
        %add3A_528 = arith.addi %mul3A_423, %add3A_527 : i32
        %swap3A_529 = arith.index_cast %add3A_528 : i32 to index
        %swap3A_530 = arith.constant 96 : index
        %swap3A_531 = tpu.vector_load %arg10[%swap3A_529, %swap3A_530] {strides = array<i32>} : memref<16x512xf32, #tpu.memory_space<vmem>>, vector<16xf32>,
        tpu.vector_store %arg10[%swap3A_529, %swap3A_530], %select_n3A_525 {strides = array<i32>} : memref<16x512xf32, #tpu.memory_space<vmem>>, vector<16xf32>,
        %add3A_532 = arith.constant 0 : i32
        %add3A_533 = arith.addi %mul3A_423, %add3A_532 : i32
        %swap3A_534 = arith.index_cast %add3A_533 : i32 to index
        %swap3A_535 = arith.constant 112 : index
        %swap3A_536 = tpu.vector_load %arg10[%swap3A_534, %swap3A_535] {strides = array<i32>} : memref<16x512xf32, #tpu.memory_space<vmem>>, vector<16xf32>,
        tpu.vector_store %arg10[%swap3A_534, %swap3A_535], %select_n3A_526 {strides = array<i32>} : memref<16x512xf32, #tpu.memory_space<vmem>>, vector<16xf32>,
        %add3A_537 = arith.constant 64 : i32
        %add3A_538 = arith.addi %mul3A_427, %add3A_537 : i32
        %get3A_539 = arith.index_cast %add3A_538 : i32 to index
        %get3A_540 = tpu.vector_load %arg6[%get3A_539] {strides = array<i32>} : memref<4096xf32, #tpu.memory_space<vmem>>, vector<16xf32>,
        %add3A_541 = arith.constant 64 : i32
        %add3A_542 = arith.addi %mul3A_427, %add3A_541 : i32
        %get3A_543 = arith.index_cast %add3A_542 : i32 to index
        %get3A_544 = tpu.vector_load %arg8[%get3A_543] {strides = array<i32>} : memref<4096xf32, #tpu.memory_space<vmem>>, vector<16xf32>,
        %gather3A_545 = vector.shape_cast %broadcast_in_dim3A : vector<16x1xi32> to vector<16xi32>
        %gather3A_546 = tpu.dynamic_gather %get3A_540[%gather3A_545] in [0] : vector<16xf32>, vector<16xi32> -> vector<16xf32>
        %gather3A_547 = vector.shape_cast %broadcast_in_dim3A : vector<16x1xi32> to vector<16xi32>
        %gather3A_548 = tpu.dynamic_gather %get3A_544[%gather3A_547] in [0] : vector<16xf32>, vector<16xi32> -> vector<16xf32>
        %gather3A_549 = vector.shape_cast %broadcast_in_dim3A_48 : vector<16x1xi32> to vector<16xi32>
        %gather3A_550 = tpu.dynamic_gather %get3A_540[%gather3A_549] in [0] : vector<16xf32>, vector<16xi32> -> vector<16xf32>
        %gather3A_551 = vector.shape_cast %broadcast_in_dim3A_48 : vector<16x1xi32> to vector<16xi32>
        %gather3A_552 = tpu.dynamic_gather %get3A_544[%gather3A_551] in [0] : vector<16xf32>, vector<16xi32> -> vector<16xf32>
        %select_n3A_553 = arith.select %eq3A_52, %gather3A_546, %gather3A_548 : vector<16xi1>, vector<16xf32>
        %select_n3A_554 = arith.select %eq3A_52, %gather3A_550, %gather3A_552 : vector<16xi1>, vector<16xf32>
        %add3A_555 = arith.constant 0 : i32
        %add3A_556 = arith.addi %mul3A_423, %add3A_555 : i32
        %swap3A_557 = arith.index_cast %add3A_556 : i32 to index
        %swap3A_558 = arith.constant 128 : index
        %swap3A_559 = tpu.vector_load %arg10[%swap3A_557, %swap3A_558] {strides = array<i32>} : memref<16x512xf32, #tpu.memory_space<vmem>>, vector<16xf32>,
        tpu.vector_store %arg10[%swap3A_557, %swap3A_558], %select_n3A_553 {strides = array<i32>} : memref<16x512xf32, #tpu.memory_space<vmem>>, vector<16xf32>,
        %add3A_560 = arith.constant 0 : i32
        %add3A_561 = arith.addi %mul3A_423, %add3A_560 : i32
        %swap3A_562 = arith.index_cast %add3A_561 : i32 to index
        %swap3A_563 = arith.constant 144 : index
        %swap3A_564 = tpu.vector_load %arg10[%swap3A_562, %swap3A_563] {strides = array<i32>} : memref<16x512xf32, #tpu.memory_space<vmem>>, vector<16xf32>,
        tpu.vector_store %arg10[%swap3A_562, %swap3A_563], %select_n3A_554 {strides = array<i32>} : memref<16x512xf32, #tpu.memory_space<vmem>>, vector<16xf32>,
        %add3A_565 = arith.constant 80 : i32
        %add3A_566 = arith.addi %mul3A_427, %add3A_565 : i32
        %get3A_567 = arith.index_cast %add3A_566 : i32 to index
        %get3A_568 = tpu.vector_load %arg6[%get3A_567] {strides = array<i32>} : memref<4096xf32, #tpu.memory_space<vmem>>, vector<16xf32>,
        %add3A_569 = arith.constant 80 : i32
        %add3A_570 = arith.addi %mul3A_427, %add3A_569 : i32
        %get3A_571 = arith.index_cast %add3A_570 : i32 to index
        %get3A_572 = tpu.vector_load %arg8[%get3A_571] {strides = array<i32>} : memref<4096xf32, #tpu.memory_space<vmem>>, vector<16xf32>,
        %gather3A_573 = vector.shape_cast %broadcast_in_dim3A : vector<16x1xi32> to vector<16xi32>
        %gather3A_574 = tpu.dynamic_gather %get3A_568[%gather3A_573] in [0] : vector<16xf32>, vector<16xi32> -> vector<16xf32>
        %gather3A_575 = vector.shape_cast %broadcast_in_dim3A : vector<16x1xi32> to vector<16xi32>
        %gather3A_576 = tpu.dynamic_gather %get3A_572[%gather3A_575] in [0] : vector<16xf32>, vector<16xi32> -> vector<16xf32>
        %gather3A_577 = vector.shape_cast %broadcast_in_dim3A_48 : vector<16x1xi32> to vector<16xi32>
        %gather3A_578 = tpu.dynamic_gather %get3A_568[%gather3A_577] in [0] : vector<16xf32>, vector<16xi32> -> vector<16xf32>
        %gather3A_579 = vector.shape_cast %broadcast_in_dim3A_48 : vector<16x1xi32> to vector<16xi32>
        %gather3A_580 = tpu.dynamic_gather %get3A_572[%gather3A_579] in [0] : vector<16xf32>, vector<16xi32> -> vector<16xf32>
        %select_n3A_581 = arith.select %eq3A_52, %gather3A_574, %gather3A_576 : vector<16xi1>, vector<16xf32>
        %select_n3A_582 = arith.select %eq3A_52, %gather3A_578, %gather3A_580 : vector<16xi1>, vector<16xf32>
        %add3A_583 = arith.constant 0 : i32
        %add3A_584 = arith.addi %mul3A_423, %add3A_583 : i32
        %swap3A_585 = arith.index_cast %add3A_584 : i32 to index
        %swap3A_586 = arith.constant 160 : index
        %swap3A_587 = tpu.vector_load %arg10[%swap3A_585, %swap3A_586] {strides = array<i32>} : memref<16x512xf32, #tpu.memory_space<vmem>>, vector<16xf32>,
        tpu.vector_store %arg10[%swap3A_585, %swap3A_586], %select_n3A_581 {strides = array<i32>} : memref<16x512xf32, #tpu.memory_space<vmem>>, vector<16xf32>,
        %add3A_588 = arith.constant 0 : i32
        %add3A_589 = arith.addi %mul3A_423, %add3A_588 : i32
        %swap3A_590 = arith.index_cast %add3A_589 : i32 to index
        %swap3A_591 = arith.constant 176 : index
        %swap3A_592 = tpu.vector_load %arg10[%swap3A_590, %swap3A_591] {strides = array<i32>} : memref<16x512xf32, #tpu.memory_space<vmem>>, vector<16xf32>,
        tpu.vector_store %arg10[%swap3A_590, %swap3A_591], %select_n3A_582 {strides = array<i32>} : memref<16x512xf32, #tpu.memory_space<vmem>>, vector<16xf32>,
        %add3A_593 = arith.constant 96 : i32
        %add3A_594 = arith.addi %mul3A_427, %add3A_593 : i32
        %get3A_595 = arith.index_cast %add3A_594 : i32 to index
        %get3A_596 = tpu.vector_load %arg6[%get3A_595] {strides = array<i32>} : memref<4096xf32, #tpu.memory_space<vmem>>, vector<16xf32>,
        %add3A_597 = arith.constant 96 : i32
        %add3A_598 = arith.addi %mul3A_427, %add3A_597 : i32
        %get3A_599 = arith.index_cast %add3A_598 : i32 to index
        %get3A_600 = tpu.vector_load %arg8[%get3A_599] {strides = array<i32>} : memref<4096xf32, #tpu.memory_space<vmem>>, vector<16xf32>,
        %gather3A_601 = vector.shape_cast %broadcast_in_dim3A : vector<16x1xi32> to vector<16xi32>
        %gather3A_602 = tpu.dynamic_gather %get3A_596[%gather3A_601] in [0] : vector<16xf32>, vector<16xi32> -> vector<16xf32>
        %gather3A_603 = vector.shape_cast %broadcast_in_dim3A : vector<16x1xi32> to vector<16xi32>
        %gather3A_604 = tpu.dynamic_gather %get3A_600[%gather3A_603] in [0] : vector<16xf32>, vector<16xi32> -> vector<16xf32>
        %gather3A_605 = vector.shape_cast %broadcast_in_dim3A_48 : vector<16x1xi32> to vector<16xi32>
        %gather3A_606 = tpu.dynamic_gather %get3A_596[%gather3A_605] in [0] : vector<16xf32>, vector<16xi32> -> vector<16xf32>
        %gather3A_607 = vector.shape_cast %broadcast_in_dim3A_48 : vector<16x1xi32> to vector<16xi32>
        %gather3A_608 = tpu.dynamic_gather %get3A_600[%gather3A_607] in [0] : vector<16xf32>, vector<16xi32> -> vector<16xf32>
        %select_n3A_609 = arith.select %eq3A_52, %gather3A_602, %gather3A_604 : vector<16xi1>, vector<16xf32>
        %select_n3A_610 = arith.select %eq3A_52, %gather3A_606, %gather3A_608 : vector<16xi1>, vector<16xf32>
        %add3A_611 = arith.constant 0 : i32
        %add3A_612 = arith.addi %mul3A_423, %add3A_611 : i32
        %swap3A_613 = arith.index_cast %add3A_612 : i32 to index
        %swap3A_614 = arith.constant 192 : index
        %swap3A_615 = tpu.vector_load %arg10[%swap3A_613, %swap3A_614] {strides = array<i32>} : memref<16x512xf32, #tpu.memory_space<vmem>>, vector<16xf32>,
        tpu.vector_store %arg10[%swap3A_613, %swap3A_614], %select_n3A_609 {strides = array<i32>} : memref<16x512xf32, #tpu.memory_space<vmem>>, vector<16xf32>,
        %add3A_616 = arith.constant 0 : i32
        %add3A_617 = arith.addi %mul3A_423, %add3A_616 : i32
        %swap3A_618 = arith.index_cast %add3A_617 : i32 to index
        %swap3A_619 = arith.constant 208 : index
        %swap3A_620 = tpu.vector_load %arg10[%swap3A_618, %swap3A_619] {strides = array<i32>} : memref<16x512xf32, #tpu.memory_space<vmem>>, vector<16xf32>,
        tpu.vector_store %arg10[%swap3A_618, %swap3A_619], %select_n3A_610 {strides = array<i32>} : memref<16x512xf32, #tpu.memory_space<vmem>>, vector<16xf32>,
        %add3A_621 = arith.constant 112 : i32
        %add3A_622 = arith.addi %mul3A_427, %add3A_621 : i32
        %get3A_623 = arith.index_cast %add3A_622 : i32 to index
        %get3A_624 = tpu.vector_load %arg6[%get3A_623] {strides = array<i32>} : memref<4096xf32, #tpu.memory_space<vmem>>, vector<16xf32>,
        %add3A_625 = arith.constant 112 : i32
        %add3A_626 = arith.addi %mul3A_427, %add3A_625 : i32
        %get3A_627 = arith.index_cast %add3A_626 : i32 to index
        %get3A_628 = tpu.vector_load %arg8[%get3A_627] {strides = array<i32>} : memref<4096xf32, #tpu.memory_space<vmem>>, vector<16xf32>,
        %gather3A_629 = vector.shape_cast %broadcast_in_dim3A : vector<16x1xi32> to vector<16xi32>
        %gather3A_630 = tpu.dynamic_gather %get3A_624[%gather3A_629] in [0] : vector<16xf32>, vector<16xi32> -> vector<16xf32>
        %gather3A_631 = vector.shape_cast %broadcast_in_dim3A : vector<16x1xi32> to vector<16xi32>
        %gather3A_632 = tpu.dynamic_gather %get3A_628[%gather3A_631] in [0] : vector<16xf32>, vector<16xi32> -> vector<16xf32>
        %gather3A_633 = vector.shape_cast %broadcast_in_dim3A_48 : vector<16x1xi32> to vector<16xi32>
        %gather3A_634 = tpu.dynamic_gather %get3A_624[%gather3A_633] in [0] : vector<16xf32>, vector<16xi32> -> vector<16xf32>
        %gather3A_635 = vector.shape_cast %broadcast_in_dim3A_48 : vector<16x1xi32> to vector<16xi32>
        %gather3A_636 = tpu.dynamic_gather %get3A_628[%gather3A_635] in [0] : vector<16xf32>, vector<16xi32> -> vector<16xf32>
        %select_n3A_637 = arith.select %eq3A_52, %gather3A_630, %gather3A_632 : vector<16xi1>, vector<16xf32>
        %select_n3A_638 = arith.select %eq3A_52, %gather3A_634, %gather3A_636 : vector<16xi1>, vector<16xf32>
        %add3A_639 = arith.constant 0 : i32
        %add3A_640 = arith.addi %mul3A_423, %add3A_639 : i32
        %swap3A_641 = arith.index_cast %add3A_640 : i32 to index
        %swap3A_642 = arith.constant 224 : index
        %swap3A_643 = tpu.vector_load %arg10[%swap3A_641, %swap3A_642] {strides = array<i32>} : memref<16x512xf32, #tpu.memory_space<vmem>>, vector<16xf32>,
        tpu.vector_store %arg10[%swap3A_641, %swap3A_642], %select_n3A_637 {strides = array<i32>} : memref<16x512xf32, #tpu.memory_space<vmem>>, vector<16xf32>,
        %add3A_644 = arith.constant 0 : i32
        %add3A_645 = arith.addi %mul3A_423, %add3A_644 : i32
        %swap3A_646 = arith.index_cast %add3A_645 : i32 to index
        %swap3A_647 = arith.constant 240 : index
        %swap3A_648 = tpu.vector_load %arg10[%swap3A_646, %swap3A_647] {strides = array<i32>} : memref<16x512xf32, #tpu.memory_space<vmem>>, vector<16xf32>,
        tpu.vector_store %arg10[%swap3A_646, %swap3A_647], %select_n3A_638 {strides = array<i32>} : memref<16x512xf32, #tpu.memory_space<vmem>>, vector<16xf32>,
        %add3A_649 = arith.constant 128 : i32
        %add3A_650 = arith.addi %mul3A_427, %add3A_649 : i32
        %get3A_651 = arith.index_cast %add3A_650 : i32 to index
        %get3A_652 = tpu.vector_load %arg6[%get3A_651] {strides = array<i32>} : memref<4096xf32, #tpu.memory_space<vmem>>, vector<16xf32>,
        %add3A_653 = arith.constant 128 : i32
        %add3A_654 = arith.addi %mul3A_427, %add3A_653 : i32
        %get3A_655 = arith.index_cast %add3A_654 : i32 to index
        %get3A_656 = tpu.vector_load %arg8[%get3A_655] {strides = array<i32>} : memref<4096xf32, #tpu.memory_space<vmem>>, vector<16xf32>,
        %gather3A_657 = vector.shape_cast %broadcast_in_dim3A : vector<16x1xi32> to vector<16xi32>
        %gather3A_658 = tpu.dynamic_gather %get3A_652[%gather3A_657] in [0] : vector<16xf32>, vector<16xi32> -> vector<16xf32>
        %gather3A_659 = vector.shape_cast %broadcast_in_dim3A : vector<16x1xi32> to vector<16xi32>
        %gather3A_660 = tpu.dynamic_gather %get3A_656[%gather3A_659] in [0] : vector<16xf32>, vector<16xi32> -> vector<16xf32>
        %gather3A_661 = vector.shape_cast %broadcast_in_dim3A_48 : vector<16x1xi32> to vector<16xi32>
        %gather3A_662 = tpu.dynamic_gather %get3A_652[%gather3A_661] in [0] : vector<16xf32>, vector<16xi32> -> vector<16xf32>
        %gather3A_663 = vector.shape_cast %broadcast_in_dim3A_48 : vector<16x1xi32> to vector<16xi32>
        %gather3A_664 = tpu.dynamic_gather %get3A_656[%gather3A_663] in [0] : vector<16xf32>, vector<16xi32> -> vector<16xf32>
        %select_n3A_665 = arith.select %eq3A_52, %gather3A_658, %gather3A_660 : vector<16xi1>, vector<16xf32>
        %select_n3A_666 = arith.select %eq3A_52, %gather3A_662, %gather3A_664 : vector<16xi1>, vector<16xf32>
        %add3A_667 = arith.constant 0 : i32
        %add3A_668 = arith.addi %mul3A_423, %add3A_667 : i32
        %swap3A_669 = arith.index_cast %add3A_668 : i32 to index
        %swap3A_670 = arith.constant 256 : index
        %swap3A_671 = tpu.vector_load %arg10[%swap3A_669, %swap3A_670] {strides = array<i32>} : memref<16x512xf32, #tpu.memory_space<vmem>>, vector<16xf32>,
        tpu.vector_store %arg10[%swap3A_669, %swap3A_670], %select_n3A_665 {strides = array<i32>} : memref<16x512xf32, #tpu.memory_space<vmem>>, vector<16xf32>,
        %add3A_672 = arith.constant 0 : i32
        %add3A_673 = arith.addi %mul3A_423, %add3A_672 : i32
        %swap3A_674 = arith.index_cast %add3A_673 : i32 to index
        %swap3A_675 = arith.constant 272 : index
        %swap3A_676 = tpu.vector_load %arg10[%swap3A_674, %swap3A_675] {strides = array<i32>} : memref<16x512xf32, #tpu.memory_space<vmem>>, vector<16xf32>,
        tpu.vector_store %arg10[%swap3A_674, %swap3A_675], %select_n3A_666 {strides = array<i32>} : memref<16x512xf32, #tpu.memory_space<vmem>>, vector<16xf32>,
        %add3A_677 = arith.constant 144 : i32
        %add3A_678 = arith.addi %mul3A_427, %add3A_677 : i32
        %get3A_679 = arith.index_cast %add3A_678 : i32 to index
        %get3A_680 = tpu.vector_load %arg6[%get3A_679] {strides = array<i32>} : memref<4096xf32, #tpu.memory_space<vmem>>, vector<16xf32>,
        %add3A_681 = arith.constant 144 : i32
        %add3A_682 = arith.addi %mul3A_427, %add3A_681 : i32
        %get3A_683 = arith.index_cast %add3A_682 : i32 to index
        %get3A_684 = tpu.vector_load %arg8[%get3A_683] {strides = array<i32>} : memref<4096xf32, #tpu.memory_space<vmem>>, vector<16xf32>,
        %gather3A_685 = vector.shape_cast %broadcast_in_dim3A : vector<16x1xi32> to vector<16xi32>
        %gather3A_686 = tpu.dynamic_gather %get3A_680[%gather3A_685] in [0] : vector<16xf32>, vector<16xi32> -> vector<16xf32>
        %gather3A_687 = vector.shape_cast %broadcast_in_dim3A : vector<16x1xi32> to vector<16xi32>
        %gather3A_688 = tpu.dynamic_gather %get3A_684[%gather3A_687] in [0] : vector<16xf32>, vector<16xi32> -> vector<16xf32>
        %gather3A_689 = vector.shape_cast %broadcast_in_dim3A_48 : vector<16x1xi32> to vector<16xi32>
        %gather3A_690 = tpu.dynamic_gather %get3A_680[%gather3A_689] in [0] : vector<16xf32>, vector<16xi32> -> vector<16xf32>
        %gather3A_691 = vector.shape_cast %broadcast_in_dim3A_48 : vector<16x1xi32> to vector<16xi32>
        %gather3A_692 = tpu.dynamic_gather %get3A_684[%gather3A_691] in [0] : vector<16xf32>, vector<16xi32> -> vector<16xf32>
        %select_n3A_693 = arith.select %eq3A_52, %gather3A_686, %gather3A_688 : vector<16xi1>, vector<16xf32>
        %select_n3A_694 = arith.select %eq3A_52, %gather3A_690, %gather3A_692 : vector<16xi1>, vector<16xf32>
        %add3A_695 = arith.constant 0 : i32
        %add3A_696 = arith.addi %mul3A_423, %add3A_695 : i32
        %swap3A_697 = arith.index_cast %add3A_696 : i32 to index
        %swap3A_698 = arith.constant 288 : index
        %swap3A_699 = tpu.vector_load %arg10[%swap3A_697, %swap3A_698] {strides = array<i32>} : memref<16x512xf32, #tpu.memory_space<vmem>>, vector<16xf32>,
        tpu.vector_store %arg10[%swap3A_697, %swap3A_698], %select_n3A_693 {strides = array<i32>} : memref<16x512xf32, #tpu.memory_space<vmem>>, vector<16xf32>,
        %add3A_700 = arith.constant 0 : i32
        %add3A_701 = arith.addi %mul3A_423, %add3A_700 : i32
        %swap3A_702 = arith.index_cast %add3A_701 : i32 to index
        %swap3A_703 = arith.constant 304 : index
        %swap3A_704 = tpu.vector_load %arg10[%swap3A_702, %swap3A_703] {strides = array<i32>} : memref<16x512xf32, #tpu.memory_space<vmem>>, vector<16xf32>,
        tpu.vector_store %arg10[%swap3A_702, %swap3A_703], %select_n3A_694 {strides = array<i32>} : memref<16x512xf32, #tpu.memory_space<vmem>>, vector<16xf32>,
        %add3A_705 = arith.constant 160 : i32
        %add3A_706 = arith.addi %mul3A_427, %add3A_705 : i32
        %get3A_707 = arith.index_cast %add3A_706 : i32 to index
        %get3A_708 = tpu.vector_load %arg6[%get3A_707] {strides = array<i32>} : memref<4096xf32, #tpu.memory_space<vmem>>, vector<16xf32>,
        %add3A_709 = arith.constant 160 : i32
        %add3A_710 = arith.addi %mul3A_427, %add3A_709 : i32
        %get3A_711 = arith.index_cast %add3A_710 : i32 to index
        %get3A_712 = tpu.vector_load %arg8[%get3A_711] {strides = array<i32>} : memref<4096xf32, #tpu.memory_space<vmem>>, vector<16xf32>,
        %gather3A_713 = vector.shape_cast %broadcast_in_dim3A : vector<16x1xi32> to vector<16xi32>
        %gather3A_714 = tpu.dynamic_gather %get3A_708[%gather3A_713] in [0] : vector<16xf32>, vector<16xi32> -> vector<16xf32>
        %gather3A_715 = vector.shape_cast %broadcast_in_dim3A : vector<16x1xi32> to vector<16xi32>
        %gather3A_716 = tpu.dynamic_gather %get3A_712[%gather3A_715] in [0] : vector<16xf32>, vector<16xi32> -> vector<16xf32>
        %gather3A_717 = vector.shape_cast %broadcast_in_dim3A_48 : vector<16x1xi32> to vector<16xi32>
        %gather3A_718 = tpu.dynamic_gather %get3A_708[%gather3A_717] in [0] : vector<16xf32>, vector<16xi32> -> vector<16xf32>
        %gather3A_719 = vector.shape_cast %broadcast_in_dim3A_48 : vector<16x1xi32> to vector<16xi32>
        %gather3A_720 = tpu.dynamic_gather %get3A_712[%gather3A_719] in [0] : vector<16xf32>, vector<16xi32> -> vector<16xf32>
        %select_n3A_721 = arith.select %eq3A_52, %gather3A_714, %gather3A_716 : vector<16xi1>, vector<16xf32>
        %select_n3A_722 = arith.select %eq3A_52, %gather3A_718, %gather3A_720 : vector<16xi1>, vector<16xf32>
        %add3A_723 = arith.constant 0 : i32
        %add3A_724 = arith.addi %mul3A_423, %add3A_723 : i32
        %swap3A_725 = arith.index_cast %add3A_724 : i32 to index
        %swap3A_726 = arith.constant 320 : index
        %swap3A_727 = tpu.vector_load %arg10[%swap3A_725, %swap3A_726] {strides = array<i32>} : memref<16x512xf32, #tpu.memory_space<vmem>>, vector<16xf32>,
        tpu.vector_store %arg10[%swap3A_725, %swap3A_726], %select_n3A_721 {strides = array<i32>} : memref<16x512xf32, #tpu.memory_space<vmem>>, vector<16xf32>,
        %add3A_728 = arith.constant 0 : i32
        %add3A_729 = arith.addi %mul3A_423, %add3A_728 : i32
        %swap3A_730 = arith.index_cast %add3A_729 : i32 to index
        %swap3A_731 = arith.constant 336 : index
        %swap3A_732 = tpu.vector_load %arg10[%swap3A_730, %swap3A_731] {strides = array<i32>} : memref<16x512xf32, #tpu.memory_space<vmem>>, vector<16xf32>,
        tpu.vector_store %arg10[%swap3A_730, %swap3A_731], %select_n3A_722 {strides = array<i32>} : memref<16x512xf32, #tpu.memory_space<vmem>>, vector<16xf32>,
        %add3A_733 = arith.constant 176 : i32
        %add3A_734 = arith.addi %mul3A_427, %add3A_733 : i32
        %get3A_735 = arith.index_cast %add3A_734 : i32 to index
        %get3A_736 = tpu.vector_load %arg6[%get3A_735] {strides = array<i32>} : memref<4096xf32, #tpu.memory_space<vmem>>, vector<16xf32>,
        %add3A_737 = arith.constant 176 : i32
        %add3A_738 = arith.addi %mul3A_427, %add3A_737 : i32
        %get3A_739 = arith.index_cast %add3A_738 : i32 to index
        %get3A_740 = tpu.vector_load %arg8[%get3A_739] {strides = array<i32>} : memref<4096xf32, #tpu.memory_space<vmem>>, vector<16xf32>,
        %gather3A_741 = vector.shape_cast %broadcast_in_dim3A : vector<16x1xi32> to vector<16xi32>
        %gather3A_742 = tpu.dynamic_gather %get3A_736[%gather3A_741] in [0] : vector<16xf32>, vector<16xi32> -> vector<16xf32>
        %gather3A_743 = vector.shape_cast %broadcast_in_dim3A : vector<16x1xi32> to vector<16xi32>
        %gather3A_744 = tpu.dynamic_gather %get3A_740[%gather3A_743] in [0] : vector<16xf32>, vector<16xi32> -> vector<16xf32>
        %gather3A_745 = vector.shape_cast %broadcast_in_dim3A_48 : vector<16x1xi32> to vector<16xi32>
        %gather3A_746 = tpu.dynamic_gather %get3A_736[%gather3A_745] in [0] : vector<16xf32>, vector<16xi32> -> vector<16xf32>
        %gather3A_747 = vector.shape_cast %broadcast_in_dim3A_48 : vector<16x1xi32> to vector<16xi32>
        %gather3A_748 = tpu.dynamic_gather %get3A_740[%gather3A_747] in [0] : vector<16xf32>, vector<16xi32> -> vector<16xf32>
        %select_n3A_749 = arith.select %eq3A_52, %gather3A_742, %gather3A_744 : vector<16xi1>, vector<16xf32>
        %select_n3A_750 = arith.select %eq3A_52, %gather3A_746, %gather3A_748 : vector<16xi1>, vector<16xf32>
        %add3A_751 = arith.constant 0 : i32
        %add3A_752 = arith.addi %mul3A_423, %add3A_751 : i32
        %swap3A_753 = arith.index_cast %add3A_752 : i32 to index
        %swap3A_754 = arith.constant 352 : index
        %swap3A_755 = tpu.vector_load %arg10[%swap3A_753, %swap3A_754] {strides = array<i32>} : memref<16x512xf32, #tpu.memory_space<vmem>>, vector<16xf32>,
        tpu.vector_store %arg10[%swap3A_753, %swap3A_754], %select_n3A_749 {strides = array<i32>} : memref<16x512xf32, #tpu.memory_space<vmem>>, vector<16xf32>,
        %add3A_756 = arith.constant 0 : i32
        %add3A_757 = arith.addi %mul3A_423, %add3A_756 : i32
        %swap3A_758 = arith.index_cast %add3A_757 : i32 to index
        %swap3A_759 = arith.constant 368 : index
        %swap3A_760 = tpu.vector_load %arg10[%swap3A_758, %swap3A_759] {strides = array<i32>} : memref<16x512xf32, #tpu.memory_space<vmem>>, vector<16xf32>,
        tpu.vector_store %arg10[%swap3A_758, %swap3A_759], %select_n3A_750 {strides = array<i32>} : memref<16x512xf32, #tpu.memory_space<vmem>>, vector<16xf32>,
        %add3A_761 = arith.constant 192 : i32
        %add3A_762 = arith.addi %mul3A_427, %add3A_761 : i32
        %get3A_763 = arith.index_cast %add3A_762 : i32 to index
        %get3A_764 = tpu.vector_load %arg6[%get3A_763] {strides = array<i32>} : memref<4096xf32, #tpu.memory_space<vmem>>, vector<16xf32>,
        %add3A_765 = arith.constant 192 : i32
        %add3A_766 = arith.addi %mul3A_427, %add3A_765 : i32
        %get3A_767 = arith.index_cast %add3A_766 : i32 to index
        %get3A_768 = tpu.vector_load %arg8[%get3A_767] {strides = array<i32>} : memref<4096xf32, #tpu.memory_space<vmem>>, vector<16xf32>,
        %gather3A_769 = vector.shape_cast %broadcast_in_dim3A : vector<16x1xi32> to vector<16xi32>
        %gather3A_770 = tpu.dynamic_gather %get3A_764[%gather3A_769] in [0] : vector<16xf32>, vector<16xi32> -> vector<16xf32>
        %gather3A_771 = vector.shape_cast %broadcast_in_dim3A : vector<16x1xi32> to vector<16xi32>
        %gather3A_772 = tpu.dynamic_gather %get3A_768[%gather3A_771] in [0] : vector<16xf32>, vector<16xi32> -> vector<16xf32>
        %gather3A_773 = vector.shape_cast %broadcast_in_dim3A_48 : vector<16x1xi32> to vector<16xi32>
        %gather3A_774 = tpu.dynamic_gather %get3A_764[%gather3A_773] in [0] : vector<16xf32>, vector<16xi32> -> vector<16xf32>
        %gather3A_775 = vector.shape_cast %broadcast_in_dim3A_48 : vector<16x1xi32> to vector<16xi32>
        %gather3A_776 = tpu.dynamic_gather %get3A_768[%gather3A_775] in [0] : vector<16xf32>, vector<16xi32> -> vector<16xf32>
        %select_n3A_777 = arith.select %eq3A_52, %gather3A_770, %gather3A_772 : vector<16xi1>, vector<16xf32>
        %select_n3A_778 = arith.select %eq3A_52, %gather3A_774, %gather3A_776 : vector<16xi1>, vector<16xf32>
        %add3A_779 = arith.constant 0 : i32
        %add3A_780 = arith.addi %mul3A_423, %add3A_779 : i32
        %swap3A_781 = arith.index_cast %add3A_780 : i32 to index
        %swap3A_782 = arith.constant 384 : index
        %swap3A_783 = tpu.vector_load %arg10[%swap3A_781, %swap3A_782] {strides = array<i32>} : memref<16x512xf32, #tpu.memory_space<vmem>>, vector<16xf32>,
        tpu.vector_store %arg10[%swap3A_781, %swap3A_782], %select_n3A_777 {strides = array<i32>} : memref<16x512xf32, #tpu.memory_space<vmem>>, vector<16xf32>,
        %add3A_784 = arith.constant 0 : i32
        %add3A_785 = arith.addi %mul3A_423, %add3A_784 : i32
        %swap3A_786 = arith.index_cast %add3A_785 : i32 to index
        %swap3A_787 = arith.constant 400 : index
        %swap3A_788 = tpu.vector_load %arg10[%swap3A_786, %swap3A_787] {strides = array<i32>} : memref<16x512xf32, #tpu.memory_space<vmem>>, vector<16xf32>,
        tpu.vector_store %arg10[%swap3A_786, %swap3A_787], %select_n3A_778 {strides = array<i32>} : memref<16x512xf32, #tpu.memory_space<vmem>>, vector<16xf32>,
        %add3A_789 = arith.constant 208 : i32
        %add3A_790 = arith.addi %mul3A_427, %add3A_789 : i32
        %get3A_791 = arith.index_cast %add3A_790 : i32 to index
        %get3A_792 = tpu.vector_load %arg6[%get3A_791] {strides = array<i32>} : memref<4096xf32, #tpu.memory_space<vmem>>, vector<16xf32>,
        %add3A_793 = arith.constant 208 : i32
        %add3A_794 = arith.addi %mul3A_427, %add3A_793 : i32
        %get3A_795 = arith.index_cast %add3A_794 : i32 to index
        %get3A_796 = tpu.vector_load %arg8[%get3A_795] {strides = array<i32>} : memref<4096xf32, #tpu.memory_space<vmem>>, vector<16xf32>,
        %gather3A_797 = vector.shape_cast %broadcast_in_dim3A : vector<16x1xi32> to vector<16xi32>
        %gather3A_798 = tpu.dynamic_gather %get3A_792[%gather3A_797] in [0] : vector<16xf32>, vector<16xi32> -> vector<16xf32>
        %gather3A_799 = vector.shape_cast %broadcast_in_dim3A : vector<16x1xi32> to vector<16xi32>
        %gather3A_800 = tpu.dynamic_gather %get3A_796[%gather3A_799] in [0] : vector<16xf32>, vector<16xi32> -> vector<16xf32>
        %gather3A_801 = vector.shape_cast %broadcast_in_dim3A_48 : vector<16x1xi32> to vector<16xi32>
        %gather3A_802 = tpu.dynamic_gather %get3A_792[%gather3A_801] in [0] : vector<16xf32>, vector<16xi32> -> vector<16xf32>
        %gather3A_803 = vector.shape_cast %broadcast_in_dim3A_48 : vector<16x1xi32> to vector<16xi32>
        %gather3A_804 = tpu.dynamic_gather %get3A_796[%gather3A_803] in [0] : vector<16xf32>, vector<16xi32> -> vector<16xf32>
        %select_n3A_805 = arith.select %eq3A_52, %gather3A_798, %gather3A_800 : vector<16xi1>, vector<16xf32>
        %select_n3A_806 = arith.select %eq3A_52, %gather3A_802, %gather3A_804 : vector<16xi1>, vector<16xf32>
        %add3A_807 = arith.constant 0 : i32
        %add3A_808 = arith.addi %mul3A_423, %add3A_807 : i32
        %swap3A_809 = arith.index_cast %add3A_808 : i32 to index
        %swap3A_810 = arith.constant 416 : index
        %swap3A_811 = tpu.vector_load %arg10[%swap3A_809, %swap3A_810] {strides = array<i32>} : memref<16x512xf32, #tpu.memory_space<vmem>>, vector<16xf32>,
        tpu.vector_store %arg10[%swap3A_809, %swap3A_810], %select_n3A_805 {strides = array<i32>} : memref<16x512xf32, #tpu.memory_space<vmem>>, vector<16xf32>,
        %add3A_812 = arith.constant 0 : i32
        %add3A_813 = arith.addi %mul3A_423, %add3A_812 : i32
        %swap3A_814 = arith.index_cast %add3A_813 : i32 to index
        %swap3A_815 = arith.constant 432 : index
        %swap3A_816 = tpu.vector_load %arg10[%swap3A_814, %swap3A_815] {strides = array<i32>} : memref<16x512xf32, #tpu.memory_space<vmem>>, vector<16xf32>,
        tpu.vector_store %arg10[%swap3A_814, %swap3A_815], %select_n3A_806 {strides = array<i32>} : memref<16x512xf32, #tpu.memory_space<vmem>>, vector<16xf32>,
        %add3A_817 = arith.constant 224 : i32
        %add3A_818 = arith.addi %mul3A_427, %add3A_817 : i32
        %get3A_819 = arith.index_cast %add3A_818 : i32 to index
        %get3A_820 = tpu.vector_load %arg6[%get3A_819] {strides = array<i32>} : memref<4096xf32, #tpu.memory_space<vmem>>, vector<16xf32>,
        %add3A_821 = arith.constant 224 : i32
        %add3A_822 = arith.addi %mul3A_427, %add3A_821 : i32
        %get3A_823 = arith.index_cast %add3A_822 : i32 to index
        %get3A_824 = tpu.vector_load %arg8[%get3A_823] {strides = array<i32>} : memref<4096xf32, #tpu.memory_space<vmem>>, vector<16xf32>,
        %gather3A_825 = vector.shape_cast %broadcast_in_dim3A : vector<16x1xi32> to vector<16xi32>
        %gather3A_826 = tpu.dynamic_gather %get3A_820[%gather3A_825] in [0] : vector<16xf32>, vector<16xi32> -> vector<16xf32>
        %gather3A_827 = vector.shape_cast %broadcast_in_dim3A : vector<16x1xi32> to vector<16xi32>
        %gather3A_828 = tpu.dynamic_gather %get3A_824[%gather3A_827] in [0] : vector<16xf32>, vector<16xi32> -> vector<16xf32>
        %gather3A_829 = vector.shape_cast %broadcast_in_dim3A_48 : vector<16x1xi32> to vector<16xi32>
        %gather3A_830 = tpu.dynamic_gather %get3A_820[%gather3A_829] in [0] : vector<16xf32>, vector<16xi32> -> vector<16xf32>
        %gather3A_831 = vector.shape_cast %broadcast_in_dim3A_48 : vector<16x1xi32> to vector<16xi32>
        %gather3A_832 = tpu.dynamic_gather %get3A_824[%gather3A_831] in [0] : vector<16xf32>, vector<16xi32> -> vector<16xf32>
        %select_n3A_833 = arith.select %eq3A_52, %gather3A_826, %gather3A_828 : vector<16xi1>, vector<16xf32>
        %select_n3A_834 = arith.select %eq3A_52, %gather3A_830, %gather3A_832 : vector<16xi1>, vector<16xf32>
        %add3A_835 = arith.constant 0 : i32
        %add3A_836 = arith.addi %mul3A_423, %add3A_835 : i32
        %swap3A_837 = arith.index_cast %add3A_836 : i32 to index
        %swap3A_838 = arith.constant 448 : index
        %swap3A_839 = tpu.vector_load %arg10[%swap3A_837, %swap3A_838] {strides = array<i32>} : memref<16x512xf32, #tpu.memory_space<vmem>>, vector<16xf32>,
        tpu.vector_store %arg10[%swap3A_837, %swap3A_838], %select_n3A_833 {strides = array<i32>} : memref<16x512xf32, #tpu.memory_space<vmem>>, vector<16xf32>,
        %add3A_840 = arith.constant 0 : i32
        %add3A_841 = arith.addi %mul3A_423, %add3A_840 : i32
        %swap3A_842 = arith.index_cast %add3A_841 : i32 to index
        %swap3A_843 = arith.constant 464 : index
        %swap3A_844 = tpu.vector_load %arg10[%swap3A_842, %swap3A_843] {strides = array<i32>} : memref<16x512xf32, #tpu.memory_space<vmem>>, vector<16xf32>,
        tpu.vector_store %arg10[%swap3A_842, %swap3A_843], %select_n3A_834 {strides = array<i32>} : memref<16x512xf32, #tpu.memory_space<vmem>>, vector<16xf32>,
        %add3A_845 = arith.constant 240 : i32
        %add3A_846 = arith.addi %mul3A_427, %add3A_845 : i32
        %get3A_847 = arith.index_cast %add3A_846 : i32 to index
        %get3A_848 = tpu.vector_load %arg6[%get3A_847] {strides = array<i32>} : memref<4096xf32, #tpu.memory_space<vmem>>, vector<16xf32>,
        %add3A_849 = arith.constant 240 : i32
        %add3A_850 = arith.addi %mul3A_427, %add3A_849 : i32
        %get3A_851 = arith.index_cast %add3A_850 : i32 to index
        %get3A_852 = tpu.vector_load %arg8[%get3A_851] {strides = array<i32>} : memref<4096xf32, #tpu.memory_space<vmem>>, vector<16xf32>,
        %gather3A_853 = vector.shape_cast %broadcast_in_dim3A : vector<16x1xi32> to vector<16xi32>
        %gather3A_854 = tpu.dynamic_gather %get3A_848[%gather3A_853] in [0] : vector<16xf32>, vector<16xi32> -> vector<16xf32>
        %gather3A_855 = vector.shape_cast %broadcast_in_dim3A : vector<16x1xi32> to vector<16xi32>
        %gather3A_856 = tpu.dynamic_gather %get3A_852[%gather3A_855] in [0] : vector<16xf32>, vector<16xi32> -> vector<16xf32>
        %gather3A_857 = vector.shape_cast %broadcast_in_dim3A_48 : vector<16x1xi32> to vector<16xi32>
        %gather3A_858 = tpu.dynamic_gather %get3A_848[%gather3A_857] in [0] : vector<16xf32>, vector<16xi32> -> vector<16xf32>
        %gather3A_859 = vector.shape_cast %broadcast_in_dim3A_48 : vector<16x1xi32> to vector<16xi32>
        %gather3A_860 = tpu.dynamic_gather %get3A_852[%gather3A_859] in [0] : vector<16xf32>, vector<16xi32> -> vector<16xf32>
        %select_n3A_861 = arith.select %eq3A_52, %gather3A_854, %gather3A_856 : vector<16xi1>, vector<16xf32>
        %select_n3A_862 = arith.select %eq3A_52, %gather3A_858, %gather3A_860 : vector<16xi1>, vector<16xf32>
        %add3A_863 = arith.constant 0 : i32
        %add3A_864 = arith.addi %mul3A_423, %add3A_863 : i32
        %swap3A_865 = arith.index_cast %add3A_864 : i32 to index
        %swap3A_866 = arith.constant 480 : index
        %swap3A_867 = tpu.vector_load %arg10[%swap3A_865, %swap3A_866] {strides = array<i32>} : memref<16x512xf32, #tpu.memory_space<vmem>>, vector<16xf32>,
        tpu.vector_store %arg10[%swap3A_865, %swap3A_866], %select_n3A_861 {strides = array<i32>} : memref<16x512xf32, #tpu.memory_space<vmem>>, vector<16xf32>,
        %add3A_868 = arith.constant 0 : i32
        %add3A_869 = arith.addi %mul3A_423, %add3A_868 : i32
        %swap3A_870 = arith.index_cast %add3A_869 : i32 to index
        %swap3A_871 = arith.constant 496 : index
        %swap3A_872 = tpu.vector_load %arg10[%swap3A_870, %swap3A_871] {strides = array<i32>} : memref<16x512xf32, #tpu.memory_space<vmem>>, vector<16xf32>,
        tpu.vector_store %arg10[%swap3A_870, %swap3A_871], %select_n3A_862 {strides = array<i32>} : memref<16x512xf32, #tpu.memory_space<vmem>>, vector<16xf32>,
        %add3A_873 = arith.constant 1 : i32
        %add3A_874 = arith.addi %mul3A_423, %add3A_873 : i32
        %mul3A_875 = arith.constant 256 : i32
        %mul3A_876 = arith.muli %add3A_874, %mul3A_875 : i32
        %add3A_877 = arith.constant 0 : i32
        %add3A_878 = arith.addi %mul3A_876, %add3A_877 : i32
        %get3A_879 = arith.index_cast %add3A_878 : i32 to index
        %get3A_880 = tpu.vector_load %arg6[%get3A_879] {strides = array<i32>} : memref<4096xf32, #tpu.memory_space<vmem>>, vector<16xf32>,
        %add3A_881 = arith.constant 0 : i32
        %add3A_882 = arith.addi %mul3A_876, %add3A_881 : i32
        %get3A_883 = arith.index_cast %add3A_882 : i32 to index
        %get3A_884 = tpu.vector_load %arg8[%get3A_883] {strides = array<i32>} : memref<4096xf32, #tpu.memory_space<vmem>>, vector<16xf32>,
        %gather3A_885 = vector.shape_cast %broadcast_in_dim3A : vector<16x1xi32> to vector<16xi32>
        %gather3A_886 = tpu.dynamic_gather %get3A_880[%gather3A_885] in [0] : vector<16xf32>, vector<16xi32> -> vector<16xf32>
        %gather3A_887 = vector.shape_cast %broadcast_in_dim3A : vector<16x1xi32> to vector<16xi32>
        %gather3A_888 = tpu.dynamic_gather %get3A_884[%gather3A_887] in [0] : vector<16xf32>, vector<16xi32> -> vector<16xf32>
        %gather3A_889 = vector.shape_cast %broadcast_in_dim3A_48 : vector<16x1xi32> to vector<16xi32>
        %gather3A_890 = tpu.dynamic_gather %get3A_880[%gather3A_889] in [0] : vector<16xf32>, vector<16xi32> -> vector<16xf32>
        %gather3A_891 = vector.shape_cast %broadcast_in_dim3A_48 : vector<16x1xi32> to vector<16xi32>
        %gather3A_892 = tpu.dynamic_gather %get3A_884[%gather3A_891] in [0] : vector<16xf32>, vector<16xi32> -> vector<16xf32>
        %select_n3A_893 = arith.select %eq3A_52, %gather3A_888, %gather3A_886 : vector<16xi1>, vector<16xf32>
        %select_n3A_894 = arith.select %eq3A_52, %gather3A_892, %gather3A_890 : vector<16xi1>, vector<16xf32>
        %add3A_895 = arith.constant 1 : i32
        %add3A_896 = arith.addi %mul3A_423, %add3A_895 : i32
        %swap3A_897 = arith.index_cast %add3A_896 : i32 to index
        %swap3A_898 = arith.constant 0 : index
        %swap3A_899 = tpu.vector_load %arg10[%swap3A_897, %swap3A_898] {strides = array<i32>} : memref<16x512xf32, #tpu.memory_space<vmem>>, vector<16xf32>,
        tpu.vector_store %arg10[%swap3A_897, %swap3A_898], %select_n3A_893 {strides = array<i32>} : memref<16x512xf32, #tpu.memory_space<vmem>>, vector<16xf32>,
        %add3A_900 = arith.constant 1 : i32
        %add3A_901 = arith.addi %mul3A_423, %add3A_900 : i32
        %swap3A_902 = arith.index_cast %add3A_901 : i32 to index
        %swap3A_903 = arith.constant 16 : index
        %swap3A_904 = tpu.vector_load %arg10[%swap3A_902, %swap3A_903] {strides = array<i32>} : memref<16x512xf32, #tpu.memory_space<vmem>>, vector<16xf32>,
        tpu.vector_store %arg10[%swap3A_902, %swap3A_903], %select_n3A_894 {strides = array<i32>} : memref<16x512xf32, #tpu.memory_space<vmem>>, vector<16xf32>,
        %add3A_905 = arith.constant 16 : i32
        %add3A_906 = arith.addi %mul3A_876, %add3A_905 : i32
        %get3A_907 = arith.index_cast %add3A_906 : i32 to index
        %get3A_908 = tpu.vector_load %arg6[%get3A_907] {strides = array<i32>} : memref<4096xf32, #tpu.memory_space<vmem>>, vector<16xf32>,
        %add3A_909 = arith.constant 16 : i32
        %add3A_910 = arith.addi %mul3A_876, %add3A_909 : i32
        %get3A_911 = arith.index_cast %add3A_910 : i32 to index
        %get3A_912 = tpu.vector_load %arg8[%get3A_911] {strides = array<i32>} : memref<4096xf32, #tpu.memory_space<vmem>>, vector<16xf32>,
        %gather3A_913 = vector.shape_cast %broadcast_in_dim3A : vector<16x1xi32> to vector<16xi32>
        %gather3A_914 = tpu.dynamic_gather %get3A_908[%gather3A_913] in [0] : vector<16xf32>, vector<16xi32> -> vector<16xf32>
        %gather3A_915 = vector.shape_cast %broadcast_in_dim3A : vector<16x1xi32> to vector<16xi32>
        %gather3A_916 = tpu.dynamic_gather %get3A_912[%gather3A_915] in [0] : vector<16xf32>, vector<16xi32> -> vector<16xf32>
        %gather3A_917 = vector.shape_cast %broadcast_in_dim3A_48 : vector<16x1xi32> to vector<16xi32>
        %gather3A_918 = tpu.dynamic_gather %get3A_908[%gather3A_917] in [0] : vector<16xf32>, vector<16xi32> -> vector<16xf32>
        %gather3A_919 = vector.shape_cast %broadcast_in_dim3A_48 : vector<16x1xi32> to vector<16xi32>
        %gather3A_920 = tpu.dynamic_gather %get3A_912[%gather3A_919] in [0] : vector<16xf32>, vector<16xi32> -> vector<16xf32>
        %select_n3A_921 = arith.select %eq3A_52, %gather3A_916, %gather3A_914 : vector<16xi1>, vector<16xf32>
        %select_n3A_922 = arith.select %eq3A_52, %gather3A_920, %gather3A_918 : vector<16xi1>, vector<16xf32>
        %add3A_923 = arith.constant 1 : i32
        %add3A_924 = arith.addi %mul3A_423, %add3A_923 : i32
        %swap3A_925 = arith.index_cast %add3A_924 : i32 to index
        %swap3A_926 = arith.constant 32 : index
        %swap3A_927 = tpu.vector_load %arg10[%swap3A_925, %swap3A_926] {strides = array<i32>} : memref<16x512xf32, #tpu.memory_space<vmem>>, vector<16xf32>,
        tpu.vector_store %arg10[%swap3A_925, %swap3A_926], %select_n3A_921 {strides = array<i32>} : memref<16x512xf32, #tpu.memory_space<vmem>>, vector<16xf32>,
        %add3A_928 = arith.constant 1 : i32
        %add3A_929 = arith.addi %mul3A_423, %add3A_928 : i32
        %swap3A_930 = arith.index_cast %add3A_929 : i32 to index
        %swap3A_931 = arith.constant 48 : index
        %swap3A_932 = tpu.vector_load %arg10[%swap3A_930, %swap3A_931] {strides = array<i32>} : memref<16x512xf32, #tpu.memory_space<vmem>>, vector<16xf32>,
        tpu.vector_store %arg10[%swap3A_930, %swap3A_931], %select_n3A_922 {strides = array<i32>} : memref<16x512xf32, #tpu.memory_space<vmem>>, vector<16xf32>,
        %add3A_933 = arith.constant 32 : i32
        %add3A_934 = arith.addi %mul3A_876, %add3A_933 : i32
        %get3A_935 = arith.index_cast %add3A_934 : i32 to index
        %get3A_936 = tpu.vector_load %arg6[%get3A_935] {strides = array<i32>} : memref<4096xf32, #tpu.memory_space<vmem>>, vector<16xf32>,
        %add3A_937 = arith.constant 32 : i32
        %add3A_938 = arith.addi %mul3A_876, %add3A_937 : i32
        %get3A_939 = arith.index_cast %add3A_938 : i32 to index
        %get3A_940 = tpu.vector_load %arg8[%get3A_939] {strides = array<i32>} : memref<4096xf32, #tpu.memory_space<vmem>>, vector<16xf32>,
        %gather3A_941 = vector.shape_cast %broadcast_in_dim3A : vector<16x1xi32> to vector<16xi32>
        %gather3A_942 = tpu.dynamic_gather %get3A_936[%gather3A_941] in [0] : vector<16xf32>, vector<16xi32> -> vector<16xf32>
        %gather3A_943 = vector.shape_cast %broadcast_in_dim3A : vector<16x1xi32> to vector<16xi32>
        %gather3A_944 = tpu.dynamic_gather %get3A_940[%gather3A_943] in [0] : vector<16xf32>, vector<16xi32> -> vector<16xf32>
        %gather3A_945 = vector.shape_cast %broadcast_in_dim3A_48 : vector<16x1xi32> to vector<16xi32>
        %gather3A_946 = tpu.dynamic_gather %get3A_936[%gather3A_945] in [0] : vector<16xf32>, vector<16xi32> -> vector<16xf32>
        %gather3A_947 = vector.shape_cast %broadcast_in_dim3A_48 : vector<16x1xi32> to vector<16xi32>
        %gather3A_948 = tpu.dynamic_gather %get3A_940[%gather3A_947] in [0] : vector<16xf32>, vector<16xi32> -> vector<16xf32>
        %select_n3A_949 = arith.select %eq3A_52, %gather3A_944, %gather3A_942 : vector<16xi1>, vector<16xf32>
        %select_n3A_950 = arith.select %eq3A_52, %gather3A_948, %gather3A_946 : vector<16xi1>, vector<16xf32>
        %add3A_951 = arith.constant 1 : i32
        %add3A_952 = arith.addi %mul3A_423, %add3A_951 : i32
        %swap3A_953 = arith.index_cast %add3A_952 : i32 to index
        %swap3A_954 = arith.constant 64 : index
        %swap3A_955 = tpu.vector_load %arg10[%swap3A_953, %swap3A_954] {strides = array<i32>} : memref<16x512xf32, #tpu.memory_space<vmem>>, vector<16xf32>,
        tpu.vector_store %arg10[%swap3A_953, %swap3A_954], %select_n3A_949 {strides = array<i32>} : memref<16x512xf32, #tpu.memory_space<vmem>>, vector<16xf32>,
        %add3A_956 = arith.constant 1 : i32
        %add3A_957 = arith.addi %mul3A_423, %add3A_956 : i32
        %swap3A_958 = arith.index_cast %add3A_957 : i32 to index
        %swap3A_959 = arith.constant 80 : index
        %swap3A_960 = tpu.vector_load %arg10[%swap3A_958, %swap3A_959] {strides = array<i32>} : memref<16x512xf32, #tpu.memory_space<vmem>>, vector<16xf32>,
        tpu.vector_store %arg10[%swap3A_958, %swap3A_959], %select_n3A_950 {strides = array<i32>} : memref<16x512xf32, #tpu.memory_space<vmem>>, vector<16xf32>,
        %add3A_961 = arith.constant 48 : i32
        %add3A_962 = arith.addi %mul3A_876, %add3A_961 : i32
        %get3A_963 = arith.index_cast %add3A_962 : i32 to index
        %get3A_964 = tpu.vector_load %arg6[%get3A_963] {strides = array<i32>} : memref<4096xf32, #tpu.memory_space<vmem>>, vector<16xf32>,
        %add3A_965 = arith.constant 48 : i32
        %add3A_966 = arith.addi %mul3A_876, %add3A_965 : i32
        %get3A_967 = arith.index_cast %add3A_966 : i32 to index
        %get3A_968 = tpu.vector_load %arg8[%get3A_967] {strides = array<i32>} : memref<4096xf32, #tpu.memory_space<vmem>>, vector<16xf32>,
        %gather3A_969 = vector.shape_cast %broadcast_in_dim3A : vector<16x1xi32> to vector<16xi32>
        %gather3A_970 = tpu.dynamic_gather %get3A_964[%gather3A_969] in [0] : vector<16xf32>, vector<16xi32> -> vector<16xf32>
        %gather3A_971 = vector.shape_cast %broadcast_in_dim3A : vector<16x1xi32> to vector<16xi32>
        %gather3A_972 = tpu.dynamic_gather %get3A_968[%gather3A_971] in [0] : vector<16xf32>, vector<16xi32> -> vector<16xf32>
        %gather3A_973 = vector.shape_cast %broadcast_in_dim3A_48 : vector<16x1xi32> to vector<16xi32>
        %gather3A_974 = tpu.dynamic_gather %get3A_964[%gather3A_973] in [0] : vector<16xf32>, vector<16xi32> -> vector<16xf32>
        %gather3A_975 = vector.shape_cast %broadcast_in_dim3A_48 : vector<16x1xi32> to vector<16xi32>
        %gather3A_976 = tpu.dynamic_gather %get3A_968[%gather3A_975] in [0] : vector<16xf32>, vector<16xi32> -> vector<16xf32>
        %select_n3A_977 = arith.select %eq3A_52, %gather3A_972, %gather3A_970 : vector<16xi1>, vector<16xf32>
        %select_n3A_978 = arith.select %eq3A_52, %gather3A_976, %gather3A_974 : vector<16xi1>, vector<16xf32>
        %add3A_979 = arith.constant 1 : i32
        %add3A_980 = arith.addi %mul3A_423, %add3A_979 : i32
        %swap3A_981 = arith.index_cast %add3A_980 : i32 to index
        %swap3A_982 = arith.constant 96 : index
        %swap3A_983 = tpu.vector_load %arg10[%swap3A_981, %swap3A_982] {strides = array<i32>} : memref<16x512xf32, #tpu.memory_space<vmem>>, vector<16xf32>,
        tpu.vector_store %arg10[%swap3A_981, %swap3A_982], %select_n3A_977 {strides = array<i32>} : memref<16x512xf32, #tpu.memory_space<vmem>>, vector<16xf32>,
        %add3A_984 = arith.constant 1 : i32
        %add3A_985 = arith.addi %mul3A_423, %add3A_984 : i32
        %swap3A_986 = arith.index_cast %add3A_985 : i32 to index
        %swap3A_987 = arith.constant 112 : index
        %swap3A_988 = tpu.vector_load %arg10[%swap3A_986, %swap3A_987] {strides = array<i32>} : memref<16x512xf32, #tpu.memory_space<vmem>>, vector<16xf32>,
        tpu.vector_store %arg10[%swap3A_986, %swap3A_987], %select_n3A_978 {strides = array<i32>} : memref<16x512xf32, #tpu.memory_space<vmem>>, vector<16xf32>,
        %add3A_989 = arith.constant 64 : i32
        %add3A_990 = arith.addi %mul3A_876, %add3A_989 : i32
        %get3A_991 = arith.index_cast %add3A_990 : i32 to index
        %get3A_992 = tpu.vector_load %arg6[%get3A_991] {strides = array<i32>} : memref<4096xf32, #tpu.memory_space<vmem>>, vector<16xf32>,
        %add3A_993 = arith.constant 64 : i32
        %add3A_994 = arith.addi %mul3A_876, %add3A_993 : i32
        %get3A_995 = arith.index_cast %add3A_994 : i32 to index
        %get3A_996 = tpu.vector_load %arg8[%get3A_995] {strides = array<i32>} : memref<4096xf32, #tpu.memory_space<vmem>>, vector<16xf32>,
        %gather3A_997 = vector.shape_cast %broadcast_in_dim3A : vector<16x1xi32> to vector<16xi32>
        %gather3A_998 = tpu.dynamic_gather %get3A_992[%gather3A_997] in [0] : vector<16xf32>, vector<16xi32> -> vector<16xf32>
        %gather3A_999 = vector.shape_cast %broadcast_in_dim3A : vector<16x1xi32> to vector<16xi32>
        %gather3A_1000 = tpu.dynamic_gather %get3A_996[%gather3A_999] in [0] : vector<16xf32>, vector<16xi32> -> vector<16xf32>
        %gather3A_1001 = vector.shape_cast %broadcast_in_dim3A_48 : vector<16x1xi32> to vector<16xi32>
        %gather3A_1002 = tpu.dynamic_gather %get3A_992[%gather3A_1001] in [0] : vector<16xf32>, vector<16xi32> -> vector<16xf32>
        %gather3A_1003 = vector.shape_cast %broadcast_in_dim3A_48 : vector<16x1xi32> to vector<16xi32>
        %gather3A_1004 = tpu.dynamic_gather %get3A_996[%gather3A_1003] in [0] : vector<16xf32>, vector<16xi32> -> vector<16xf32>
        %select_n3A_1005 = arith.select %eq3A_52, %gather3A_1000, %gather3A_998 : vector<16xi1>, vector<16xf32>
        %select_n3A_1006 = arith.select %eq3A_52, %gather3A_1004, %gather3A_1002 : vector<16xi1>, vector<16xf32>
        %add3A_1007 = arith.constant 1 : i32
        %add3A_1008 = arith.addi %mul3A_423, %add3A_1007 : i32
        %swap3A_1009 = arith.index_cast %add3A_1008 : i32 to index
        %swap3A_1010 = arith.constant 128 : index
        %swap3A_1011 = tpu.vector_load %arg10[%swap3A_1009, %swap3A_1010] {strides = array<i32>} : memref<16x512xf32, #tpu.memory_space<vmem>>, vector<16xf32>,
        tpu.vector_store %arg10[%swap3A_1009, %swap3A_1010], %select_n3A_1005 {strides = array<i32>} : memref<16x512xf32, #tpu.memory_space<vmem>>, vector<16xf32>,
        %add3A_1012 = arith.constant 1 : i32
        %add3A_1013 = arith.addi %mul3A_423, %add3A_1012 : i32
        %swap3A_1014 = arith.index_cast %add3A_1013 : i32 to index
        %swap3A_1015 = arith.constant 144 : index
        %swap3A_1016 = tpu.vector_load %arg10[%swap3A_1014, %swap3A_1015] {strides = array<i32>} : memref<16x512xf32, #tpu.memory_space<vmem>>, vector<16xf32>,
        tpu.vector_store %arg10[%swap3A_1014, %swap3A_1015], %select_n3A_1006 {strides = array<i32>} : memref<16x512xf32, #tpu.memory_space<vmem>>, vector<16xf32>,
        %add3A_1017 = arith.constant 80 : i32
        %add3A_1018 = arith.addi %mul3A_876, %add3A_1017 : i32
        %get3A_1019 = arith.index_cast %add3A_1018 : i32 to index
        %get3A_1020 = tpu.vector_load %arg6[%get3A_1019] {strides = array<i32>} : memref<4096xf32, #tpu.memory_space<vmem>>, vector<16xf32>,
        %add3A_1021 = arith.constant 80 : i32
        %add3A_1022 = arith.addi %mul3A_876, %add3A_1021 : i32
        %get3A_1023 = arith.index_cast %add3A_1022 : i32 to index
        %get3A_1024 = tpu.vector_load %arg8[%get3A_1023] {strides = array<i32>} : memref<4096xf32, #tpu.memory_space<vmem>>, vector<16xf32>,
        %gather3A_1025 = vector.shape_cast %broadcast_in_dim3A : vector<16x1xi32> to vector<16xi32>
        %gather3A_1026 = tpu.dynamic_gather %get3A_1020[%gather3A_1025] in [0] : vector<16xf32>, vector<16xi32> -> vector<16xf32>
        %gather3A_1027 = vector.shape_cast %broadcast_in_dim3A : vector<16x1xi32> to vector<16xi32>
        %gather3A_1028 = tpu.dynamic_gather %get3A_1024[%gather3A_1027] in [0] : vector<16xf32>, vector<16xi32> -> vector<16xf32>
        %gather3A_1029 = vector.shape_cast %broadcast_in_dim3A_48 : vector<16x1xi32> to vector<16xi32>
        %gather3A_1030 = tpu.dynamic_gather %get3A_1020[%gather3A_1029] in [0] : vector<16xf32>, vector<16xi32> -> vector<16xf32>
        %gather3A_1031 = vector.shape_cast %broadcast_in_dim3A_48 : vector<16x1xi32> to vector<16xi32>
        %gather3A_1032 = tpu.dynamic_gather %get3A_1024[%gather3A_1031] in [0] : vector<16xf32>, vector<16xi32> -> vector<16xf32>
        %select_n3A_1033 = arith.select %eq3A_52, %gather3A_1028, %gather3A_1026 : vector<16xi1>, vector<16xf32>
        %select_n3A_1034 = arith.select %eq3A_52, %gather3A_1032, %gather3A_1030 : vector<16xi1>, vector<16xf32>
        %add3A_1035 = arith.constant 1 : i32
        %add3A_1036 = arith.addi %mul3A_423, %add3A_1035 : i32
        %swap3A_1037 = arith.index_cast %add3A_1036 : i32 to index
        %swap3A_1038 = arith.constant 160 : index
        %swap3A_1039 = tpu.vector_load %arg10[%swap3A_1037, %swap3A_1038] {strides = array<i32>} : memref<16x512xf32, #tpu.memory_space<vmem>>, vector<16xf32>,
        tpu.vector_store %arg10[%swap3A_1037, %swap3A_1038], %select_n3A_1033 {strides = array<i32>} : memref<16x512xf32, #tpu.memory_space<vmem>>, vector<16xf32>,
        %add3A_1040 = arith.constant 1 : i32
        %add3A_1041 = arith.addi %mul3A_423, %add3A_1040 : i32
        %swap3A_1042 = arith.index_cast %add3A_1041 : i32 to index
        %swap3A_1043 = arith.constant 176 : index
        %swap3A_1044 = tpu.vector_load %arg10[%swap3A_1042, %swap3A_1043] {strides = array<i32>} : memref<16x512xf32, #tpu.memory_space<vmem>>, vector<16xf32>,
        tpu.vector_store %arg10[%swap3A_1042, %swap3A_1043], %select_n3A_1034 {strides = array<i32>} : memref<16x512xf32, #tpu.memory_space<vmem>>, vector<16xf32>,
        %add3A_1045 = arith.constant 96 : i32
        %add3A_1046 = arith.addi %mul3A_876, %add3A_1045 : i32
        %get3A_1047 = arith.index_cast %add3A_1046 : i32 to index
        %get3A_1048 = tpu.vector_load %arg6[%get3A_1047] {strides = array<i32>} : memref<4096xf32, #tpu.memory_space<vmem>>, vector<16xf32>,
        %add3A_1049 = arith.constant 96 : i32
        %add3A_1050 = arith.addi %mul3A_876, %add3A_1049 : i32
        %get3A_1051 = arith.index_cast %add3A_1050 : i32 to index
        %get3A_1052 = tpu.vector_load %arg8[%get3A_1051] {strides = array<i32>} : memref<4096xf32, #tpu.memory_space<vmem>>, vector<16xf32>,
        %gather3A_1053 = vector.shape_cast %broadcast_in_dim3A : vector<16x1xi32> to vector<16xi32>
        %gather3A_1054 = tpu.dynamic_gather %get3A_1048[%gather3A_1053] in [0] : vector<16xf32>, vector<16xi32> -> vector<16xf32>
        %gather3A_1055 = vector.shape_cast %broadcast_in_dim3A : vector<16x1xi32> to vector<16xi32>
        %gather3A_1056 = tpu.dynamic_gather %get3A_1052[%gather3A_1055] in [0] : vector<16xf32>, vector<16xi32> -> vector<16xf32>
        %gather3A_1057 = vector.shape_cast %broadcast_in_dim3A_48 : vector<16x1xi32> to vector<16xi32>
        %gather3A_1058 = tpu.dynamic_gather %get3A_1048[%gather3A_1057] in [0] : vector<16xf32>, vector<16xi32> -> vector<16xf32>
        %gather3A_1059 = vector.shape_cast %broadcast_in_dim3A_48 : vector<16x1xi32> to vector<16xi32>
        %gather3A_1060 = tpu.dynamic_gather %get3A_1052[%gather3A_1059] in [0] : vector<16xf32>, vector<16xi32> -> vector<16xf32>
        %select_n3A_1061 = arith.select %eq3A_52, %gather3A_1056, %gather3A_1054 : vector<16xi1>, vector<16xf32>
        %select_n3A_1062 = arith.select %eq3A_52, %gather3A_1060, %gather3A_1058 : vector<16xi1>, vector<16xf32>
        %add3A_1063 = arith.constant 1 : i32
        %add3A_1064 = arith.addi %mul3A_423, %add3A_1063 : i32
        %swap3A_1065 = arith.index_cast %add3A_1064 : i32 to index
        %swap3A_1066 = arith.constant 192 : index
        %swap3A_1067 = tpu.vector_load %arg10[%swap3A_1065, %swap3A_1066] {strides = array<i32>} : memref<16x512xf32, #tpu.memory_space<vmem>>, vector<16xf32>,
        tpu.vector_store %arg10[%swap3A_1065, %swap3A_1066], %select_n3A_1061 {strides = array<i32>} : memref<16x512xf32, #tpu.memory_space<vmem>>, vector<16xf32>,
        %add3A_1068 = arith.constant 1 : i32
        %add3A_1069 = arith.addi %mul3A_423, %add3A_1068 : i32
        %swap3A_1070 = arith.index_cast %add3A_1069 : i32 to index
        %swap3A_1071 = arith.constant 208 : index
        %swap3A_1072 = tpu.vector_load %arg10[%swap3A_1070, %swap3A_1071] {strides = array<i32>} : memref<16x512xf32, #tpu.memory_space<vmem>>, vector<16xf32>,
        tpu.vector_store %arg10[%swap3A_1070, %swap3A_1071], %select_n3A_1062 {strides = array<i32>} : memref<16x512xf32, #tpu.memory_space<vmem>>, vector<16xf32>,
        %add3A_1073 = arith.constant 112 : i32
        %add3A_1074 = arith.addi %mul3A_876, %add3A_1073 : i32
        %get3A_1075 = arith.index_cast %add3A_1074 : i32 to index
        %get3A_1076 = tpu.vector_load %arg6[%get3A_1075] {strides = array<i32>} : memref<4096xf32, #tpu.memory_space<vmem>>, vector<16xf32>,
        %add3A_1077 = arith.constant 112 : i32
        %add3A_1078 = arith.addi %mul3A_876, %add3A_1077 : i32
        %get3A_1079 = arith.index_cast %add3A_1078 : i32 to index
        %get3A_1080 = tpu.vector_load %arg8[%get3A_1079] {strides = array<i32>} : memref<4096xf32, #tpu.memory_space<vmem>>, vector<16xf32>,
        %gather3A_1081 = vector.shape_cast %broadcast_in_dim3A : vector<16x1xi32> to vector<16xi32>
        %gather3A_1082 = tpu.dynamic_gather %get3A_1076[%gather3A_1081] in [0] : vector<16xf32>, vector<16xi32> -> vector<16xf32>
        %gather3A_1083 = vector.shape_cast %broadcast_in_dim3A : vector<16x1xi32> to vector<16xi32>
        %gather3A_1084 = tpu.dynamic_gather %get3A_1080[%gather3A_1083] in [0] : vector<16xf32>, vector<16xi32> -> vector<16xf32>
        %gather3A_1085 = vector.shape_cast %broadcast_in_dim3A_48 : vector<16x1xi32> to vector<16xi32>
        %gather3A_1086 = tpu.dynamic_gather %get3A_1076[%gather3A_1085] in [0] : vector<16xf32>, vector<16xi32> -> vector<16xf32>
        %gather3A_1087 = vector.shape_cast %broadcast_in_dim3A_48 : vector<16x1xi32> to vector<16xi32>
        %gather3A_1088 = tpu.dynamic_gather %get3A_1080[%gather3A_1087] in [0] : vector<16xf32>, vector<16xi32> -> vector<16xf32>
        %select_n3A_1089 = arith.select %eq3A_52, %gather3A_1084, %gather3A_1082 : vector<16xi1>, vector<16xf32>
        %select_n3A_1090 = arith.select %eq3A_52, %gather3A_1088, %gather3A_1086 : vector<16xi1>, vector<16xf32>
        %add3A_1091 = arith.constant 1 : i32
        %add3A_1092 = arith.addi %mul3A_423, %add3A_1091 : i32
        %swap3A_1093 = arith.index_cast %add3A_1092 : i32 to index
        %swap3A_1094 = arith.constant 224 : index
        %swap3A_1095 = tpu.vector_load %arg10[%swap3A_1093, %swap3A_1094] {strides = array<i32>} : memref<16x512xf32, #tpu.memory_space<vmem>>, vector<16xf32>,
        tpu.vector_store %arg10[%swap3A_1093, %swap3A_1094], %select_n3A_1089 {strides = array<i32>} : memref<16x512xf32, #tpu.memory_space<vmem>>, vector<16xf32>,
        %add3A_1096 = arith.constant 1 : i32
        %add3A_1097 = arith.addi %mul3A_423, %add3A_1096 : i32
        %swap3A_1098 = arith.index_cast %add3A_1097 : i32 to index
        %swap3A_1099 = arith.constant 240 : index
        %swap3A_1100 = tpu.vector_load %arg10[%swap3A_1098, %swap3A_1099] {strides = array<i32>} : memref<16x512xf32, #tpu.memory_space<vmem>>, vector<16xf32>,
        tpu.vector_store %arg10[%swap3A_1098, %swap3A_1099], %select_n3A_1090 {strides = array<i32>} : memref<16x512xf32, #tpu.memory_space<vmem>>, vector<16xf32>,
        %add3A_1101 = arith.constant 128 : i32
        %add3A_1102 = arith.addi %mul3A_876, %add3A_1101 : i32
        %get3A_1103 = arith.index_cast %add3A_1102 : i32 to index
        %get3A_1104 = tpu.vector_load %arg6[%get3A_1103] {strides = array<i32>} : memref<4096xf32, #tpu.memory_space<vmem>>, vector<16xf32>,
        %add3A_1105 = arith.constant 128 : i32
        %add3A_1106 = arith.addi %mul3A_876, %add3A_1105 : i32
        %get3A_1107 = arith.index_cast %add3A_1106 : i32 to index
        %get3A_1108 = tpu.vector_load %arg8[%get3A_1107] {strides = array<i32>} : memref<4096xf32, #tpu.memory_space<vmem>>, vector<16xf32>,
        %gather3A_1109 = vector.shape_cast %broadcast_in_dim3A : vector<16x1xi32> to vector<16xi32>
        %gather3A_1110 = tpu.dynamic_gather %get3A_1104[%gather3A_1109] in [0] : vector<16xf32>, vector<16xi32> -> vector<16xf32>
        %gather3A_1111 = vector.shape_cast %broadcast_in_dim3A : vector<16x1xi32> to vector<16xi32>
        %gather3A_1112 = tpu.dynamic_gather %get3A_1108[%gather3A_1111] in [0] : vector<16xf32>, vector<16xi32> -> vector<16xf32>
        %gather3A_1113 = vector.shape_cast %broadcast_in_dim3A_48 : vector<16x1xi32> to vector<16xi32>
        %gather3A_1114 = tpu.dynamic_gather %get3A_1104[%gather3A_1113] in [0] : vector<16xf32>, vector<16xi32> -> vector<16xf32>
        %gather3A_1115 = vector.shape_cast %broadcast_in_dim3A_48 : vector<16x1xi32> to vector<16xi32>
        %gather3A_1116 = tpu.dynamic_gather %get3A_1108[%gather3A_1115] in [0] : vector<16xf32>, vector<16xi32> -> vector<16xf32>
        %select_n3A_1117 = arith.select %eq3A_52, %gather3A_1112, %gather3A_1110 : vector<16xi1>, vector<16xf32>
        %select_n3A_1118 = arith.select %eq3A_52, %gather3A_1116, %gather3A_1114 : vector<16xi1>, vector<16xf32>
        %add3A_1119 = arith.constant 1 : i32
        %add3A_1120 = arith.addi %mul3A_423, %add3A_1119 : i32
        %swap3A_1121 = arith.index_cast %add3A_1120 : i32 to index
        %swap3A_1122 = arith.constant 256 : index
        %swap3A_1123 = tpu.vector_load %arg10[%swap3A_1121, %swap3A_1122] {strides = array<i32>} : memref<16x512xf32, #tpu.memory_space<vmem>>, vector<16xf32>,
        tpu.vector_store %arg10[%swap3A_1121, %swap3A_1122], %select_n3A_1117 {strides = array<i32>} : memref<16x512xf32, #tpu.memory_space<vmem>>, vector<16xf32>,
        %add3A_1124 = arith.constant 1 : i32
        %add3A_1125 = arith.addi %mul3A_423, %add3A_1124 : i32
        %swap3A_1126 = arith.index_cast %add3A_1125 : i32 to index
        %swap3A_1127 = arith.constant 272 : index
        %swap3A_1128 = tpu.vector_load %arg10[%swap3A_1126, %swap3A_1127] {strides = array<i32>} : memref<16x512xf32, #tpu.memory_space<vmem>>, vector<16xf32>,
        tpu.vector_store %arg10[%swap3A_1126, %swap3A_1127], %select_n3A_1118 {strides = array<i32>} : memref<16x512xf32, #tpu.memory_space<vmem>>, vector<16xf32>,
        %add3A_1129 = arith.constant 144 : i32
        %add3A_1130 = arith.addi %mul3A_876, %add3A_1129 : i32
        %get3A_1131 = arith.index_cast %add3A_1130 : i32 to index
        %get3A_1132 = tpu.vector_load %arg6[%get3A_1131] {strides = array<i32>} : memref<4096xf32, #tpu.memory_space<vmem>>, vector<16xf32>,
        %add3A_1133 = arith.constant 144 : i32
        %add3A_1134 = arith.addi %mul3A_876, %add3A_1133 : i32
        %get3A_1135 = arith.index_cast %add3A_1134 : i32 to index
        %get3A_1136 = tpu.vector_load %arg8[%get3A_1135] {strides = array<i32>} : memref<4096xf32, #tpu.memory_space<vmem>>, vector<16xf32>,
        %gather3A_1137 = vector.shape_cast %broadcast_in_dim3A : vector<16x1xi32> to vector<16xi32>
        %gather3A_1138 = tpu.dynamic_gather %get3A_1132[%gather3A_1137] in [0] : vector<16xf32>, vector<16xi32> -> vector<16xf32>
        %gather3A_1139 = vector.shape_cast %broadcast_in_dim3A : vector<16x1xi32> to vector<16xi32>
        %gather3A_1140 = tpu.dynamic_gather %get3A_1136[%gather3A_1139] in [0] : vector<16xf32>, vector<16xi32> -> vector<16xf32>
        %gather3A_1141 = vector.shape_cast %broadcast_in_dim3A_48 : vector<16x1xi32> to vector<16xi32>
        %gather3A_1142 = tpu.dynamic_gather %get3A_1132[%gather3A_1141] in [0] : vector<16xf32>, vector<16xi32> -> vector<16xf32>
        %gather3A_1143 = vector.shape_cast %broadcast_in_dim3A_48 : vector<16x1xi32> to vector<16xi32>
        %gather3A_1144 = tpu.dynamic_gather %get3A_1136[%gather3A_1143] in [0] : vector<16xf32>, vector<16xi32> -> vector<16xf32>
        %select_n3A_1145 = arith.select %eq3A_52, %gather3A_1140, %gather3A_1138 : vector<16xi1>, vector<16xf32>
        %select_n3A_1146 = arith.select %eq3A_52, %gather3A_1144, %gather3A_1142 : vector<16xi1>, vector<16xf32>
        %add3A_1147 = arith.constant 1 : i32
        %add3A_1148 = arith.addi %mul3A_423, %add3A_1147 : i32
        %swap3A_1149 = arith.index_cast %add3A_1148 : i32 to index
        %swap3A_1150 = arith.constant 288 : index
        %swap3A_1151 = tpu.vector_load %arg10[%swap3A_1149, %swap3A_1150] {strides = array<i32>} : memref<16x512xf32, #tpu.memory_space<vmem>>, vector<16xf32>,
        tpu.vector_store %arg10[%swap3A_1149, %swap3A_1150], %select_n3A_1145 {strides = array<i32>} : memref<16x512xf32, #tpu.memory_space<vmem>>, vector<16xf32>,
        %add3A_1152 = arith.constant 1 : i32
        %add3A_1153 = arith.addi %mul3A_423, %add3A_1152 : i32
        %swap3A_1154 = arith.index_cast %add3A_1153 : i32 to index
        %swap3A_1155 = arith.constant 304 : index
        %swap3A_1156 = tpu.vector_load %arg10[%swap3A_1154, %swap3A_1155] {strides = array<i32>} : memref<16x512xf32, #tpu.memory_space<vmem>>, vector<16xf32>,
        tpu.vector_store %arg10[%swap3A_1154, %swap3A_1155], %select_n3A_1146 {strides = array<i32>} : memref<16x512xf32, #tpu.memory_space<vmem>>, vector<16xf32>,
        %add3A_1157 = arith.constant 160 : i32
        %add3A_1158 = arith.addi %mul3A_876, %add3A_1157 : i32
        %get3A_1159 = arith.index_cast %add3A_1158 : i32 to index
        %get3A_1160 = tpu.vector_load %arg6[%get3A_1159] {strides = array<i32>} : memref<4096xf32, #tpu.memory_space<vmem>>, vector<16xf32>,
        %add3A_1161 = arith.constant 160 : i32
        %add3A_1162 = arith.addi %mul3A_876, %add3A_1161 : i32
        %get3A_1163 = arith.index_cast %add3A_1162 : i32 to index
        %get3A_1164 = tpu.vector_load %arg8[%get3A_1163] {strides = array<i32>} : memref<4096xf32, #tpu.memory_space<vmem>>, vector<16xf32>,
        %gather3A_1165 = vector.shape_cast %broadcast_in_dim3A : vector<16x1xi32> to vector<16xi32>
        %gather3A_1166 = tpu.dynamic_gather %get3A_1160[%gather3A_1165] in [0] : vector<16xf32>, vector<16xi32> -> vector<16xf32>
        %gather3A_1167 = vector.shape_cast %broadcast_in_dim3A : vector<16x1xi32> to vector<16xi32>
        %gather3A_1168 = tpu.dynamic_gather %get3A_1164[%gather3A_1167] in [0] : vector<16xf32>, vector<16xi32> -> vector<16xf32>
        %gather3A_1169 = vector.shape_cast %broadcast_in_dim3A_48 : vector<16x1xi32> to vector<16xi32>
        %gather3A_1170 = tpu.dynamic_gather %get3A_1160[%gather3A_1169] in [0] : vector<16xf32>, vector<16xi32> -> vector<16xf32>
        %gather3A_1171 = vector.shape_cast %broadcast_in_dim3A_48 : vector<16x1xi32> to vector<16xi32>
        %gather3A_1172 = tpu.dynamic_gather %get3A_1164[%gather3A_1171] in [0] : vector<16xf32>, vector<16xi32> -> vector<16xf32>
        %select_n3A_1173 = arith.select %eq3A_52, %gather3A_1168, %gather3A_1166 : vector<16xi1>, vector<16xf32>
        %select_n3A_1174 = arith.select %eq3A_52, %gather3A_1172, %gather3A_1170 : vector<16xi1>, vector<16xf32>
        %add3A_1175 = arith.constant 1 : i32
        %add3A_1176 = arith.addi %mul3A_423, %add3A_1175 : i32
        %swap3A_1177 = arith.index_cast %add3A_1176 : i32 to index
        %swap3A_1178 = arith.constant 320 : index
        %swap3A_1179 = tpu.vector_load %arg10[%swap3A_1177, %swap3A_1178] {strides = array<i32>} : memref<16x512xf32, #tpu.memory_space<vmem>>, vector<16xf32>,
        tpu.vector_store %arg10[%swap3A_1177, %swap3A_1178], %select_n3A_1173 {strides = array<i32>} : memref<16x512xf32, #tpu.memory_space<vmem>>, vector<16xf32>,
        %add3A_1180 = arith.constant 1 : i32
        %add3A_1181 = arith.addi %mul3A_423, %add3A_1180 : i32
        %swap3A_1182 = arith.index_cast %add3A_1181 : i32 to index
        %swap3A_1183 = arith.constant 336 : index
        %swap3A_1184 = tpu.vector_load %arg10[%swap3A_1182, %swap3A_1183] {strides = array<i32>} : memref<16x512xf32, #tpu.memory_space<vmem>>, vector<16xf32>,
        tpu.vector_store %arg10[%swap3A_1182, %swap3A_1183], %select_n3A_1174 {strides = array<i32>} : memref<16x512xf32, #tpu.memory_space<vmem>>, vector<16xf32>,
        %add3A_1185 = arith.constant 176 : i32
        %add3A_1186 = arith.addi %mul3A_876, %add3A_1185 : i32
        %get3A_1187 = arith.index_cast %add3A_1186 : i32 to index
        %get3A_1188 = tpu.vector_load %arg6[%get3A_1187] {strides = array<i32>} : memref<4096xf32, #tpu.memory_space<vmem>>, vector<16xf32>,
        %add3A_1189 = arith.constant 176 : i32
        %add3A_1190 = arith.addi %mul3A_876, %add3A_1189 : i32
        %get3A_1191 = arith.index_cast %add3A_1190 : i32 to index
        %get3A_1192 = tpu.vector_load %arg8[%get3A_1191] {strides = array<i32>} : memref<4096xf32, #tpu.memory_space<vmem>>, vector<16xf32>,
        %gather3A_1193 = vector.shape_cast %broadcast_in_dim3A : vector<16x1xi32> to vector<16xi32>
        %gather3A_1194 = tpu.dynamic_gather %get3A_1188[%gather3A_1193] in [0] : vector<16xf32>, vector<16xi32> -> vector<16xf32>
        %gather3A_1195 = vector.shape_cast %broadcast_in_dim3A : vector<16x1xi32> to vector<16xi32>
        %gather3A_1196 = tpu.dynamic_gather %get3A_1192[%gather3A_1195] in [0] : vector<16xf32>, vector<16xi32> -> vector<16xf32>
        %gather3A_1197 = vector.shape_cast %broadcast_in_dim3A_48 : vector<16x1xi32> to vector<16xi32>
        %gather3A_1198 = tpu.dynamic_gather %get3A_1188[%gather3A_1197] in [0] : vector<16xf32>, vector<16xi32> -> vector<16xf32>
        %gather3A_1199 = vector.shape_cast %broadcast_in_dim3A_48 : vector<16x1xi32> to vector<16xi32>
        %gather3A_1200 = tpu.dynamic_gather %get3A_1192[%gather3A_1199] in [0] : vector<16xf32>, vector<16xi32> -> vector<16xf32>
        %select_n3A_1201 = arith.select %eq3A_52, %gather3A_1196, %gather3A_1194 : vector<16xi1>, vector<16xf32>
        %select_n3A_1202 = arith.select %eq3A_52, %gather3A_1200, %gather3A_1198 : vector<16xi1>, vector<16xf32>
        %add3A_1203 = arith.constant 1 : i32
        %add3A_1204 = arith.addi %mul3A_423, %add3A_1203 : i32
        %swap3A_1205 = arith.index_cast %add3A_1204 : i32 to index
        %swap3A_1206 = arith.constant 352 : index
        %swap3A_1207 = tpu.vector_load %arg10[%swap3A_1205, %swap3A_1206] {strides = array<i32>} : memref<16x512xf32, #tpu.memory_space<vmem>>, vector<16xf32>,
        tpu.vector_store %arg10[%swap3A_1205, %swap3A_1206], %select_n3A_1201 {strides = array<i32>} : memref<16x512xf32, #tpu.memory_space<vmem>>, vector<16xf32>,
        %add3A_1208 = arith.constant 1 : i32
        %add3A_1209 = arith.addi %mul3A_423, %add3A_1208 : i32
        %swap3A_1210 = arith.index_cast %add3A_1209 : i32 to index
        %swap3A_1211 = arith.constant 368 : index
        %swap3A_1212 = tpu.vector_load %arg10[%swap3A_1210, %swap3A_1211] {strides = array<i32>} : memref<16x512xf32, #tpu.memory_space<vmem>>, vector<16xf32>,
        tpu.vector_store %arg10[%swap3A_1210, %swap3A_1211], %select_n3A_1202 {strides = array<i32>} : memref<16x512xf32, #tpu.memory_space<vmem>>, vector<16xf32>,
        %add3A_1213 = arith.constant 192 : i32
        %add3A_1214 = arith.addi %mul3A_876, %add3A_1213 : i32
        %get3A_1215 = arith.index_cast %add3A_1214 : i32 to index
        %get3A_1216 = tpu.vector_load %arg6[%get3A_1215] {strides = array<i32>} : memref<4096xf32, #tpu.memory_space<vmem>>, vector<16xf32>,
        %add3A_1217 = arith.constant 192 : i32
        %add3A_1218 = arith.addi %mul3A_876, %add3A_1217 : i32
        %get3A_1219 = arith.index_cast %add3A_1218 : i32 to index
        %get3A_1220 = tpu.vector_load %arg8[%get3A_1219] {strides = array<i32>} : memref<4096xf32, #tpu.memory_space<vmem>>, vector<16xf32>,
        %gather3A_1221 = vector.shape_cast %broadcast_in_dim3A : vector<16x1xi32> to vector<16xi32>
        %gather3A_1222 = tpu.dynamic_gather %get3A_1216[%gather3A_1221] in [0] : vector<16xf32>, vector<16xi32> -> vector<16xf32>
        %gather3A_1223 = vector.shape_cast %broadcast_in_dim3A : vector<16x1xi32> to vector<16xi32>
        %gather3A_1224 = tpu.dynamic_gather %get3A_1220[%gather3A_1223] in [0] : vector<16xf32>, vector<16xi32> -> vector<16xf32>
        %gather3A_1225 = vector.shape_cast %broadcast_in_dim3A_48 : vector<16x1xi32> to vector<16xi32>
        %gather3A_1226 = tpu.dynamic_gather %get3A_1216[%gather3A_1225] in [0] : vector<16xf32>, vector<16xi32> -> vector<16xf32>
        %gather3A_1227 = vector.shape_cast %broadcast_in_dim3A_48 : vector<16x1xi32> to vector<16xi32>
        %gather3A_1228 = tpu.dynamic_gather %get3A_1220[%gather3A_1227] in [0] : vector<16xf32>, vector<16xi32> -> vector<16xf32>
        %select_n3A_1229 = arith.select %eq3A_52, %gather3A_1224, %gather3A_1222 : vector<16xi1>, vector<16xf32>
        %select_n3A_1230 = arith.select %eq3A_52, %gather3A_1228, %gather3A_1226 : vector<16xi1>, vector<16xf32>
        %add3A_1231 = arith.constant 1 : i32
        %add3A_1232 = arith.addi %mul3A_423, %add3A_1231 : i32
        %swap3A_1233 = arith.index_cast %add3A_1232 : i32 to index
        %swap3A_1234 = arith.constant 384 : index
        %swap3A_1235 = tpu.vector_load %arg10[%swap3A_1233, %swap3A_1234] {strides = array<i32>} : memref<16x512xf32, #tpu.memory_space<vmem>>, vector<16xf32>,
        tpu.vector_store %arg10[%swap3A_1233, %swap3A_1234], %select_n3A_1229 {strides = array<i32>} : memref<16x512xf32, #tpu.memory_space<vmem>>, vector<16xf32>,
        %add3A_1236 = arith.constant 1 : i32
        %add3A_1237 = arith.addi %mul3A_423, %add3A_1236 : i32
        %swap3A_1238 = arith.index_cast %add3A_1237 : i32 to index
        %swap3A_1239 = arith.constant 400 : index
        %swap3A_1240 = tpu.vector_load %arg10[%swap3A_1238, %swap3A_1239] {strides = array<i32>} : memref<16x512xf32, #tpu.memory_space<vmem>>, vector<16xf32>,
        tpu.vector_store %arg10[%swap3A_1238, %swap3A_1239], %select_n3A_1230 {strides = array<i32>} : memref<16x512xf32, #tpu.memory_space<vmem>>, vector<16xf32>,
        %add3A_1241 = arith.constant 208 : i32
        %add3A_1242 = arith.addi %mul3A_876, %add3A_1241 : i32
        %get3A_1243 = arith.index_cast %add3A_1242 : i32 to index
        %get3A_1244 = tpu.vector_load %arg6[%get3A_1243] {strides = array<i32>} : memref<4096xf32, #tpu.memory_space<vmem>>, vector<16xf32>,
        %add3A_1245 = arith.constant 208 : i32
        %add3A_1246 = arith.addi %mul3A_876, %add3A_1245 : i32
        %get3A_1247 = arith.index_cast %add3A_1246 : i32 to index
        %get3A_1248 = tpu.vector_load %arg8[%get3A_1247] {strides = array<i32>} : memref<4096xf32, #tpu.memory_space<vmem>>, vector<16xf32>,
        %gather3A_1249 = vector.shape_cast %broadcast_in_dim3A : vector<16x1xi32> to vector<16xi32>
        %gather3A_1250 = tpu.dynamic_gather %get3A_1244[%gather3A_1249] in [0] : vector<16xf32>, vector<16xi32> -> vector<16xf32>
        %gather3A_1251 = vector.shape_cast %broadcast_in_dim3A : vector<16x1xi32> to vector<16xi32>
        %gather3A_1252 = tpu.dynamic_gather %get3A_1248[%gather3A_1251] in [0] : vector<16xf32>, vector<16xi32> -> vector<16xf32>
        %gather3A_1253 = vector.shape_cast %broadcast_in_dim3A_48 : vector<16x1xi32> to vector<16xi32>
        %gather3A_1254 = tpu.dynamic_gather %get3A_1244[%gather3A_1253] in [0] : vector<16xf32>, vector<16xi32> -> vector<16xf32>
        %gather3A_1255 = vector.shape_cast %broadcast_in_dim3A_48 : vector<16x1xi32> to vector<16xi32>
        %gather3A_1256 = tpu.dynamic_gather %get3A_1248[%gather3A_1255] in [0] : vector<16xf32>, vector<16xi32> -> vector<16xf32>
        %select_n3A_1257 = arith.select %eq3A_52, %gather3A_1252, %gather3A_1250 : vector<16xi1>, vector<16xf32>
        %select_n3A_1258 = arith.select %eq3A_52, %gather3A_1256, %gather3A_1254 : vector<16xi1>, vector<16xf32>
        %add3A_1259 = arith.constant 1 : i32
        %add3A_1260 = arith.addi %mul3A_423, %add3A_1259 : i32
        %swap3A_1261 = arith.index_cast %add3A_1260 : i32 to index
        %swap3A_1262 = arith.constant 416 : index
        %swap3A_1263 = tpu.vector_load %arg10[%swap3A_1261, %swap3A_1262] {strides = array<i32>} : memref<16x512xf32, #tpu.memory_space<vmem>>, vector<16xf32>,
        tpu.vector_store %arg10[%swap3A_1261, %swap3A_1262], %select_n3A_1257 {strides = array<i32>} : memref<16x512xf32, #tpu.memory_space<vmem>>, vector<16xf32>,
        %add3A_1264 = arith.constant 1 : i32
        %add3A_1265 = arith.addi %mul3A_423, %add3A_1264 : i32
        %swap3A_1266 = arith.index_cast %add3A_1265 : i32 to index
        %swap3A_1267 = arith.constant 432 : index
        %swap3A_1268 = tpu.vector_load %arg10[%swap3A_1266, %swap3A_1267] {strides = array<i32>} : memref<16x512xf32, #tpu.memory_space<vmem>>, vector<16xf32>,
        tpu.vector_store %arg10[%swap3A_1266, %swap3A_1267], %select_n3A_1258 {strides = array<i32>} : memref<16x512xf32, #tpu.memory_space<vmem>>, vector<16xf32>,
        %add3A_1269 = arith.constant 224 : i32
        %add3A_1270 = arith.addi %mul3A_876, %add3A_1269 : i32
        %get3A_1271 = arith.index_cast %add3A_1270 : i32 to index
        %get3A_1272 = tpu.vector_load %arg6[%get3A_1271] {strides = array<i32>} : memref<4096xf32, #tpu.memory_space<vmem>>, vector<16xf32>,
        %add3A_1273 = arith.constant 224 : i32
        %add3A_1274 = arith.addi %mul3A_876, %add3A_1273 : i32
        %get3A_1275 = arith.index_cast %add3A_1274 : i32 to index
        %get3A_1276 = tpu.vector_load %arg8[%get3A_1275] {strides = array<i32>} : memref<4096xf32, #tpu.memory_space<vmem>>, vector<16xf32>,
        %gather3A_1277 = vector.shape_cast %broadcast_in_dim3A : vector<16x1xi32> to vector<16xi32>
        %gather3A_1278 = tpu.dynamic_gather %get3A_1272[%gather3A_1277] in [0] : vector<16xf32>, vector<16xi32> -> vector<16xf32>
        %gather3A_1279 = vector.shape_cast %broadcast_in_dim3A : vector<16x1xi32> to vector<16xi32>
        %gather3A_1280 = tpu.dynamic_gather %get3A_1276[%gather3A_1279] in [0] : vector<16xf32>, vector<16xi32> -> vector<16xf32>
        %gather3A_1281 = vector.shape_cast %broadcast_in_dim3A_48 : vector<16x1xi32> to vector<16xi32>
        %gather3A_1282 = tpu.dynamic_gather %get3A_1272[%gather3A_1281] in [0] : vector<16xf32>, vector<16xi32> -> vector<16xf32>
        %gather3A_1283 = vector.shape_cast %broadcast_in_dim3A_48 : vector<16x1xi32> to vector<16xi32>
        %gather3A_1284 = tpu.dynamic_gather %get3A_1276[%gather3A_1283] in [0] : vector<16xf32>, vector<16xi32> -> vector<16xf32>
        %select_n3A_1285 = arith.select %eq3A_52, %gather3A_1280, %gather3A_1278 : vector<16xi1>, vector<16xf32>
        %select_n3A_1286 = arith.select %eq3A_52, %gather3A_1284, %gather3A_1282 : vector<16xi1>, vector<16xf32>
        %add3A_1287 = arith.constant 1 : i32
        %add3A_1288 = arith.addi %mul3A_423, %add3A_1287 : i32
        %swap3A_1289 = arith.index_cast %add3A_1288 : i32 to index
        %swap3A_1290 = arith.constant 448 : index
        %swap3A_1291 = tpu.vector_load %arg10[%swap3A_1289, %swap3A_1290] {strides = array<i32>} : memref<16x512xf32, #tpu.memory_space<vmem>>, vector<16xf32>,
        tpu.vector_store %arg10[%swap3A_1289, %swap3A_1290], %select_n3A_1285 {strides = array<i32>} : memref<16x512xf32, #tpu.memory_space<vmem>>, vector<16xf32>,
        %add3A_1292 = arith.constant 1 : i32
        %add3A_1293 = arith.addi %mul3A_423, %add3A_1292 : i32
        %swap3A_1294 = arith.index_cast %add3A_1293 : i32 to index
        %swap3A_1295 = arith.constant 464 : index
        %swap3A_1296 = tpu.vector_load %arg10[%swap3A_1294, %swap3A_1295] {strides = array<i32>} : memref<16x512xf32, #tpu.memory_space<vmem>>, vector<16xf32>,
        tpu.vector_store %arg10[%swap3A_1294, %swap3A_1295], %select_n3A_1286 {strides = array<i32>} : memref<16x512xf32, #tpu.memory_space<vmem>>, vector<16xf32>,
        %add3A_1297 = arith.constant 240 : i32
        %add3A_1298 = arith.addi %mul3A_876, %add3A_1297 : i32
        %get3A_1299 = arith.index_cast %add3A_1298 : i32 to index
        %get3A_1300 = tpu.vector_load %arg6[%get3A_1299] {strides = array<i32>} : memref<4096xf32, #tpu.memory_space<vmem>>, vector<16xf32>,
        %add3A_1301 = arith.constant 240 : i32
        %add3A_1302 = arith.addi %mul3A_876, %add3A_1301 : i32
        %get3A_1303 = arith.index_cast %add3A_1302 : i32 to index
        %get3A_1304 = tpu.vector_load %arg8[%get3A_1303] {strides = array<i32>} : memref<4096xf32, #tpu.memory_space<vmem>>, vector<16xf32>,
        %gather3A_1305 = vector.shape_cast %broadcast_in_dim3A : vector<16x1xi32> to vector<16xi32>
        %gather3A_1306 = tpu.dynamic_gather %get3A_1300[%gather3A_1305] in [0] : vector<16xf32>, vector<16xi32> -> vector<16xf32>
        %gather3A_1307 = vector.shape_cast %broadcast_in_dim3A : vector<16x1xi32> to vector<16xi32>
        %gather3A_1308 = tpu.dynamic_gather %get3A_1304[%gather3A_1307] in [0] : vector<16xf32>, vector<16xi32> -> vector<16xf32>
        %gather3A_1309 = vector.shape_cast %broadcast_in_dim3A_48 : vector<16x1xi32> to vector<16xi32>
        %gather3A_1310 = tpu.dynamic_gather %get3A_1300[%gather3A_1309] in [0] : vector<16xf32>, vector<16xi32> -> vector<16xf32>
        %gather3A_1311 = vector.shape_cast %broadcast_in_dim3A_48 : vector<16x1xi32> to vector<16xi32>
        %gather3A_1312 = tpu.dynamic_gather %get3A_1304[%gather3A_1311] in [0] : vector<16xf32>, vector<16xi32> -> vector<16xf32>
        %select_n3A_1313 = arith.select %eq3A_52, %gather3A_1308, %gather3A_1306 : vector<16xi1>, vector<16xf32>
        %select_n3A_1314 = arith.select %eq3A_52, %gather3A_1312, %gather3A_1310 : vector<16xi1>, vector<16xf32>
        %add3A_1315 = arith.constant 1 : i32
        %add3A_1316 = arith.addi %mul3A_423, %add3A_1315 : i32
        %swap3A_1317 = arith.index_cast %add3A_1316 : i32 to index
        %swap3A_1318 = arith.constant 480 : index
        %swap3A_1319 = tpu.vector_load %arg10[%swap3A_1317, %swap3A_1318] {strides = array<i32>} : memref<16x512xf32, #tpu.memory_space<vmem>>, vector<16xf32>,
        tpu.vector_store %arg10[%swap3A_1317, %swap3A_1318], %select_n3A_1313 {strides = array<i32>} : memref<16x512xf32, #tpu.memory_space<vmem>>, vector<16xf32>,
        %add3A_1320 = arith.constant 1 : i32
        %add3A_1321 = arith.addi %mul3A_423, %add3A_1320 : i32
        %swap3A_1322 = arith.index_cast %add3A_1321 : i32 to index
        %swap3A_1323 = arith.constant 496 : index
        %swap3A_1324 = tpu.vector_load %arg10[%swap3A_1322, %swap3A_1323] {strides = array<i32>} : memref<16x512xf32, #tpu.memory_space<vmem>>, vector<16xf32>,
        tpu.vector_store %arg10[%swap3A_1322, %swap3A_1323], %select_n3A_1314 {strides = array<i32>} : memref<16x512xf32, #tpu.memory_space<vmem>>, vector<16xf32>,
      }
      %scan3A_362 = arith.constant 8 : i32
      %mul3A_363 = arith.constant 4 : i32
      %mul3A_364 = arith.muli %add3A, %mul3A_363 : i32
      %jit3A_365 = arith.constant 32 : i32
      %div3A_366 = arith.divsi %add3A_249, %jit3A_365 : i32
      %sign3A_367 = arith.constant 0 : i32
      %sign3A_368 = arith.cmpi sgt, %add3A_249, %sign3A_367 : i32
      %sign3A_369 = arith.extui %sign3A_368 : i1 to i32
      %sign3A_370 = arith.constant 0 : i32
      %sign3A_371 = arith.cmpi slt, %add3A_249, %sign3A_370 : i32
      %sign3A_372 = arith.extui %sign3A_371 : i1 to i32
      %sign3A_373 = arith.subi %sign3A_369, %sign3A_372 : i32
      %sign3A_374 = arith.constant 0 : i32
      %sign3A_375 = arith.cmpi sgt, %jit3A_365, %sign3A_374 : i32
      %sign3A_376 = arith.extui %sign3A_375 : i1 to i32
      %sign3A_377 = arith.constant 0 : i32
      %sign3A_378 = arith.cmpi slt, %jit3A_365, %sign3A_377 : i32
      %sign3A_379 = arith.extui %sign3A_378 : i1 to i32
      %sign3A_380 = arith.subi %sign3A_376, %sign3A_379 : i32
      %ne3A_381 = arith.cmpi ne, %sign3A_373, %sign3A_380 : i32
      %rem3A_382 = arith.remsi %add3A_249, %jit3A_365 : i32
      %ne3A_383 = arith.constant 0 : i32
      %ne3A_384 = arith.cmpi ne, %rem3A_382, %ne3A_383 : i32
      %and3A_385 = arith.andi %ne3A_381, %ne3A_384 : i1
      %sub3A_386 = arith.constant 1 : i32
      %sub3A_387 = arith.subi %div3A_366, %sub3A_386 : i32
      %select_n3A_388 = arith.select %and3A_385, %sub3A_387, %div3A_366 : i32
      %add3A_389 = arith.addi %mul3A_364, %select_n3A_388 : i32
      %jit3A_390 = arith.constant 32 : i32
      %eq3A_391 = arith.constant 0 : i32
      %eq3A_392 = arith.cmpi eq, %jit3A_390, %eq3A_391 : i32
      %jit3A_393 = arith.constant 1 : i32
      %select_n3A_394 = arith.select %eq3A_392, %jit3A_393, %jit3A_390 : i32
      %rem3A_395 = arith.remsi %add3A_249, %select_n3A_394 : i32
      %ne3A_396 = arith.constant 0 : i32
      %ne3A_397 = arith.cmpi ne, %rem3A_395, %ne3A_396 : i32
      %lt3A_398 = arith.constant 0 : i32
      %lt3A_399 = arith.cmpi slt, %rem3A_395, %lt3A_398 : i32
      %lt3A_400 = arith.constant 0 : i32
      %lt3A_401 = arith.cmpi slt, %select_n3A_394, %lt3A_400 : i32
      %ne3A_402 = arith.xori %lt3A_399, %lt3A_401 : i1
      %and3A_403 = arith.andi %ne3A_402, %ne3A_397 : i1
      %add3A_404 = arith.addi %rem3A_395, %select_n3A_394 : i32
      %select_n3A_405 = arith.select %and3A_403, %add3A_404, %rem3A_395 : i32
      %mul3A_406 = arith.constant 16 : i32
      %mul3A_407 = arith.muli %select_n3A_405, %mul3A_406 : i32
      %dma_start3A_408 = arith.constant 0 : i32
      %dma_start3A_409 = tpu.memref_slice %arg4[%add3A_389, %mul3A_407, %dma_start3A_408] : memref<128x512x512xf32, #tpu.memory_space<hbm>> -> memref<1x16x512xf32, #tpu.memory_space<hbm>>
      %dma_start3A_410 = tpu.memref_squeeze %dma_start3A_409 : memref<1x16x512xf32, #tpu.memory_space<hbm>> -> memref<16x512xf32, #tpu.memory_space<hbm>>
      %dma_start3A_411 = arith.constant 0 : i32
      %dma_start3A_412 = tpu.memref_slice %arg4[%add3A_389, %mul3A_407, %dma_start3A_411] : memref<128x512x512xf32, #tpu.memory_space<hbm>> -> memref<1x16x512xf32, #tpu.memory_space<hbm>>
      %dma_start3A_413 = tpu.memref_squeeze %dma_start3A_412 : memref<1x16x512xf32, #tpu.memory_space<hbm>> -> memref<16x512xf32, #tpu.memory_space<hbm>>
      tpu.enqueue_dma source(%arg10 : memref<16x512xf32, #tpu.memory_space<vmem>>) target(%dma_start3A_413 : memref<16x512xf32, #tpu.memory_space<hbm>>) target_semaphore(%arg14 : memref<!tpu.dma_semaphore, #tpu.memory_space<semaphore_mem>>)
      %add3A_414 = arith.constant 2 : i32
      %add3A_415 = arith.addi %add3A_249, %add3A_414 : i32
      %lt3A_416 = arith.constant 128 : i32
      %lt3A_417 = arith.cmpi slt, %add3A_415, %lt3A_416 : i32
      %convert_element_type3A_418 = arith.extui %lt3A_417 : i1 to i32
      %cond3A_419 = arith.constant 0 : i32
      %cond3A_420 = arith.cmpi ne, %convert_element_type3A_418, %cond3A_419 : i32
      scf.if %cond3A_420 {
        %add3A_421 = arith.constant 2 : i32
        %add3A_422 = arith.addi %add3A_249, %add3A_421 : i32
        %mul3A_423 = arith.constant 4 : i32
        %mul3A_424 = arith.muli %add3A, %mul3A_423 : i32
        %jit3A_425 = arith.constant 32 : i32
        %div3A_426 = arith.divsi %add3A_422, %jit3A_425 : i32
        %sign3A_427 = arith.constant 0 : i32
        %sign3A_428 = arith.cmpi sgt, %add3A_422, %sign3A_427 : i32
        %sign3A_429 = arith.extui %sign3A_428 : i1 to i32
        %sign3A_430 = arith.constant 0 : i32
        %sign3A_431 = arith.cmpi slt, %add3A_422, %sign3A_430 : i32
        %sign3A_432 = arith.extui %sign3A_431 : i1 to i32
        %sign3A_433 = arith.subi %sign3A_429, %sign3A_432 : i32
        %sign3A_434 = arith.constant 0 : i32
        %sign3A_435 = arith.cmpi sgt, %jit3A_425, %sign3A_434 : i32
        %sign3A_436 = arith.extui %sign3A_435 : i1 to i32
        %sign3A_437 = arith.constant 0 : i32
        %sign3A_438 = arith.cmpi slt, %jit3A_425, %sign3A_437 : i32
        %sign3A_439 = arith.extui %sign3A_438 : i1 to i32
        %sign3A_440 = arith.subi %sign3A_436, %sign3A_439 : i32
        %ne3A_441 = arith.cmpi ne, %sign3A_433, %sign3A_440 : i32
        %rem3A_442 = arith.remsi %add3A_422, %jit3A_425 : i32
        %ne3A_443 = arith.constant 0 : i32
        %ne3A_444 = arith.cmpi ne, %rem3A_442, %ne3A_443 : i32
        %and3A_445 = arith.andi %ne3A_441, %ne3A_444 : i1
        %sub3A_446 = arith.constant 1 : i32
        %sub3A_447 = arith.subi %div3A_426, %sub3A_446 : i32
        %select_n3A_448 = arith.select %and3A_445, %sub3A_447, %div3A_426 : i32
        %add3A_449 = arith.addi %mul3A_424, %select_n3A_448 : i32
        %jit3A_450 = arith.constant 32 : i32
        %eq3A_451 = arith.constant 0 : i32
        %eq3A_452 = arith.cmpi eq, %jit3A_450, %eq3A_451 : i32
        %jit3A_453 = arith.constant 1 : i32
        %select_n3A_454 = arith.select %eq3A_452, %jit3A_453, %jit3A_450 : i32
        %rem3A_455 = arith.remsi %add3A_422, %select_n3A_454 : i32
        %ne3A_456 = arith.constant 0 : i32
        %ne3A_457 = arith.cmpi ne, %rem3A_455, %ne3A_456 : i32
        %lt3A_458 = arith.constant 0 : i32
        %lt3A_459 = arith.cmpi slt, %rem3A_455, %lt3A_458 : i32
        %lt3A_460 = arith.constant 0 : i32
        %lt3A_461 = arith.cmpi slt, %select_n3A_454, %lt3A_460 : i32
        %ne3A_462 = arith.xori %lt3A_459, %lt3A_461 : i1
        %and3A_463 = arith.andi %ne3A_462, %ne3A_457 : i1
        %add3A_464 = arith.addi %rem3A_455, %select_n3A_454 : i32
        %select_n3A_465 = arith.select %and3A_463, %add3A_464, %rem3A_455 : i32
        %mul3A_466 = arith.constant 16 : i32
        %mul3A_467 = arith.muli %select_n3A_465, %mul3A_466 : i32
        %mul3A_468 = arith.constant 256 : i32
        %mul3A_469 = arith.muli %mul3A_467, %mul3A_468 : i32
        %dma_start3A_470 = tpu.memref_slice %arg2[%add3A_449, %mul3A_469] : memref<128x131072xf32, #tpu.memory_space<hbm>> -> memref<1x4096xf32, #tpu.memory_space<hbm>>
        %dma_start3A_471 = tpu.memref_squeeze %dma_start3A_470 : memref<1x4096xf32, #tpu.memory_space<hbm>> -> memref<4096xf32, #tpu.memory_space<hbm>>
        %dma_start3A_472 = tpu.memref_slice %arg2[%add3A_449, %mul3A_469] : memref<128x131072xf32, #tpu.memory_space<hbm>> -> memref<1x4096xf32, #tpu.memory_space<hbm>>
        %dma_start3A_473 = tpu.memref_squeeze %dma_start3A_472 : memref<1x4096xf32, #tpu.memory_space<hbm>> -> memref<4096xf32, #tpu.memory_space<hbm>>
        tpu.enqueue_dma source(%dma_start3A_473 : memref<4096xf32, #tpu.memory_space<hbm>>) target(%arg6 : memref<4096xf32, #tpu.memory_space<vmem>>) target_semaphore(%arg12 : memref<!tpu.dma_semaphore, #tpu.memory_space<semaphore_mem>>)
        %mul3A_474 = arith.constant 4 : i32
        %mul3A_475 = arith.muli %add3A, %mul3A_474 : i32
        %jit3A_476 = arith.constant 32 : i32
        %div3A_477 = arith.divsi %add3A_422, %jit3A_476 : i32
        %sign3A_478 = arith.constant 0 : i32
        %sign3A_479 = arith.cmpi sgt, %add3A_422, %sign3A_478 : i32
        %sign3A_480 = arith.extui %sign3A_479 : i1 to i32
        %sign3A_481 = arith.constant 0 : i32
        %sign3A_482 = arith.cmpi slt, %add3A_422, %sign3A_481 : i32
        %sign3A_483 = arith.extui %sign3A_482 : i1 to i32
        %sign3A_484 = arith.subi %sign3A_480, %sign3A_483 : i32
        %sign3A_485 = arith.constant 0 : i32
        %sign3A_486 = arith.cmpi sgt, %jit3A_476, %sign3A_485 : i32
        %sign3A_487 = arith.extui %sign3A_486 : i1 to i32
        %sign3A_488 = arith.constant 0 : i32
        %sign3A_489 = arith.cmpi slt, %jit3A_476, %sign3A_488 : i32
        %sign3A_490 = arith.extui %sign3A_489 : i1 to i32
        %sign3A_491 = arith.subi %sign3A_487, %sign3A_490 : i32
        %ne3A_492 = arith.cmpi ne, %sign3A_484, %sign3A_491 : i32
        %rem3A_493 = arith.remsi %add3A_422, %jit3A_476 : i32
        %ne3A_494 = arith.constant 0 : i32
        %ne3A_495 = arith.cmpi ne, %rem3A_493, %ne3A_494 : i32
        %and3A_496 = arith.andi %ne3A_492, %ne3A_495 : i1
        %sub3A_497 = arith.constant 1 : i32
        %sub3A_498 = arith.subi %div3A_477, %sub3A_497 : i32
        %select_n3A_499 = arith.select %and3A_496, %sub3A_498, %div3A_477 : i32
        %add3A_500 = arith.addi %mul3A_475, %select_n3A_499 : i32
        %jit3A_501 = arith.constant 32 : i32
        %eq3A_502 = arith.constant 0 : i32
        %eq3A_503 = arith.cmpi eq, %jit3A_501, %eq3A_502 : i32
        %jit3A_504 = arith.constant 1 : i32
        %select_n3A_505 = arith.select %eq3A_503, %jit3A_504, %jit3A_501 : i32
        %rem3A_506 = arith.remsi %add3A_422, %select_n3A_505 : i32
        %ne3A_507 = arith.constant 0 : i32
        %ne3A_508 = arith.cmpi ne, %rem3A_506, %ne3A_507 : i32
        %lt3A_509 = arith.constant 0 : i32
        %lt3A_510 = arith.cmpi slt, %rem3A_506, %lt3A_509 : i32
        %lt3A_511 = arith.constant 0 : i32
        %lt3A_512 = arith.cmpi slt, %select_n3A_505, %lt3A_511 : i32
        %ne3A_513 = arith.xori %lt3A_510, %lt3A_512 : i1
        %and3A_514 = arith.andi %ne3A_513, %ne3A_508 : i1
        %add3A_515 = arith.addi %rem3A_506, %select_n3A_505 : i32
        %select_n3A_516 = arith.select %and3A_514, %add3A_515, %rem3A_506 : i32
        %mul3A_517 = arith.constant 16 : i32
        %mul3A_518 = arith.muli %select_n3A_516, %mul3A_517 : i32
        %mul3A_519 = arith.constant 256 : i32
        %mul3A_520 = arith.muli %mul3A_518, %mul3A_519 : i32
        %dma_start3A_521 = tpu.memref_slice %arg3[%add3A_500, %mul3A_520] : memref<128x131072xf32, #tpu.memory_space<hbm>> -> memref<1x4096xf32, #tpu.memory_space<hbm>>
        %dma_start3A_522 = tpu.memref_squeeze %dma_start3A_521 : memref<1x4096xf32, #tpu.memory_space<hbm>> -> memref<4096xf32, #tpu.memory_space<hbm>>
        %dma_start3A_523 = tpu.memref_slice %arg3[%add3A_500, %mul3A_520] : memref<128x131072xf32, #tpu.memory_space<hbm>> -> memref<1x4096xf32, #tpu.memory_space<hbm>>
        %dma_start3A_524 = tpu.memref_squeeze %dma_start3A_523 : memref<1x4096xf32, #tpu.memory_space<hbm>> -> memref<4096xf32, #tpu.memory_space<hbm>>
        tpu.enqueue_dma source(%dma_start3A_524 : memref<4096xf32, #tpu.memory_space<hbm>>) target(%arg8 : memref<4096xf32, #tpu.memory_space<vmem>>) target_semaphore(%arg12 : memref<!tpu.dma_semaphore, #tpu.memory_space<semaphore_mem>>)
      } else {
      }
    }
    %scan3A_57 = arith.constant 64 : i32
    %mul3A_58 = arith.constant 4 : i32
    %mul3A_59 = arith.muli %add3A, %mul3A_58 : i32
    %add3A_60 = arith.constant 3 : i32
    %add3A_61 = arith.addi %mul3A_59, %add3A_60 : i32
    %dma_wait3A = arith.constant 480 : i32
    %dma_wait3A_62 = arith.constant 0 : i32
    %dma_wait3A_63 = tpu.memref_slice %arg4[%add3A_61, %dma_wait3A, %dma_wait3A_62] : memref<128x512x512xf32, #tpu.memory_space<hbm>> -> memref<1x16x512xf32, #tpu.memory_space<hbm>>
    %dma_wait3A_64 = tpu.memref_squeeze %dma_wait3A_63 : memref<1x16x512xf32, #tpu.memory_space<hbm>> -> memref<16x512xf32, #tpu.memory_space<hbm>>
    %dma_wait3A_65 = arith.constant 480 : i32
    %dma_wait3A_66 = arith.constant 0 : i32
    %dma_wait3A_67 = tpu.memref_slice %arg4[%add3A_61, %dma_wait3A_65, %dma_wait3A_66] : memref<128x512x512xf32, #tpu.memory_space<hbm>> -> memref<1x16x512xf32, #tpu.memory_space<hbm>>
    %dma_wait3A_68 = tpu.memref_squeeze %dma_wait3A_67 : memref<1x16x512xf32, #tpu.memory_space<hbm>> -> memref<16x512xf32, #tpu.memory_space<hbm>>
    tpu.wait_dma2 semaphore(%arg13 : memref<!tpu.dma_semaphore, #tpu.memory_space<semaphore_mem>>) src(%arg9 : memref<16x512xf32, #tpu.memory_space<vmem>>) dst(%dma_wait3A_68 : memref<16x512xf32, #tpu.memory_space<hbm>>)
    %mul3A_69 = arith.constant 4 : i32
    %mul3A_70 = arith.muli %add3A, %mul3A_69 : i32
    %add3A_71 = arith.constant 3 : i32
    %add3A_72 = arith.addi %mul3A_70, %add3A_71 : i32
    %dma_wait3A_73 = arith.constant 496 : i32
    %dma_wait3A_74 = arith.constant 0 : i32
    %dma_wait3A_75 = tpu.memref_slice %arg4[%add3A_72, %dma_wait3A_73, %dma_wait3A_74] : memref<128x512x512xf32, #tpu.memory_space<hbm>> -> memref<1x16x512xf32, #tpu.memory_space<hbm>>
    %dma_wait3A_76 = tpu.memref_squeeze %dma_wait3A_75 : memref<1x16x512xf32, #tpu.memory_space<hbm>> -> memref<16x512xf32, #tpu.memory_space<hbm>>
    %dma_wait3A_77 = arith.constant 496 : i32
    %dma_wait3A_78 = arith.constant 0 : i32
    %dma_wait3A_79 = tpu.memref_slice %arg4[%add3A_72, %dma_wait3A_77, %dma_wait3A_78] : memref<128x512x512xf32, #tpu.memory_space<hbm>> -> memref<1x16x512xf32, #tpu.memory_space<hbm>>
    %dma_wait3A_80 = tpu.memref_squeeze %dma_wait3A_79 : memref<1x16x512xf32, #tpu.memory_space<hbm>> -> memref<16x512xf32, #tpu.memory_space<hbm>>
    tpu.wait_dma2 semaphore(%arg14 : memref<!tpu.dma_semaphore, #tpu.memory_space<semaphore_mem>>) src(%arg10 : memref<16x512xf32, #tpu.memory_space<vmem>>) dst(%dma_wait3A_80 : memref<16x512xf32, #tpu.memory_space<hbm>>)
    return
  }
}

</mosaic_0001>

<sc_bundles>
// kernel: kernel.3.cloned.1.call-start
scs
__scs_entry_jumppad:
0x0: {  	(pc) =	sbr.rel $0x88, $3  }
0x1: {  	(tag) =	ssettag $0x0;
	lr =	simm.s32 $0x1  }
0x2: {  	[smem:$0x3F9F] =	sst lr;
	_ =	strace $0xD0000000  }
0x3: {  	_ = 	snop  }
0x4: {  	_ = 	snop  }
0x5: {  	_ = 	snop  }
0x6: {  	_ = 	snop  }
0x7: {  	_ = 	snop  }
__scs_overlays_trampoline_lowered:
0x8: {  	[smem:$0x3FAE] =	sst s0  }
0x9: {  	[smem:$0x3FAF] =	sst s1  }
0xa: {  	[smem:$0x3FB0] =	sst s2  }
0xb: {  	[smem:$0x3FB1] =	sst s3  }
0xc: {  	[smem:$0x3FB2] =	sst s4  }
0xd: {  	[smem:$0x3FB3] =	sst s5  }
0xe: {  	[smem:$0x3FB4] =	sst s6  }
0xf: {  	[smem:$0x3FB5] =	sst s7  }
0x10: {  	[smem:$0x3FB6] =	sst s8  }
0x11: {  	[smem:$0x3FB7] =	sst s9;
	s0 =	simm.s32 @!p0 $0x0  }
0x12: {  	s1 =	sld [smem:$0x3F9D];
	s0 =	simm.s32 @p0 $0x1  }
0x13: {  	[smem:$0x3FB8] =	sst s0;
	s0 =	simm.s32 @!p1 $0x0  }
0x14: {  	s2 =	sld [smem:$0x3F9C];
	s0 =	simm.s32 @p1 $0x1  }
0x15: {  	[smem:$0x3FB9] =	sst s0;
	s0 =	simm.s32 @!p2 $0x0  }
0x16: {  	s3 =	sld [smem:$0x3FDB];
	s0 =	simm.s32 @p2 $0x1  }
0x17: {  	s4 =	simm.s32 $0x1BF5;
	[smem:$0x3FBB] =	sst s0  }
0x18: {  	s0 =	sld [smem:$0x3F9E];
	_ =	swait.ge [sflag:s4], $0x0  }
0x19: {  	s7 =	sld [smem:$0x3F9F]  }
0x1a: {  	s8 =	sadd.s32 $0xFFFFE003, lr  }
0x1b: {  	s9 =	sadd.s32 $0xFFFFFEF7, lr;
	s5 =	simm.s32 $0xFFFFFFFF;
	p2 =	slt.u32 s8, $0xFFFFF086  }
0x1c: {  	p1 =	slt.u32 s9, $0xF7A;
	s5 =	simm.s32 @!p2 $0x0  }
0x1d: {  	s5 =	simm.s32 @p1 $0x1;
	p0 =	seq.s32 s7, s2  }
0x1e: {  	s7 =	smul.u32 @!p0 $0xF7A, s2;
	p2 =	seq.s32 @!p0 s5, $0x0  }
0x1f: {  	s9 =	smul.u32 $0xF7A, s1;
	s8 =	simm.s32 @!p0 $0x1BF5;
	p2 =	por !p2, p0  }
0x20: {  	[sflag:s8] =	ssyncset.s32 @!p0 $0xFFFFF086;
	s6 =	sadd.s32 @!p0 s3, s7;
	s7 =	simm.s32 @!p0 $0x108  }
0x21: {  	s3 =	sadd.s32 s3, s9;
	s6 =	sadd.s32 @!p0 $0x88, s6;
	s7 =	simm.s32 @p2 $0x1082  }
0x22: {  	[simem:s7], [sflag:s8] =	dma.local @!p0 [hbm:s6], $0xF7A  }
0x23: {  	s9 =	sor.u32 $0xD0000000, s2;
	s6 =	simm.s32 $0x108;
	_ =	swait.ge @!p0 [sflag:s8], $0x0  }
0x24: {  	s3 =	sadd.s32 $0x88, s3;
	s6 =	simm.s32 @!p1 $0x1082;
	[sflag:s4] =	ssyncset.s32 $0xFFFFF086  }
0x25: {  	[simem:s6], [sflag:s4] =	dma.local [hbm:s3], $0xF7A  }
0x26: {  	[smem:$0x3F9F] =	sst s1;
	(tag) =	ssettag s2;
	_ =	strace s9  }
0x27: {  	s1 =	sld [smem:$0x3FAF]  }
0x28: {  	s2 =	sld [smem:$0x3FB0]  }
0x29: {  	s4 =	sld [smem:$0x3FB2]  }
0x2a: {  	p0 =	seq.s32 s5, $0x0;
	s5 =	sld [smem:$0x3FB3]  }
0x2b: {  	s6 =	sld [smem:$0x3FB4]  }
0x2c: {  	s7 =	sld [smem:$0x3FB5]  }
0x2d: {  	s3 =	simm.s32 $0x108;
	s8 =	sld [smem:$0x3FB6]  }
0x2e: {  	s3 =	simm.s32 @!p0 $0x1082;
	s9 =	sld [smem:$0x3FB7]  }
0x2f: {  	lr =	sadd.s32 s0, s3;
	s0 =	sld [smem:$0x3FAE]  }
0x30: {  	s3 =	sld [smem:$0x3FB1]  }
0x31: {  	[smem:$0x3FBA] =	sst s10  }
0x32: {  	s10 =	sld [smem:$0x3FB8];
	_ =	sdelay $0x3  }
0x33: {  	p0 =	seq.s32 s10, $0x1;
	s10 =	sld [smem:$0x3FBA];
	_ =	sdelay $0x3  }
0x34: {  	[smem:$0x3FBA] =	sst s10  }
0x35: {  	s10 =	sld [smem:$0x3FB9];
	_ =	sdelay $0x3  }
0x36: {  	p1 =	seq.s32 s10, $0x1;
	s10 =	sld [smem:$0x3FBA];
	_ =	sdelay $0x3  }
0x37: {  	[smem:$0x3FBA] =	sst s10  }
0x38: {  	s10 =	sld [smem:$0x3FBB]  }
0x39: {  	_ = 	snop;
	(pc) =	sbr.ind lr, $3  }
0x3a: {  	_ = 	snop  }
0x3b: {  	_ = 	snop  }
0x3c: {  	p2 =	seq.s32 s10, $0x1;
	s10 =	sld [smem:$0x3FBA]  }
0x3d: {  	_ =	shalt  }
0x3e: {  	_ =	shalt  }
0x3f: {  	_ =	shalt  }
0x40: {  	_ =	shalt  }
0x41: {  	_ =	shalt  }
0x42: {  	_ =	shalt  }
0x43: {  	_ =	shalt  }
0x44: {  	_ =	shalt  }
0x45: {  	_ =	shalt  }
0x46: {  	_ =	shalt  }
0x47: {  	_ =	shalt  }
0x48: {  	_ =	shalt  }
0x49: {  	_ =	shalt  }
0x4a: {  	_ =	shalt  }
0x4b: {  	_ =	shalt  }
0x4c: {  	_ =	shalt  }
0x4d: {  	_ =	shalt  }
0x4e: {  	_ =	shalt  }
0x4f: {  	_ =	shalt  }
0x50: {  	_ =	shalt  }
0x51: {  	_ =	shalt  }
0x52: {  	_ =	shalt  }
0x53: {  	_ =	shalt  }
0x54: {  	_ =	shalt  }
0x55: {  	_ =	shalt  }
0x56: {  	_ =	shalt  }
0x57: {  	_ =	shalt  }
0x58: {  	_ =	shalt  }
0x59: {  	_ =	shalt  }
0x5a: {  	_ =	shalt  }
0x5b: {  	_ =	shalt  }
0x5c: {  	_ =	shalt  }
0x5d: {  	_ =	shalt  }
0x5e: {  	_ =	shalt  }
0x5f: {  	_ =	shalt  }
0x60: {  	_ =	shalt  }
0x61: {  	_ =	shalt  }
0x62: {  	_ =	shalt  }
0x63: {  	_ =	shalt  }
0x64: {  	_ =	shalt  }
0x65: {  	_ =	shalt  }
0x66: {  	_ =	shalt  }
0x67: {  	_ =	shalt  }
0x68: {  	_ =	shalt  }
0x69: {  	_ =	shalt  }
0x6a: {  	_ =	shalt  }
0x6b: {  	_ =	shalt  }
0x6c: {  	_ =	shalt  }
0x6d: {  	_ =	shalt  }
0x6e: {  	_ =	shalt  }
0x6f: {  	_ =	shalt  }
0x70: {  	_ =	shalt  }
0x71: {  	_ =	shalt  }
0x72: {  	_ =	shalt  }
0x73: {  	_ =	shalt  }
0x74: {  	_ =	shalt  }
0x75: {  	_ =	shalt  }
0x76: {  	_ =	shalt  }
0x77: {  	_ =	shalt  }
0x78: {  	_ =	shalt  }
0x79: {  	_ =	shalt  }
0x7a: {  	_ =	shalt  }
0x7b: {  	_ =	shalt  }
0x7c: {  	_ =	shalt  }
0x7d: {  	_ =	shalt  }
0x7e: {  	_ =	shalt  }
0x7f: {  	_ =	shalt  }
0x80: {  	_ =	shalt  }
0x81: {  	_ =	shalt  }
0x82: {  	_ =	shalt  }
0x83: {  	_ =	shalt  }
0x84: {  	_ =	shalt  }
0x85: {  	_ =	shalt  }
0x86: {  	_ =	shalt  }
0x87: {  	_ =	shalt  }
.Lfunc_end0:
.L_simem_size_0:
called_computation_lowered:
.L_overlay_start_0:
0x88: {  	s2 =	sld [smem:$0x3FD9]  }
0x89: {  	s3 =	sld [smem:$0x3FFE];
	_ =	sdelay $0x1  }
0x8a: {  	s1 =	srdreg.scid  }
0x8b: {  	s0 =	sand.u32 $0x1, s1  }
0x8c: {  	s18 =	sshll.u32 s0, $0xA;
	s2 =	sadd.s32 s3, s2  }
0x8d: {  	s2 =	sadd.s32 s2, s18  }
0x8e: {  	[smem:$0x3FC6] =	sst s2  }
0x8f: {  	_ = 	snop  }
0x90: {  	s2 =	sld [smem:$0x3FC9]  }
0x91: {  	s19 =	sld [smem:$0x3FC8]  }
0x92: {  	s4 =	sld [smem:$0x3FD0];
	(tm) =	ssettm $0x1  }
0x93: {  	s5 =	sld [smem:$0x3FFB];
	_ =	sdelay $0x3  }
0x94: {  	_ =	strace s5  }
0x95: {  	s5 =	sld [smem:$0x3FFC];
	_ =	sdelay $0x3  }
0x96: {  	_ =	strace s5  }
0x97: {  	s5 =	sld [smem:$0x3FFD];
	_ =	sdelay $0x3  }
0x98: {  	_ =	strace s5  }
0x99: {  	_ =	strace $0x8FFFFFFF  }
0x9a: {  	s20 =	sld [smem:$0x3FDB];
	_ =	sdelay $0x1  }
0x9b: {  	s6 =	simm.s32 $_scs_section_size  }
0x9c: {  	s7 =	simm.s32 $_size__tile_overlayer_lowered;
	s8 =	simm.s32 $_tile_overlayer_lowered  }
0x9d: {  	s23 =	simm.s32 $0x1BFF;
	s22 =	sshll.u32 s8, $0x1;
	s5 =	sadd.s32 s6, s20  }
0x9e: {  	s9 =	simm.s32 $0x0;
	s21 =	sshll.u32 s7, $0x1;
	s7 =	sadd.s32 s22, s5  }
0x9f: {  	[timem:s9], [sflag:s23] =	dma.local [hbm:s7], s21  }
0xa0: {  	_ =	swait.ge [sflag:s23], s21  }
0xa1: {  	s6 =	ssub.s32 $0x0, s21;
	[sflag:s23] =	ssyncset.done $0x0  }
0xa2: {  	[sflag:s23] =	ssyncadd.s32 s6;
	_ =	sdelay $0x1  }
0xa3: {  	s24 =	simm.s32 $0x1B8B  }
0xa4: {  	_ =	swait.ge [sflag:s24], $0x1  }
0xa5: {  	[sflag:s24] =	ssyncset.done $0x0  }
0xa6: {  	s25 =	simm.s32 $0x1B8E;
	[sflag:s24] =	ssyncadd.s32 $0xFFFFFFFF  }
0xa7: {  	s26 =	simm.s32 $execute0_lowered;
	[smem:$0x3FD2] =	sst s25  }
0xa8: {  	s6 =	sshll.u32 s26, $0x1;
	_ =	strace $0x80000046;
	[dreg:$0x1] =	wrdreg $0xFFFFFFFF  }
0xa9: {  	s28 =	simm.s32 $_size_execute0_lowered;
	s5 =	sadd.s32 s5, s6;
	[dreg:$0x0] =	wrdreg $0x0  }
0xaa: {  	s6 =	sshll.u32 s28, $0x1;
	[dreg:$0x2] =	wrdreg s5  }
0xab: {  	[dreg:$0x3] =	wrdreg s6  }
0xac: {  	[dreg:$0x4] =	wrdreg $0xC0  }
0xad: {  	_ =	task [dreg:s9], $0x5FFFF  }
0xae: {  	[dreg:$0x1] =	wrdreg $0xFFFFFFFF  }
0xaf: {  	[dreg:$0x0] =	wrdreg $0x60  }
0xb0: {  	[dreg:$0x2] =	wrdreg s2  }
0xb1: {  	[dreg:$0x3] =	wrdreg s19  }
0xb2: {  	[dreg:$0x4] =	wrdreg s4  }
0xb3: {  	[dreg:$0x5] =	wrdreg $0x9  }
0xb4: {  	_ =	task.clear_ibuf [dreg:s9], $0x6FFFF;
	_ =	strace $0x90000046  }
0xb5: {  	s29 =	simm.s32 $0x9;
	_ =	strace $0x80000048  }
0xb6: {  	_ =	swait.ge [sflag:s29], $0x1  }
0xb7: {  	[sflag:s29] =	ssyncadd.s32 $0xFFFFFFFF  }
0xb8: {  	_ =	strace $0x90000048  }
0xb9: {  	_ =	sfence  }
0xba: {  	s30 =	sld [smem:$0x0];
	_ =	sdelay $0x2  }
0xbb: {  	s31 =	sshll.u32 s1, $0xD;
	s1 =	sshrl.u32 s1, $0x2  }
0xbc: {  	s3 =	sand.u32 $0x4000, s31;
	s1 =	sadd.s32 s1, s30  }
0xbd: {  	s0 =	sor.u32 s3, s0;
	s1 =	sshll.u32 s1, $0x11  }
0xbe: {  	s0 =	sor.u32 s1, s0  }
0xbf: {  	s0 =	sadd.s32 $0x8F2B, s0  }
0xc0: {  	[sflag:s0] =	ssyncadd.remote.s32 $0x1  }
0xc1: {  	_ =	sfence.sel $0xFFFF  }
0xc2: {  	[dreg:$0x0] =	wrdreg $0xFFFFFFFF;
	(pc) =	sbr.abs _section_cstart, $3  }
0xc3: {  	[dreg:$0x1] =	wrdreg $0xFFFFFFFF  }
0xc4: {  	_ =	task.clear_ibuf [dreg:s9], $0x2FFFF;
	_ =	strace $0x9FFFFFFF  }
0xc5: {  	(tm) =	ssettm $0x7FFFFFFF  }
tec
execute0_lowered:
.L_overlay_start_1:
0x0: {  	(tag) =	ssettag $0x1  }
0x1: {  	s1 =	rddreg [dreg:$0x0]  }
0x2: {  	s2 =	rddreg [dreg:$0x1]  }
0x3: {  	s3 =	rddreg [dreg:$0x2];
	s0 =	srdreg.scid  }
0x4: {  	s5 =	simm.s32 $0x0;
	s9 =	stileid.u32;
	s12 =	simm.s32 $0x80  }
0x5: {  	s13 =	simm.s32 $0x400;
	s15 =	simm.s32 $0x1000;
	s16 =	simm.s32 $0x3000  }
0x6: {  	s17 =	simm.s32 $0x1;
	s18 =	simm.s32 $0x4000;
	s19 =	simm.s32 $0x2  }
0x7: {  	s20 =	simm.s32 $0x6000;
	s21 =	simm.s32 $0x3;
	s22 =	simm.s32 $0x4  }
0x8: {  	vm0 =	vcmask $0xB08;
	vm1 =	vcmask $0x300;
	s0 =	sand.u32 $0x1, s0;
	s7 =	sshll.u32 s9, $0x3;
	s9 =	sshll.u32 s9, $0x11  }
0x9: {  	vm0 =	vmor vm1, vm0;
	vm1 =	vcmask $0x1310;
	s4 =	ssub.s32 $0x2, s0;
	s8 =	sshll.u32 s0, $0x2;
	s0 =	sshll.u32 s0, $0x6  }
0xa: {  	s23 =	simm.s32 $0x0;
	[smem:$0x7FF] =	sst s5;
	vm0 =	vmor vm0, vm1;
	vm1 =	vcmask $0x1B18;
	s0 =	sor.u32 s0, s9  }
.Ltmp0:
0xb: {  	_ =	strace $0x80000047;
	vm0 =	vmor vm0, vm1;
	vm1 =	vcmask $0x2320;
	s29 =	sadd.s32 s1, s0;
	(pc) =	sbr.rel .LBB2_1-.Ltmp0, $4  }
0xc: {  	s30 =	sadd.s32 s2, s0;
	s0 =	sor.u32 $0x1000, s0;
	vm0 =	vmor vm0, vm1;
	vm1 =	vcmask $0x2B28;
	[dreg:$0x4] =	wrdreg s29  }
0xd: {  	v0 =	vlaneseq.u32;
	s6 =	sshrl.u32 s4, $0x1;
	[dreg:$0x5] =	wrdreg s30;
	s31 =	sadd.s32 s1, s0;
	vm0 =	vmor vm0, vm1;
	vm1 =	vcmask $0x3330  }
0xe: {  	v0 =	vshrl.u32 v0, $0x1;
	s4 =	ssub.s32 s4, s6;
	s0 =	sadd.s32 s2, s0;
	[dreg:$0x6] =	wrdreg s31;
	vm0 =	vmor vm0, vm1;
	vm1 =	vcmask $0x3B38  }
0xf: {  	v1 =	vor.u32 $0x8, v0;
	s6 =	sor.u32 s8, s7;
	s11 =	smax.u32 s4, $0x1;
	[dreg:$0x7] =	wrdreg s0;
	vm0 =	vmor vm0, vm1  }
.LBB2_8:
0x10: {  	s23 =	sadd.s32 $0x1, s23  }
0x11: {  	_ =	swait.ge [sflag:s21], $0x2000;
	p0 =	sne.s32 s23, s11  }
.Ltmp1:
0x12: {  	[sflag:s21] =	ssyncset.done $0x0;
	(pc) =	sbr.rel @!p0 .LBB2_9-.Ltmp1, $4  }
0x13: {  	[sflag:s21] =	ssyncadd.s32 $0xFFFFE000  }
0x14: {  	_ =	swait.ge [sflag:s22], $0x2000  }
0x15: {  	[sflag:s22] =	ssyncset.done $0x0  }
0x16: {  	[sflag:s22] =	ssyncadd.s32 $0xFFFFE000  }
.LBB2_1:
0x17: {  	s0 =	rddreg [dreg:$0x4]  }
0x18: {  	[tilespmem:s5], [sflag:$0x1] =	stream.strided.gather [hbm4b:s0+s12], $0x1000, s13, s12, $0x38;
	[tilespmem:$0x8000] =	vst v63  }
0x19: {  	s29 =	rddreg [dreg:$0x5];
	s4 =	simm.s32 $0x2000  }
0x1a: {  	[tilespmem:s4], [sflag:$0x1] =	stream.strided.gather [hbm4b:s29+s12], $0x1000, s13, s12, $0x38;
	[tilespmem:$0x8000] =	vst v63  }
0x1b: {  	s30 =	rddreg [dreg:$0x6]  }
0x1c: {  	[tilespmem:s15], [sflag:$0x2] =	stream.strided.gather [hbm4b:s30+s12], $0x1000, s13, s12, $0x38;
	[tilespmem:$0x8000] =	vst v63  }
0x1d: {  	s31 =	rddreg [dreg:$0x7];
	s24 =	simm.s32 $0x0  }
0x1e: {  	[tilespmem:s16], [sflag:$0x2] =	stream.strided.gather [hbm4b:s31+s12], $0x1000, s13, s12, $0x38;
	[tilespmem:$0x8000] =	vst v63  }
.LBB2_2:
0x1f: {  	_ =	swait.ge [sflag:s17], $0x1000  }
0x20: {  	[sflag:s17] =	ssyncset.done $0x0  }
0x21: {  	[sflag:s17] =	ssyncadd.s32 $0xFFFFF000  }
0x22: {  	p0 =	seq.s32 s24, $0x0;
	s25 =	sshll.u32 s24, $0x1;
	_ =	swait.ge [sflag:s17], $0x1000  }
0x23: {  	s4 =	sshrl.u32 s24, $0x4;
	s28 =	simm.s32 $0x80;
	[sflag:s17] =	ssyncset.done $0x0  }
0x24: {  	s29 =	simm.s32 $0x0;
	s0 =	simm.s32 @!p0 $0x3;
	[sflag:s17] =	ssyncadd.s32 $0xFFFFF000  }
0x25: {  	s30 =	simm.s32 $0x2100;
	s31 =	simm.s32 $0x100;
	_ =	swait.ge @!p0 [sflag:s0], $0x2000  }
0x26: {  	s14 =	simm.s32 $0x80;
	s26 =	sor.u32 s6, s4;
	[sflag:s0] =	ssyncset.done @!p0 $0x0  }
0x27: {  	s4 =	simm.s32 $0x0;
	[sflag:s0] =	ssyncadd.s32 @!p0 $0xFFFFE000;
	s0 =	simm.s32 $0x0  }
.LBB2_3:
0x28: {  	v2 =	vld [tilespmem:s31+$0xFFFFFF00]  }
0x29: {  	v3 =	vld [tilespmem:s30+$0xFFFFFF00];
	_ =	sdelay $0x4  }
0x2a: {  	s7 =	sand.u32 $0x1000, s0;
	s8 =	sadd.s32 $0xFFFFFF80, s14;
	v4 =	vperm.xlane v2, v0;
	v5 =	vperm.xlane v3, v0  }
0x2b: {  	s8 =	sand.u32 $0x300, s8;
	s7 =	sor.u32 $0x4000, s7;
	v2 =	vperm.xlane v2, v1;
	v3 =	vperm.xlane v3, v1  }
0x2c: {  	s8 =	sor.u32 s8, s7;
	v4 =	vsel vm0, v4, v5  }
0x2d: {  	v2 =	vsel vm0, v2, v3;
	[tilespmem:s8+$0x0] =	vst v4  }
0x2e: {  	[tilespmem:s8+$0x10] =	vst v2  }
0x2f: {  	v2 =	vld [tilespmem:s31+$0xFFFFFF10]  }
0x30: {  	v3 =	vld [tilespmem:s30+$0xFFFFFF10];
	_ =	sdelay $0x4  }
0x31: {  	v58 =	vperm.xlane v2, v0;
	v59 =	vperm.xlane v3, v0  }
0x32: {  	v2 =	vperm.xlane v2, v1;
	v3 =	vperm.xlane v3, v1  }
0x33: {  	v4 =	vsel vm0, v58, v59  }
0x34: {  	v2 =	vsel vm0, v2, v3;
	[tilespmem:s8+$0x20] =	vst v4  }
0x35: {  	[tilespmem:s8+$0x30] =	vst v2  }
0x36: {  	v2 =	vld [tilespmem:s31+$0xFFFFFF20]  }
0x37: {  	v3 =	vld [tilespmem:s30+$0xFFFFFF20];
	_ =	sdelay $0x4  }
0x38: {  	v60 =	vperm.xlane v2, v0;
	v61 =	vperm.xlane v3, v0  }
0x39: {  	v2 =	vperm.xlane v2, v1;
	v3 =	vperm.xlane v3, v1  }
0x3a: {  	v4 =	vsel vm0, v60, v61  }
0x3b: {  	v2 =	vsel vm0, v2, v3;
	[tilespmem:s8+$0x40] =	vst v4  }
0x3c: {  	[tilespmem:s8+$0x50] =	vst v2  }
0x3d: {  	v2 =	vld [tilespmem:s31+$0xFFFFFF30]  }
0x3e: {  	v3 =	vld [tilespmem:s30+$0xFFFFFF30];
	_ =	sdelay $0x4  }
0x3f: {  	v62 =	vperm.xlane v2, v0;
	v63 =	vperm.xlane v3, v0  }
0x40: {  	v2 =	vperm.xlane v2, v1;
	v3 =	vperm.xlane v3, v1  }
0x41: {  	v4 =	vsel vm0, v62, v63  }
0x42: {  	v2 =	vsel vm0, v2, v3;
	[tilespmem:s8+$0x60] =	vst v4  }
0x43: {  	[tilespmem:s8+$0x70] =	vst v2  }
0x44: {  	v2 =	vld [tilespmem:s31+$0xFFFFFF40]  }
0x45: {  	v3 =	vld [tilespmem:s30+$0xFFFFFF40];
	_ =	sdelay $0x4  }
0x46: {  	v8 =	vperm.xlane v2, v0;
	v9 =	vperm.xlane v3, v0  }
0x47: {  	v2 =	vperm.xlane v2, v1;
	v3 =	vperm.xlane v3, v1  }
0x48: {  	v4 =	vsel vm0, v8, v9  }
0x49: {  	v2 =	vsel vm0, v2, v3;
	[tilespmem:s8+$0x400] =	vst v4  }
0x4a: {  	[tilespmem:s8+$0x410] =	vst v2  }
0x4b: {  	v2 =	vld [tilespmem:s31+$0xFFFFFF50]  }
0x4c: {  	v3 =	vld [tilespmem:s30+$0xFFFFFF50];
	_ =	sdelay $0x4  }
0x4d: {  	v10 =	vperm.xlane v2, v0;
	v11 =	vperm.xlane v3, v0  }
0x4e: {  	v2 =	vperm.xlane v2, v1;
	v3 =	vperm.xlane v3, v1  }
0x4f: {  	v4 =	vsel vm0, v10, v11  }
0x50: {  	v2 =	vsel vm0, v2, v3;
	[tilespmem:s8+$0x420] =	vst v4  }
0x51: {  	[tilespmem:s8+$0x430] =	vst v2  }
0x52: {  	v2 =	vld [tilespmem:s31+$0xFFFFFF60]  }
0x53: {  	v3 =	vld [tilespmem:s30+$0xFFFFFF60];
	_ =	sdelay $0x4  }
0x54: {  	v12 =	vperm.xlane v2, v0;
	v13 =	vperm.xlane v3, v0  }
0x55: {  	v2 =	vperm.xlane v2, v1;
	v3 =	vperm.xlane v3, v1  }
0x56: {  	v4 =	vsel vm0, v12, v13  }
0x57: {  	v2 =	vsel vm0, v2, v3;
	[tilespmem:s8+$0x440] =	vst v4  }
0x58: {  	[tilespmem:s8+$0x450] =	vst v2  }
0x59: {  	v2 =	vld [tilespmem:s31+$0xFFFFFF70]  }
0x5a: {  	v3 =	vld [tilespmem:s30+$0xFFFFFF70];
	_ =	sdelay $0x4  }
0x5b: {  	v14 =	vperm.xlane v2, v0;
	v15 =	vperm.xlane v3, v0  }
0x5c: {  	v2 =	vperm.xlane v2, v1;
	v3 =	vperm.xlane v3, v1  }
0x5d: {  	v4 =	vsel vm0, v14, v15  }
0x5e: {  	v2 =	vsel vm0, v2, v3;
	[tilespmem:s8+$0x460] =	vst v4  }
0x5f: {  	[tilespmem:s8+$0x470] =	vst v2  }
0x60: {  	v2 =	vld [tilespmem:s31+$0xFFFFFF80]  }
0x61: {  	v3 =	vld [tilespmem:s30+$0xFFFFFF80];
	_ =	sdelay $0x4  }
0x62: {  	v16 =	vperm.xlane v2, v0;
	v17 =	vperm.xlane v3, v0  }
0x63: {  	v2 =	vperm.xlane v2, v1;
	v3 =	vperm.xlane v3, v1  }
0x64: {  	v4 =	vsel vm0, v16, v17  }
0x65: {  	v2 =	vsel vm0, v2, v3;
	[tilespmem:s8+$0x800] =	vst v4  }
0x66: {  	[tilespmem:s8+$0x810] =	vst v2  }
0x67: {  	v2 =	vld [tilespmem:s31+$0xFFFFFF90]  }
0x68: {  	v3 =	vld [tilespmem:s30+$0xFFFFFF90];
	_ =	sdelay $0x4  }
0x69: {  	v18 =	vperm.xlane v2, v0;
	v19 =	vperm.xlane v3, v0  }
0x6a: {  	v2 =	vperm.xlane v2, v1;
	v3 =	vperm.xlane v3, v1  }
0x6b: {  	v4 =	vsel vm0, v18, v19  }
0x6c: {  	v2 =	vsel vm0, v2, v3;
	[tilespmem:s8+$0x820] =	vst v4  }
0x6d: {  	[tilespmem:s8+$0x830] =	vst v2  }
0x6e: {  	v2 =	vld [tilespmem:s31+$0xFFFFFFA0]  }
0x6f: {  	v3 =	vld [tilespmem:s30+$0xFFFFFFA0];
	_ =	sdelay $0x4  }
0x70: {  	v20 =	vperm.xlane v2, v0;
	v21 =	vperm.xlane v3, v0  }
0x71: {  	v2 =	vperm.xlane v2, v1;
	v3 =	vperm.xlane v3, v1  }
0x72: {  	v4 =	vsel vm0, v20, v21  }
0x73: {  	v2 =	vsel vm0, v2, v3;
	[tilespmem:s8+$0x840] =	vst v4  }
0x74: {  	[tilespmem:s8+$0x850] =	vst v2  }
0x75: {  	v2 =	vld [tilespmem:s31+$0xFFFFFFB0]  }
0x76: {  	v3 =	vld [tilespmem:s30+$0xFFFFFFB0];
	_ =	sdelay $0x4  }
0x77: {  	v22 =	vperm.xlane v2, v0;
	v23 =	vperm.xlane v3, v0  }
0x78: {  	v2 =	vperm.xlane v2, v1;
	v3 =	vperm.xlane v3, v1  }
0x79: {  	v4 =	vsel vm0, v22, v23  }
0x7a: {  	v2 =	vsel vm0, v2, v3;
	[tilespmem:s8+$0x860] =	vst v4  }
0x7b: {  	[tilespmem:s8+$0x870] =	vst v2  }
0x7c: {  	v2 =	vld [tilespmem:s31+$0xFFFFFFC0]  }
0x7d: {  	v3 =	vld [tilespmem:s30+$0xFFFFFFC0];
	_ =	sdelay $0x3  }
0x7e: {  	s9 =	sand.u32 $0x3, s29  }
0x7f: {  	s8 =	sshll.u32 s9, $0x8;
	v24 =	vperm.xlane v2, v0;
	v25 =	vperm.xlane v3, v0  }
0x80: {  	s8 =	sadd.s32 s8, s0;
	v2 =	vperm.xlane v2, v1;
	v3 =	vperm.xlane v3, v1  }
0x81: {  	s9 =	sor.u32 $0xC00, s8;
	v4 =	vsel vm0, v24, v25  }
0x82: {  	s10 =	sor.u32 $0xC10, s8;
	v2 =	vsel vm0, v2, v3;
	[tilespmem:s9+$0x4000] =	vst v4  }
0x83: {  	[tilespmem:s10+$0x4000] =	vst v2  }
0x84: {  	v2 =	vld [tilespmem:s31+$0xFFFFFFD0]  }
0x85: {  	v3 =	vld [tilespmem:s30+$0xFFFFFFD0];
	_ =	sdelay $0x4  }
0x86: {  	v26 =	vperm.xlane v2, v0;
	v27 =	vperm.xlane v3, v0  }
0x87: {  	v2 =	vperm.xlane v2, v1;
	v3 =	vperm.xlane v3, v1  }
0x88: {  	s10 =	sor.u32 $0xC20, s8;
	v4 =	vsel vm0, v26, v27  }
0x89: {  	v2 =	vsel vm0, v2, v3;
	[tilespmem:s10+$0x4000] =	vst v4;
	s10 =	sor.u32 $0xC30, s8  }
0x8a: {  	[tilespmem:s10+$0x4000] =	vst v2  }
0x8b: {  	v2 =	vld [tilespmem:s31+$0xFFFFFFE0]  }
0x8c: {  	v3 =	vld [tilespmem:s30+$0xFFFFFFE0];
	_ =	sdelay $0x4  }
0x8d: {  	v28 =	vperm.xlane v2, v0;
	v29 =	vperm.xlane v3, v0  }
0x8e: {  	v2 =	vperm.xlane v2, v1;
	v3 =	vperm.xlane v3, v1  }
0x8f: {  	s10 =	sor.u32 $0xC40, s8;
	v4 =	vsel vm0, v28, v29  }
0x90: {  	v2 =	vsel vm0, v2, v3;
	[tilespmem:s10+$0x4000] =	vst v4;
	s10 =	sor.u32 $0xC50, s8  }
0x91: {  	[tilespmem:s10+$0x4000] =	vst v2  }
0x92: {  	v2 =	vld [tilespmem:s31+$0xFFFFFFF0]  }
0x93: {  	v3 =	vld [tilespmem:s30+$0xFFFFFFF0];
	_ =	sdelay $0x4  }
0x94: {  	v30 =	vperm.xlane v2, v0;
	v31 =	vperm.xlane v3, v0  }
0x95: {  	v2 =	vperm.xlane v2, v1;
	v3 =	vperm.xlane v3, v1  }
0x96: {  	s10 =	sor.u32 $0xC60, s8;
	v4 =	vsel vm0, v30, v31  }
0x97: {  	s8 =	sor.u32 $0xC70, s8;
	v2 =	vsel vm0, v2, v3;
	[tilespmem:s10+$0x4000] =	vst v4  }
0x98: {  	[tilespmem:s8+$0x4000] =	vst v2  }
0x99: {  	v2 =	vld [tilespmem:s31+$0x0]  }
0x9a: {  	v3 =	vld [tilespmem:s30+$0x0];
	_ =	sdelay $0x4  }
0x9b: {  	v32 =	vperm.xlane v2, v0;
	v33 =	vperm.xlane v3, v0  }
0x9c: {  	s10 =	sand.u32 $0x380, s14;
	v2 =	vperm.xlane v2, v1;
	v3 =	vperm.xlane v3, v1  }
0x9d: {  	s7 =	sor.u32 s10, s7;
	v4 =	vsel vm0, v33, v32  }
0x9e: {  	v2 =	vsel vm0, v3, v2;
	[tilespmem:s7+$0x0] =	vst v4  }
0x9f: {  	[tilespmem:s7+$0x10] =	vst v2  }
0xa0: {  	v2 =	vld [tilespmem:s31+$0x10]  }
0xa1: {  	v3 =	vld [tilespmem:s30+$0x10];
	_ =	sdelay $0x4  }
0xa2: {  	v34 =	vperm.xlane v2, v0;
	v35 =	vperm.xlane v3, v0  }
0xa3: {  	v2 =	vperm.xlane v2, v1;
	v3 =	vperm.xlane v3, v1  }
0xa4: {  	v4 =	vsel vm0, v35, v34  }
0xa5: {  	v2 =	vsel vm0, v3, v2;
	[tilespmem:s7+$0x20] =	vst v4  }
0xa6: {  	[tilespmem:s7+$0x30] =	vst v2  }
0xa7: {  	v2 =	vld [tilespmem:s31+$0x20]  }
0xa8: {  	v3 =	vld [tilespmem:s30+$0x20];
	_ =	sdelay $0x4  }
0xa9: {  	v36 =	vperm.xlane v2, v0;
	v37 =	vperm.xlane v3, v0  }
0xaa: {  	v2 =	vperm.xlane v2, v1;
	v3 =	vperm.xlane v3, v1  }
0xab: {  	v4 =	vsel vm0, v37, v36  }
0xac: {  	v2 =	vsel vm0, v3, v2;
	[tilespmem:s7+$0x40] =	vst v4  }
0xad: {  	[tilespmem:s7+$0x50] =	vst v2  }
0xae: {  	v2 =	vld [tilespmem:s31+$0x30]  }
0xaf: {  	v3 =	vld [tilespmem:s30+$0x30];
	_ =	sdelay $0x4  }
0xb0: {  	v38 =	vperm.xlane v2, v0;
	v39 =	vperm.xlane v3, v0  }
0xb1: {  	v2 =	vperm.xlane v2, v1;
	v3 =	vperm.xlane v3, v1  }
0xb2: {  	v4 =	vsel vm0, v39, v38  }
0xb3: {  	v2 =	vsel vm0, v3, v2;
	[tilespmem:s7+$0x60] =	vst v4  }
0xb4: {  	[tilespmem:s7+$0x70] =	vst v2  }
0xb5: {  	v2 =	vld [tilespmem:s31+$0x40]  }
0xb6: {  	v3 =	vld [tilespmem:s30+$0x40];
	_ =	sdelay $0x4  }
0xb7: {  	v40 =	vperm.xlane v2, v0;
	v41 =	vperm.xlane v3, v0  }
0xb8: {  	v2 =	vperm.xlane v2, v1;
	v3 =	vperm.xlane v3, v1  }
0xb9: {  	v4 =	vsel vm0, v41, v40  }
0xba: {  	v2 =	vsel vm0, v3, v2;
	[tilespmem:s7+$0x400] =	vst v4  }
0xbb: {  	[tilespmem:s7+$0x410] =	vst v2  }
0xbc: {  	v2 =	vld [tilespmem:s31+$0x50]  }
0xbd: {  	v3 =	vld [tilespmem:s30+$0x50];
	_ =	sdelay $0x4  }
0xbe: {  	v42 =	vperm.xlane v2, v0;
	v43 =	vperm.xlane v3, v0  }
0xbf: {  	v2 =	vperm.xlane v2, v1;
	v3 =	vperm.xlane v3, v1  }
0xc0: {  	v4 =	vsel vm0, v43, v42  }
0xc1: {  	v2 =	vsel vm0, v3, v2;
	[tilespmem:s7+$0x420] =	vst v4  }
0xc2: {  	[tilespmem:s7+$0x430] =	vst v2  }
0xc3: {  	v2 =	vld [tilespmem:s31+$0x60]  }
0xc4: {  	v3 =	vld [tilespmem:s30+$0x60];
	_ =	sdelay $0x4  }
0xc5: {  	v44 =	vperm.xlane v2, v0;
	v45 =	vperm.xlane v3, v0  }
0xc6: {  	v2 =	vperm.xlane v2, v1;
	v3 =	vperm.xlane v3, v1  }
0xc7: {  	v4 =	vsel vm0, v45, v44  }
0xc8: {  	v2 =	vsel vm0, v3, v2;
	[tilespmem:s7+$0x440] =	vst v4  }
0xc9: {  	[tilespmem:s7+$0x450] =	vst v2  }
0xca: {  	v2 =	vld [tilespmem:s31+$0x70]  }
0xcb: {  	v3 =	vld [tilespmem:s30+$0x70];
	_ =	sdelay $0x4  }
0xcc: {  	v46 =	vperm.xlane v2, v0;
	v47 =	vperm.xlane v3, v0  }
0xcd: {  	v2 =	vperm.xlane v2, v1;
	v3 =	vperm.xlane v3, v1  }
0xce: {  	v4 =	vsel vm0, v47, v46  }
0xcf: {  	v2 =	vsel vm0, v3, v2;
	[tilespmem:s7+$0x460] =	vst v4  }
0xd0: {  	[tilespmem:s7+$0x470] =	vst v2  }
0xd1: {  	v2 =	vld [tilespmem:s31+$0x80]  }
0xd2: {  	v3 =	vld [tilespmem:s30+$0x80];
	_ =	sdelay $0x4  }
0xd3: {  	v48 =	vperm.xlane v2, v0;
	v49 =	vperm.xlane v3, v0  }
0xd4: {  	v2 =	vperm.xlane v2, v1;
	v3 =	vperm.xlane v3, v1  }
0xd5: {  	v4 =	vsel vm0, v49, v48  }
0xd6: {  	v2 =	vsel vm0, v3, v2;
	[tilespmem:s7+$0x800] =	vst v4  }
0xd7: {  	[tilespmem:s7+$0x810] =	vst v2  }
0xd8: {  	v2 =	vld [tilespmem:s31+$0x90]  }
0xd9: {  	v3 =	vld [tilespmem:s30+$0x90];
	_ =	sdelay $0x4  }
0xda: {  	v50 =	vperm.xlane v2, v0;
	v51 =	vperm.xlane v3, v0  }
0xdb: {  	v2 =	vperm.xlane v2, v1;
	v3 =	vperm.xlane v3, v1  }
0xdc: {  	v4 =	vsel vm0, v51, v50  }
0xdd: {  	v2 =	vsel vm0, v3, v2;
	[tilespmem:s7+$0x820] =	vst v4  }
0xde: {  	[tilespmem:s7+$0x830] =	vst v2  }
0xdf: {  	v2 =	vld [tilespmem:s31+$0xA0]  }
0xe0: {  	v3 =	vld [tilespmem:s30+$0xA0];
	_ =	sdelay $0x4  }
0xe1: {  	v52 =	vperm.xlane v2, v0;
	v53 =	vperm.xlane v3, v0  }
0xe2: {  	v2 =	vperm.xlane v2, v1;
	v3 =	vperm.xlane v3, v1  }
0xe3: {  	v4 =	vsel vm0, v53, v52  }
0xe4: {  	v2 =	vsel vm0, v3, v2;
	[tilespmem:s7+$0x840] =	vst v4  }
0xe5: {  	[tilespmem:s7+$0x850] =	vst v2  }
0xe6: {  	v2 =	vld [tilespmem:s31+$0xB0]  }
0xe7: {  	v3 =	vld [tilespmem:s30+$0xB0];
	_ =	sdelay $0x4  }
0xe8: {  	v54 =	vperm.xlane v2, v0;
	v55 =	vperm.xlane v3, v0  }
0xe9: {  	v2 =	vperm.xlane v2, v1;
	v3 =	vperm.xlane v3, v1  }
0xea: {  	v4 =	vsel vm0, v55, v54  }
0xeb: {  	v2 =	vsel vm0, v3, v2;
	[tilespmem:s7+$0x860] =	vst v4  }
0xec: {  	[tilespmem:s7+$0x870] =	vst v2  }
0xed: {  	v2 =	vld [tilespmem:s31+$0xC0]  }
0xee: {  	v3 =	vld [tilespmem:s30+$0xC0];
	_ =	sdelay $0x3  }
0xef: {  	s9 =	sand.u32 $0x7, s4  }
0xf0: {  	s7 =	sshll.u32 s9, $0x7;
	v56 =	vperm.xlane v2, v0;
	v57 =	vperm.xlane v3, v0  }
0xf1: {  	s7 =	sadd.s32 s7, s28;
	v2 =	vperm.xlane v2, v1;
	v3 =	vperm.xlane v3, v1  }
0xf2: {  	s10 =	sor.u32 $0xC00, s7;
	v4 =	vsel vm0, v57, v56  }
0xf3: {  	s9 =	sor.u32 $0xC10, s7;
	v2 =	vsel vm0, v3, v2;
	[tilespmem:s10+$0x4000] =	vst v4  }
0xf4: {  	[tilespmem:s9+$0x4000] =	vst v2  }
0xf5: {  	v2 =	vld [tilespmem:s31+$0xD0]  }
0xf6: {  	v3 =	vld [tilespmem:s30+$0xD0];
	_ =	sdelay $0x4  }
0xf7: {  	v58 =	vperm.xlane v2, v0;
	v59 =	vperm.xlane v3, v0  }
0xf8: {  	v2 =	vperm.xlane v2, v1;
	v3 =	vperm.xlane v3, v1  }
0xf9: {  	s10 =	sor.u32 $0xC20, s7;
	v4 =	vsel vm0, v59, v58  }
0xfa: {  	s9 =	sor.u32 $0xC30, s7;
	v2 =	vsel vm0, v3, v2;
	[tilespmem:s10+$0x4000] =	vst v4  }
0xfb: {  	[tilespmem:s9+$0x4000] =	vst v2  }
0xfc: {  	v2 =	vld [tilespmem:s31+$0xE0]  }
0xfd: {  	v3 =	vld [tilespmem:s30+$0xE0];
	_ =	sdelay $0x4  }
0xfe: {  	v60 =	vperm.xlane v2, v0;
	v61 =	vperm.xlane v3, v0  }
0xff: {  	v2 =	vperm.xlane v2, v1;
	v3 =	vperm.xlane v3, v1  }
0x100: {  	s10 =	sor.u32 $0xC40, s7;
	v4 =	vsel vm0, v61, v60  }
0x101: {  	s9 =	sor.u32 $0xC50, s7;
	v2 =	vsel vm0, v3, v2;
	[tilespmem:s10+$0x4000] =	vst v4  }
0x102: {  	[tilespmem:s9+$0x4000] =	vst v2  }
0x103: {  	v2 =	vld [tilespmem:s31+$0xF0]  }
0x104: {  	v3 =	vld [tilespmem:s30+$0xF0];
	_ =	sdelay $0x3  }
0x105: {  	p1 =	sne.s32 s14, $0x780  }
.Ltmp2:
0x106: {  	v62 =	vperm.xlane v2, v0;
	v63 =	vperm.xlane v3, v0;
	(pc) =	sbr.rel @p1 .LBB2_3-.Ltmp2, $4  }
0x107: {  	v2 =	vperm.xlane v2, v1;
	v3 =	vperm.xlane v3, v1  }
0x108: {  	s29 =	sadd.s32 $0x1, s29;
	s0 =	sadd.s32 $0x400, s0;
	s10 =	sor.u32 $0xC60, s7;
	v4 =	vsel vm0, v63, v62  }
0x109: {  	s4 =	sadd.s32 $0x2, s4;
	s14 =	sadd.s32 $0x100, s14;
	s7 =	sor.u32 $0xC70, s7;
	v2 =	vsel vm0, v3, v2;
	[tilespmem:s10+$0x4000] =	vst v4  }
0x10a: {  	s28 =	sadd.s32 $0x400, s28;
	s30 =	sadd.s32 $0x200, s30;
	s31 =	sadd.s32 $0x200, s31;
	[tilespmem:s7+$0x4000] =	vst v2  }
0x10b: {  	s0 =	sshll.u32 s24, $0xB  }
0x10c: {  	s28 =	sand.u32 $0x7800, s0  }
0x10d: {  	s26 =	sshll.u32 s26, $0xF;
	s0 =	sadd.s32 s3, s28  }
0x10e: {  	p1 =	seq.s32 s24, $0x3F;
	s0 =	sadd.s32 s26, s0  }
0x10f: {  	[hbm4b:s0+s5] =	stream.linear.scatter [tilespmem:s18], [sflag:$0x3], $0x2000, $0x38;
	[tilespmem:$0x8000] =	vst v63  }
0x110: {  	s0 =	sadd.s32 @!p1 $0x2, s25  }
0x111: {  	s4 =	sshrl.u32 @!p1 s0, $0x5  }
0x112: {  	s4 =	sadd.s32 @!p1 s6, s4  }
0x113: {  	s0 =	sshll.u32 @!p1 s0, $0xC;
	s7 =	sshll.u32 @!p1 s4, $0xE  }
0x114: {  	s0 =	sand.u32 @!p1 $0x1E000, s0;
	s4 =	sshll.u32 @!p1 s4, $0x4;
	s7 =	sand.u32 @!p1 $0xFFE0000, s7  }
0x115: {  	s4 =	sand.u32 @!p1 $0x70, s4;
	s0 =	sor.u32 @!p1 s0, s7  }
0x116: {  	s8 =	simm.s32 @!p1 $0x400;
	s0 =	sor.u32 @!p1 s4, s0  }
0x117: {  	s9 =	simm.s32 @!p1 $0x0;
	s7 =	simm.s32 @!p1 $0x80;
	s4 =	sadd.s32 @!p1 s1, s0  }
0x118: {  	[tilespmem:s9], [sflag:$0x1] =	stream.strided.gather @!p1 [hbm4b:s4+s7], $0x1000, s8, s7, $0x38;
	[tilespmem:$0x8000] =	vst v63  }
0x119: {  	s0 =	sadd.s32 @!p1 s2, s0;
	s4 =	simm.s32 @!p1 $0x2000  }
0x11a: {  	[tilespmem:s4], [sflag:$0x1] =	stream.strided.gather @!p1 [hbm4b:s0+s7], $0x1000, s8, s7, $0x38;
	[tilespmem:$0x8000] =	vst v63  }
0x11b: {  	_ =	swait.ge [sflag:s19], $0x1000  }
0x11c: {  	[sflag:s19] =	ssyncset.done $0x0  }
0x11d: {  	[sflag:s19] =	ssyncadd.s32 $0xFFFFF000  }
0x11e: {  	_ =	swait.ge [sflag:s19], $0x1000  }
0x11f: {  	[sflag:s19] =	ssyncset.done $0x0  }
0x120: {  	s29 =	simm.s32 $0x80;
	s0 =	simm.s32 @!p0 $0x4;
	[sflag:s19] =	ssyncadd.s32 $0xFFFFF000  }
0x121: {  	s30 =	simm.s32 $0x0;
	s31 =	simm.s32 $0x3100;
	_ =	swait.ge @!p0 [sflag:s0], $0x2000  }
0x122: {  	s14 =	simm.s32 $0x0;
	s4 =	simm.s32 $0x0;
	[sflag:s0] =	ssyncset.done @!p0 $0x0  }
0x123: {  	s7 =	simm.s32 $0x80;
	[sflag:s0] =	ssyncadd.s32 @!p0 $0xFFFFE000;
	s0 =	simm.s32 $0x1100  }
.LBB2_5:
0x124: {  	v2 =	vld [tilespmem:s0+$0xFFFFFF00]  }
0x125: {  	v3 =	vld [tilespmem:s31+$0xFFFFFF00];
	_ =	sdelay $0x4  }
0x126: {  	s8 =	sand.u32 $0x1000, s4;
	s9 =	sadd.s32 $0xFFFFFF80, s7;
	v4 =	vperm.xlane v2, v0;
	v5 =	vperm.xlane v3, v0  }
0x127: {  	s9 =	sand.u32 $0x300, s9;
	s8 =	sor.u32 $0x6000, s8;
	v2 =	vperm.xlane v2, v1;
	v3 =	vperm.xlane v3, v1  }
0x128: {  	s9 =	sor.u32 s9, s8;
	v4 =	vsel vm0, v4, v5  }
0x129: {  	v2 =	vsel vm0, v2, v3;
	[tilespmem:s9+$0x0] =	vst v4  }
0x12a: {  	[tilespmem:s9+$0x10] =	vst v2  }
0x12b: {  	v2 =	vld [tilespmem:s0+$0xFFFFFF10]  }
0x12c: {  	v3 =	vld [tilespmem:s31+$0xFFFFFF10];
	_ =	sdelay $0x4  }
0x12d: {  	v58 =	vperm.xlane v2, v0;
	v59 =	vperm.xlane v3, v0  }
0x12e: {  	v2 =	vperm.xlane v2, v1;
	v3 =	vperm.xlane v3, v1  }
0x12f: {  	v4 =	vsel vm0, v58, v59  }
0x130: {  	v2 =	vsel vm0, v2, v3;
	[tilespmem:s9+$0x20] =	vst v4  }
0x131: {  	[tilespmem:s9+$0x30] =	vst v2  }
0x132: {  	v2 =	vld [tilespmem:s0+$0xFFFFFF20]  }
0x133: {  	v3 =	vld [tilespmem:s31+$0xFFFFFF20];
	_ =	sdelay $0x4  }
0x134: {  	v60 =	vperm.xlane v2, v0;
	v61 =	vperm.xlane v3, v0  }
0x135: {  	v2 =	vperm.xlane v2, v1;
	v3 =	vperm.xlane v3, v1  }
0x136: {  	v4 =	vsel vm0, v60, v61  }
0x137: {  	v2 =	vsel vm0, v2, v3;
	[tilespmem:s9+$0x40] =	vst v4  }
0x138: {  	[tilespmem:s9+$0x50] =	vst v2  }
0x139: {  	v2 =	vld [tilespmem:s0+$0xFFFFFF30]  }
0x13a: {  	v3 =	vld [tilespmem:s31+$0xFFFFFF30];
	_ =	sdelay $0x4  }
0x13b: {  	v62 =	vperm.xlane v2, v0;
	v63 =	vperm.xlane v3, v0  }
0x13c: {  	v2 =	vperm.xlane v2, v1;
	v3 =	vperm.xlane v3, v1  }
0x13d: {  	v4 =	vsel vm0, v62, v63  }
0x13e: {  	v2 =	vsel vm0, v2, v3;
	[tilespmem:s9+$0x60] =	vst v4  }
0x13f: {  	[tilespmem:s9+$0x70] =	vst v2  }
0x140: {  	v2 =	vld [tilespmem:s0+$0xFFFFFF40]  }
0x141: {  	v3 =	vld [tilespmem:s31+$0xFFFFFF40];
	_ =	sdelay $0x4  }
0x142: {  	v8 =	vperm.xlane v2, v0;
	v9 =	vperm.xlane v3, v0  }
0x143: {  	v2 =	vperm.xlane v2, v1;
	v3 =	vperm.xlane v3, v1  }
0x144: {  	v4 =	vsel vm0, v8, v9  }
0x145: {  	v2 =	vsel vm0, v2, v3;
	[tilespmem:s9+$0x400] =	vst v4  }
0x146: {  	[tilespmem:s9+$0x410] =	vst v2  }
0x147: {  	v2 =	vld [tilespmem:s0+$0xFFFFFF50]  }
0x148: {  	v3 =	vld [tilespmem:s31+$0xFFFFFF50];
	_ =	sdelay $0x4  }
0x149: {  	v10 =	vperm.xlane v2, v0;
	v11 =	vperm.xlane v3, v0  }
0x14a: {  	v2 =	vperm.xlane v2, v1;
	v3 =	vperm.xlane v3, v1  }
0x14b: {  	v4 =	vsel vm0, v10, v11  }
0x14c: {  	v2 =	vsel vm0, v2, v3;
	[tilespmem:s9+$0x420] =	vst v4  }
0x14d: {  	[tilespmem:s9+$0x430] =	vst v2  }
0x14e: {  	v2 =	vld [tilespmem:s0+$0xFFFFFF60]  }
0x14f: {  	v3 =	vld [tilespmem:s31+$0xFFFFFF60];
	_ =	sdelay $0x4  }
0x150: {  	v12 =	vperm.xlane v2, v0;
	v13 =	vperm.xlane v3, v0  }
0x151: {  	v2 =	vperm.xlane v2, v1;
	v3 =	vperm.xlane v3, v1  }
0x152: {  	v4 =	vsel vm0, v12, v13  }
0x153: {  	v2 =	vsel vm0, v2, v3;
	[tilespmem:s9+$0x440] =	vst v4  }
0x154: {  	[tilespmem:s9+$0x450] =	vst v2  }
0x155: {  	v2 =	vld [tilespmem:s0+$0xFFFFFF70]  }
0x156: {  	v3 =	vld [tilespmem:s31+$0xFFFFFF70];
	_ =	sdelay $0x4  }
0x157: {  	v14 =	vperm.xlane v2, v0;
	v15 =	vperm.xlane v3, v0  }
0x158: {  	v2 =	vperm.xlane v2, v1;
	v3 =	vperm.xlane v3, v1  }
0x159: {  	v4 =	vsel vm0, v14, v15  }
0x15a: {  	v2 =	vsel vm0, v2, v3;
	[tilespmem:s9+$0x460] =	vst v4  }
0x15b: {  	[tilespmem:s9+$0x470] =	vst v2  }
0x15c: {  	v2 =	vld [tilespmem:s0+$0xFFFFFF80]  }
0x15d: {  	v3 =	vld [tilespmem:s31+$0xFFFFFF80];
	_ =	sdelay $0x4  }
0x15e: {  	v16 =	vperm.xlane v2, v0;
	v17 =	vperm.xlane v3, v0  }
0x15f: {  	v2 =	vperm.xlane v2, v1;
	v3 =	vperm.xlane v3, v1  }
0x160: {  	v4 =	vsel vm0, v16, v17  }
0x161: {  	v2 =	vsel vm0, v2, v3;
	[tilespmem:s9+$0x800] =	vst v4  }
0x162: {  	[tilespmem:s9+$0x810] =	vst v2  }
0x163: {  	v2 =	vld [tilespmem:s0+$0xFFFFFF90]  }
0x164: {  	v3 =	vld [tilespmem:s31+$0xFFFFFF90];
	_ =	sdelay $0x4  }
0x165: {  	v18 =	vperm.xlane v2, v0;
	v19 =	vperm.xlane v3, v0  }
0x166: {  	v2 =	vperm.xlane v2, v1;
	v3 =	vperm.xlane v3, v1  }
0x167: {  	v4 =	vsel vm0, v18, v19  }
0x168: {  	v2 =	vsel vm0, v2, v3;
	[tilespmem:s9+$0x820] =	vst v4  }
0x169: {  	[tilespmem:s9+$0x830] =	vst v2  }
0x16a: {  	v2 =	vld [tilespmem:s0+$0xFFFFFFA0]  }
0x16b: {  	v3 =	vld [tilespmem:s31+$0xFFFFFFA0];
	_ =	sdelay $0x4  }
0x16c: {  	v20 =	vperm.xlane v2, v0;
	v21 =	vperm.xlane v3, v0  }
0x16d: {  	v2 =	vperm.xlane v2, v1;
	v3 =	vperm.xlane v3, v1  }
0x16e: {  	v4 =	vsel vm0, v20, v21  }
0x16f: {  	v2 =	vsel vm0, v2, v3;
	[tilespmem:s9+$0x840] =	vst v4  }
0x170: {  	[tilespmem:s9+$0x850] =	vst v2  }
0x171: {  	v2 =	vld [tilespmem:s0+$0xFFFFFFB0]  }
0x172: {  	v3 =	vld [tilespmem:s31+$0xFFFFFFB0];
	_ =	sdelay $0x4  }
0x173: {  	v22 =	vperm.xlane v2, v0;
	v23 =	vperm.xlane v3, v0  }
0x174: {  	v2 =	vperm.xlane v2, v1;
	v3 =	vperm.xlane v3, v1  }
0x175: {  	v4 =	vsel vm0, v22, v23  }
0x176: {  	v2 =	vsel vm0, v2, v3;
	[tilespmem:s9+$0x860] =	vst v4  }
0x177: {  	[tilespmem:s9+$0x870] =	vst v2  }
0x178: {  	v2 =	vld [tilespmem:s0+$0xFFFFFFC0]  }
0x179: {  	v3 =	vld [tilespmem:s31+$0xFFFFFFC0];
	_ =	sdelay $0x3  }
0x17a: {  	s10 =	sand.u32 $0x3, s30  }
0x17b: {  	s9 =	sshll.u32 s10, $0x8;
	v24 =	vperm.xlane v2, v0;
	v25 =	vperm.xlane v3, v0  }
0x17c: {  	s9 =	sadd.s32 s9, s4;
	v2 =	vperm.xlane v2, v1;
	v3 =	vperm.xlane v3, v1  }
0x17d: {  	s10 =	sor.u32 $0xC00, s9;
	v4 =	vsel vm0, v24, v25  }
0x17e: {  	v2 =	vsel vm0, v2, v3;
	[tilespmem:s10+$0x6000] =	vst v4;
	s10 =	sor.u32 $0xC10, s9  }
0x17f: {  	[tilespmem:s10+$0x6000] =	vst v2  }
0x180: {  	v2 =	vld [tilespmem:s0+$0xFFFFFFD0]  }
0x181: {  	v3 =	vld [tilespmem:s31+$0xFFFFFFD0];
	_ =	sdelay $0x4  }
0x182: {  	v26 =	vperm.xlane v2, v0;
	v27 =	vperm.xlane v3, v0  }
0x183: {  	v2 =	vperm.xlane v2, v1;
	v3 =	vperm.xlane v3, v1  }
0x184: {  	s10 =	sor.u32 $0xC20, s9;
	v4 =	vsel vm0, v26, v27  }
0x185: {  	v2 =	vsel vm0, v2, v3;
	[tilespmem:s10+$0x6000] =	vst v4;
	s10 =	sor.u32 $0xC30, s9  }
0x186: {  	[tilespmem:s10+$0x6000] =	vst v2  }
0x187: {  	v2 =	vld [tilespmem:s0+$0xFFFFFFE0]  }
0x188: {  	v3 =	vld [tilespmem:s31+$0xFFFFFFE0];
	_ =	sdelay $0x4  }
0x189: {  	v28 =	vperm.xlane v2, v0;
	v29 =	vperm.xlane v3, v0  }
0x18a: {  	v2 =	vperm.xlane v2, v1;
	v3 =	vperm.xlane v3, v1  }
0x18b: {  	s10 =	sor.u32 $0xC40, s9;
	v4 =	vsel vm0, v28, v29  }
0x18c: {  	v2 =	vsel vm0, v2, v3;
	[tilespmem:s10+$0x6000] =	vst v4;
	s10 =	sor.u32 $0xC50, s9  }
0x18d: {  	[tilespmem:s10+$0x6000] =	vst v2  }
0x18e: {  	v2 =	vld [tilespmem:s0+$0xFFFFFFF0]  }
0x18f: {  	v3 =	vld [tilespmem:s31+$0xFFFFFFF0];
	_ =	sdelay $0x4  }
0x190: {  	v30 =	vperm.xlane v2, v0;
	v31 =	vperm.xlane v3, v0  }
0x191: {  	v2 =	vperm.xlane v2, v1;
	v3 =	vperm.xlane v3, v1  }
0x192: {  	s10 =	sor.u32 $0xC60, s9;
	v4 =	vsel vm0, v30, v31  }
0x193: {  	s9 =	sor.u32 $0xC70, s9;
	v2 =	vsel vm0, v2, v3;
	[tilespmem:s10+$0x6000] =	vst v4  }
0x194: {  	[tilespmem:s9+$0x6000] =	vst v2  }
0x195: {  	v2 =	vld [tilespmem:s0+$0x0]  }
0x196: {  	v3 =	vld [tilespmem:s31+$0x0];
	_ =	sdelay $0x4  }
0x197: {  	v32 =	vperm.xlane v2, v0;
	v33 =	vperm.xlane v3, v0  }
0x198: {  	s10 =	sand.u32 $0x380, s7;
	v2 =	vperm.xlane v2, v1;
	v3 =	vperm.xlane v3, v1  }
0x199: {  	s8 =	sor.u32 s10, s8;
	v4 =	vsel vm0, v33, v32  }
0x19a: {  	v2 =	vsel vm0, v3, v2;
	[tilespmem:s8+$0x0] =	vst v4  }
0x19b: {  	[tilespmem:s8+$0x10] =	vst v2  }
0x19c: {  	v2 =	vld [tilespmem:s0+$0x10]  }
0x19d: {  	v3 =	vld [tilespmem:s31+$0x10];
	_ =	sdelay $0x4  }
0x19e: {  	v34 =	vperm.xlane v2, v0;
	v35 =	vperm.xlane v3, v0  }
0x19f: {  	v2 =	vperm.xlane v2, v1;
	v3 =	vperm.xlane v3, v1  }
0x1a0: {  	v4 =	vsel vm0, v35, v34  }
0x1a1: {  	v2 =	vsel vm0, v3, v2;
	[tilespmem:s8+$0x20] =	vst v4  }
0x1a2: {  	[tilespmem:s8+$0x30] =	vst v2  }
0x1a3: {  	v2 =	vld [tilespmem:s0+$0x20]  }
0x1a4: {  	v3 =	vld [tilespmem:s31+$0x20];
	_ =	sdelay $0x4  }
0x1a5: {  	v36 =	vperm.xlane v2, v0;
	v37 =	vperm.xlane v3, v0  }
0x1a6: {  	v2 =	vperm.xlane v2, v1;
	v3 =	vperm.xlane v3, v1  }
0x1a7: {  	v4 =	vsel vm0, v37, v36  }
0x1a8: {  	v2 =	vsel vm0, v3, v2;
	[tilespmem:s8+$0x40] =	vst v4  }
0x1a9: {  	[tilespmem:s8+$0x50] =	vst v2  }
0x1aa: {  	v2 =	vld [tilespmem:s0+$0x30]  }
0x1ab: {  	v3 =	vld [tilespmem:s31+$0x30];
	_ =	sdelay $0x4  }
0x1ac: {  	v38 =	vperm.xlane v2, v0;
	v39 =	vperm.xlane v3, v0  }
0x1ad: {  	v2 =	vperm.xlane v2, v1;
	v3 =	vperm.xlane v3, v1  }
0x1ae: {  	v4 =	vsel vm0, v39, v38  }
0x1af: {  	v2 =	vsel vm0, v3, v2;
	[tilespmem:s8+$0x60] =	vst v4  }
0x1b0: {  	[tilespmem:s8+$0x70] =	vst v2  }
0x1b1: {  	v2 =	vld [tilespmem:s0+$0x40]  }
0x1b2: {  	v3 =	vld [tilespmem:s31+$0x40];
	_ =	sdelay $0x4  }
0x1b3: {  	v40 =	vperm.xlane v2, v0;
	v41 =	vperm.xlane v3, v0  }
0x1b4: {  	v2 =	vperm.xlane v2, v1;
	v3 =	vperm.xlane v3, v1  }
0x1b5: {  	v4 =	vsel vm0, v41, v40  }
0x1b6: {  	v2 =	vsel vm0, v3, v2;
	[tilespmem:s8+$0x400] =	vst v4  }
0x1b7: {  	[tilespmem:s8+$0x410] =	vst v2  }
0x1b8: {  	v2 =	vld [tilespmem:s0+$0x50]  }
0x1b9: {  	v3 =	vld [tilespmem:s31+$0x50];
	_ =	sdelay $0x4  }
0x1ba: {  	v42 =	vperm.xlane v2, v0;
	v43 =	vperm.xlane v3, v0  }
0x1bb: {  	v2 =	vperm.xlane v2, v1;
	v3 =	vperm.xlane v3, v1  }
0x1bc: {  	v4 =	vsel vm0, v43, v42  }
0x1bd: {  	v2 =	vsel vm0, v3, v2;
	[tilespmem:s8+$0x420] =	vst v4  }
0x1be: {  	[tilespmem:s8+$0x430] =	vst v2  }
0x1bf: {  	v2 =	vld [tilespmem:s0+$0x60]  }
0x1c0: {  	v3 =	vld [tilespmem:s31+$0x60];
	_ =	sdelay $0x4  }
0x1c1: {  	v44 =	vperm.xlane v2, v0;
	v45 =	vperm.xlane v3, v0  }
0x1c2: {  	v2 =	vperm.xlane v2, v1;
	v3 =	vperm.xlane v3, v1  }
0x1c3: {  	v4 =	vsel vm0, v45, v44  }
0x1c4: {  	v2 =	vsel vm0, v3, v2;
	[tilespmem:s8+$0x440] =	vst v4  }
0x1c5: {  	[tilespmem:s8+$0x450] =	vst v2  }
0x1c6: {  	v2 =	vld [tilespmem:s0+$0x70]  }
0x1c7: {  	v3 =	vld [tilespmem:s31+$0x70];
	_ =	sdelay $0x4  }
0x1c8: {  	v46 =	vperm.xlane v2, v0;
	v47 =	vperm.xlane v3, v0  }
0x1c9: {  	v2 =	vperm.xlane v2, v1;
	v3 =	vperm.xlane v3, v1  }
0x1ca: {  	v4 =	vsel vm0, v47, v46  }
0x1cb: {  	v2 =	vsel vm0, v3, v2;
	[tilespmem:s8+$0x460] =	vst v4  }
0x1cc: {  	[tilespmem:s8+$0x470] =	vst v2  }
0x1cd: {  	v2 =	vld [tilespmem:s0+$0x80]  }
0x1ce: {  	v3 =	vld [tilespmem:s31+$0x80];
	_ =	sdelay $0x4  }
0x1cf: {  	v48 =	vperm.xlane v2, v0;
	v49 =	vperm.xlane v3, v0  }
0x1d0: {  	v2 =	vperm.xlane v2, v1;
	v3 =	vperm.xlane v3, v1  }
0x1d1: {  	v4 =	vsel vm0, v49, v48  }
0x1d2: {  	v2 =	vsel vm0, v3, v2;
	[tilespmem:s8+$0x800] =	vst v4  }
0x1d3: {  	[tilespmem:s8+$0x810] =	vst v2  }
0x1d4: {  	v2 =	vld [tilespmem:s0+$0x90]  }
0x1d5: {  	v3 =	vld [tilespmem:s31+$0x90];
	_ =	sdelay $0x4  }
0x1d6: {  	v50 =	vperm.xlane v2, v0;
	v51 =	vperm.xlane v3, v0  }
0x1d7: {  	v2 =	vperm.xlane v2, v1;
	v3 =	vperm.xlane v3, v1  }
0x1d8: {  	v4 =	vsel vm0, v51, v50  }
0x1d9: {  	v2 =	vsel vm0, v3, v2;
	[tilespmem:s8+$0x820] =	vst v4  }
0x1da: {  	[tilespmem:s8+$0x830] =	vst v2  }
0x1db: {  	v2 =	vld [tilespmem:s0+$0xA0]  }
0x1dc: {  	v3 =	vld [tilespmem:s31+$0xA0];
	_ =	sdelay $0x4  }
0x1dd: {  	v52 =	vperm.xlane v2, v0;
	v53 =	vperm.xlane v3, v0  }
0x1de: {  	v2 =	vperm.xlane v2, v1;
	v3 =	vperm.xlane v3, v1  }
0x1df: {  	v4 =	vsel vm0, v53, v52  }
0x1e0: {  	v2 =	vsel vm0, v3, v2;
	[tilespmem:s8+$0x840] =	vst v4  }
0x1e1: {  	[tilespmem:s8+$0x850] =	vst v2  }
0x1e2: {  	v2 =	vld [tilespmem:s0+$0xB0]  }
0x1e3: {  	v3 =	vld [tilespmem:s31+$0xB0];
	_ =	sdelay $0x4  }
0x1e4: {  	v54 =	vperm.xlane v2, v0;
	v55 =	vperm.xlane v3, v0  }
0x1e5: {  	v2 =	vperm.xlane v2, v1;
	v3 =	vperm.xlane v3, v1  }
0x1e6: {  	v4 =	vsel vm0, v55, v54  }
0x1e7: {  	v2 =	vsel vm0, v3, v2;
	[tilespmem:s8+$0x860] =	vst v4  }
0x1e8: {  	[tilespmem:s8+$0x870] =	vst v2  }
0x1e9: {  	v2 =	vld [tilespmem:s0+$0xC0]  }
0x1ea: {  	v3 =	vld [tilespmem:s31+$0xC0];
	_ =	sdelay $0x3  }
0x1eb: {  	s9 =	sand.u32 $0x7, s14  }
0x1ec: {  	s8 =	sshll.u32 s9, $0x7;
	v56 =	vperm.xlane v2, v0;
	v57 =	vperm.xlane v3, v0  }
0x1ed: {  	s8 =	sadd.s32 s8, s29;
	v2 =	vperm.xlane v2, v1;
	v3 =	vperm.xlane v3, v1  }
0x1ee: {  	s10 =	sor.u32 $0xC00, s8;
	v4 =	vsel vm0, v57, v56  }
0x1ef: {  	v2 =	vsel vm0, v3, v2;
	[tilespmem:s10+$0x6000] =	vst v4;
	s10 =	sor.u32 $0xC10, s8  }
0x1f0: {  	[tilespmem:s10+$0x6000] =	vst v2  }
0x1f1: {  	v2 =	vld [tilespmem:s0+$0xD0]  }
0x1f2: {  	v3 =	vld [tilespmem:s31+$0xD0];
	_ =	sdelay $0x4  }
0x1f3: {  	v58 =	vperm.xlane v2, v0;
	v59 =	vperm.xlane v3, v0  }
0x1f4: {  	v2 =	vperm.xlane v2, v1;
	v3 =	vperm.xlane v3, v1  }
0x1f5: {  	s10 =	sor.u32 $0xC20, s8;
	v4 =	vsel vm0, v59, v58  }
0x1f6: {  	v2 =	vsel vm0, v3, v2;
	[tilespmem:s10+$0x6000] =	vst v4;
	s10 =	sor.u32 $0xC30, s8  }
0x1f7: {  	[tilespmem:s10+$0x6000] =	vst v2  }
0x1f8: {  	v2 =	vld [tilespmem:s0+$0xE0]  }
0x1f9: {  	v3 =	vld [tilespmem:s31+$0xE0];
	_ =	sdelay $0x4  }
0x1fa: {  	v60 =	vperm.xlane v2, v0;
	v61 =	vperm.xlane v3, v0  }
0x1fb: {  	v2 =	vperm.xlane v2, v1;
	v3 =	vperm.xlane v3, v1  }
0x1fc: {  	s10 =	sor.u32 $0xC40, s8;
	v4 =	vsel vm0, v61, v60  }
0x1fd: {  	v2 =	vsel vm0, v3, v2;
	[tilespmem:s10+$0x6000] =	vst v4;
	s10 =	sor.u32 $0xC50, s8  }
0x1fe: {  	[tilespmem:s10+$0x6000] =	vst v2  }
0x1ff: {  	v2 =	vld [tilespmem:s0+$0xF0]  }
0x200: {  	v3 =	vld [tilespmem:s31+$0xF0];
	_ =	sdelay $0x3  }
0x201: {  	p0 =	sne.s32 s7, $0x780  }
.Ltmp3:
0x202: {  	v62 =	vperm.xlane v2, v0;
	v63 =	vperm.xlane v3, v0;
	(pc) =	sbr.rel @p0 .LBB2_5-.Ltmp3, $4  }
0x203: {  	v2 =	vperm.xlane v2, v1;
	v3 =	vperm.xlane v3, v1  }
0x204: {  	s30 =	sadd.s32 $0x1, s30;
	s4 =	sadd.s32 $0x400, s4;
	s10 =	sor.u32 $0xC60, s8;
	v4 =	vsel vm0, v63, v62  }
0x205: {  	s7 =	sadd.s32 $0x100, s7;
	s14 =	sadd.s32 $0x2, s14;
	s8 =	sor.u32 $0xC70, s8;
	v2 =	vsel vm0, v3, v2;
	[tilespmem:s10+$0x6000] =	vst v4  }
0x206: {  	s29 =	sadd.s32 $0x400, s29;
	s31 =	sadd.s32 $0x200, s31;
	s0 =	sadd.s32 $0x200, s0;
	[tilespmem:s8+$0x6000] =	vst v2  }
.Ltmp4:
0x207: {  	(pc) =	sbr.rel @p1 .LBB2_8-.Ltmp4, $4  }
0x208: {  	s0 =	sadd.s32 s28, s3  }
0x209: {  	s0 =	sadd.s32 s26, s0  }
0x20a: {  	s0 =	sadd.s32 $0x400, s0  }
0x20b: {  	[hbm4b:s0+s5] =	stream.linear.scatter [tilespmem:s20], [sflag:$0x4], $0x2000, $0x38;
	[tilespmem:$0x8000] =	vst v63  }
0x20c: {  	s0 =	sadd.s32 $0x3, s25  }
0x20d: {  	s4 =	sshrl.u32 s0, $0x5  }
0x20e: {  	s4 =	sadd.s32 s6, s4  }
0x20f: {  	s0 =	sshll.u32 s0, $0xC;
	s7 =	sshll.u32 s4, $0xE  }
0x210: {  	s0 =	sand.u32 $0x1F000, s0;
	s4 =	sshll.u32 s4, $0x4;
	s7 =	sand.u32 $0xFFE0000, s7  }
0x211: {  	s4 =	sand.u32 $0x70, s4;
	s0 =	sor.u32 s0, s7  }
.Ltmp5:
0x212: {  	s0 =	sor.u32 s4, s0;
	(pc) =	sbr.rel .LBB2_2-.Ltmp5, $4  }
0x213: {  	s4 =	sadd.s32 s1, s0  }
0x214: {  	[tilespmem:s15], [sflag:$0x2] =	stream.strided.gather [hbm4b:s4+s12], $0x1000, s13, s12, $0x38;
	[tilespmem:$0x8000] =	vst v63  }
0x215: {  	s24 =	sadd.s32 $0x1, s24;
	s0 =	sadd.s32 s2, s0  }
0x216: {  	[tilespmem:s16], [sflag:$0x2] =	stream.strided.gather [hbm4b:s0+s12], $0x1000, s13, s12, $0x38;
	[tilespmem:$0x8000] =	vst v63  }
.LBB2_9:
0x217: {  	_ =	sfence.sel $0x180000  }
0x218: {  	[bflag:$0x0] =	sbarrier.arrive $0xFFFF  }
0x219: {  	_ =	strace $0x90000047  }
0x21a: {  	s0 =	stileid.u32;
	[bflag:$0x2] =	sbarrier.arrive $0xFFFF  }
0x21b: {  	p0 =	sne.s32 s0, $0x0;
	s0 =	rddreg [dreg:$0x3]  }
0x21c: {  	s0 =	sadd.s32 @!p0 $0x100000, s0  }
0x21d: {  	[sflag:s0] =	ssyncadd.tile.s32 @!p0 $0x1;
	_ =	shalt  }
.Lfunc_end2:
_tile_overlayer_lowered:
.L_overlay_start_2:
0x21e: {  	(tag) =	ssettag $0x2  }
0x21f: {  	s0 =	rddreg [dreg:$0x0];
	s2 =	stileid.u32  }
0x220: {  	s1 =	rddreg [dreg:$0x1];
	p0 =	sne.s32 s2, $0x0  }
0x221: {  	s3 =	rddreg [dreg:$0x2];
	[bflag:$0x3] =	sbarrier.arrive $0xFFFF;
	s2 =	simm.s32 @!p0 $0x1C05  }
0x222: {  	[timem:s3], [sflag:s2] =	dma.local @!p0 [hbm:s0], s1  }
0x223: {  	s0 =	simm.s32 @!p0 $0x5  }
0x224: {  	_ =	swait.ge @!p0 [sflag:s0], s1  }
0x225: {  	s1 =	ssub.s32 @!p0 $0x0, s1;
	[sflag:s0] =	ssyncset.done @!p0 $0x0  }
0x226: {  	[sflag:s0] =	ssyncadd.s32 @!p0 s1  }
0x227: {  	[bflag:$0x3] =	sbarrier.arrive $0xFFFF  }
0x228: {  	_ =	shalt  }

</sc_bundles>
